<compile_context>
chip_gen: v7x
topology: tpu7x:2x2x1
jax: 0.10.2.dev20260603
libtpu: 0.0.44.dev20260713+nightly
codegen_flags: <defaults>
</compile_context>

<pallas_src>
import functools

import jax
import jax.numpy as jnp
from jax import lax
from jax.experimental import pallas as pl
from jax.experimental.pallas import tpu as pltpu
from jax.experimental.pallas import tpu_sc as plsc

_G = 1024
_N1, _E1 = 100000, 6400000
_N2, _E2 = 50000, 1600000
_P1 = 100352
_P2 = 50176
_NTILES = 32
_ECHUNK = 512
_NBUF = 4


def _prep_body(x_ref, b_ref, w1a_ref, w1bt_ref, w2a_ref, w2bt_ref,
               packed_ref, z_ref):
    a1 = w1a_ref[...]
    p1 = a1 * w1bt_ref[...]
    cp1 = jnp.sum(jnp.where(a1 > 0, p1, 0.0))
    cn1 = jnp.sum(jnp.where(a1 < 0, p1, 0.0))
    a2 = w2a_ref[...]
    p2 = a2 * w2bt_ref[...]
    cp2 = jnp.sum(jnp.where(a2 > 0, p2, 0.0))
    cn2 = jnp.sum(jnp.where(a2 < 0, p2, 0.0))
    x = x_ref[...]
    xp = jnp.maximum(x, 0.0)
    xn = jnp.minimum(x, 0.0)
    y = cp1 * xp + cn1 * xn
    z_ref[...] = cp2 * xp + cn2 * xn
    u = lax.bitcast_convert_type(y, jnp.int32)
    u = (u + 0x800) & jnp.int32(-4096)
    packed_ref[...] = u | b_ref[...]


def _prep(x2d, b2d, w1a, w1bt, w2a, w2bt):
    rows = x2d.shape[0]
    return pl.pallas_call(
        _prep_body,
        out_shape=(
            jax.ShapeDtypeStruct((rows, 128), jnp.int32),
            jax.ShapeDtypeStruct((rows, 128), jnp.float32),
        ),
    )(x2d, b2d, w1a, w1bt, w2a, w2bt)


def _reduce_body(part_ref, out_ref):
    out_ref[...] = jnp.sum(part_ref[...], axis=0, keepdims=True)


def _reduce(part):
    return pl.pallas_call(
        _reduce_body,
        out_shape=jax.ShapeDtypeStruct((1, 2 * _G), jnp.float32),
    )(part)


@functools.partial(
    pl.kernel,
    out_type=jax.ShapeDtypeStruct((_NTILES, 2 * _G), jnp.float32),
    mesh=plsc.VectorSubcoreMesh(core_axis_name="c", subcore_axis_name="s"),
    compiler_params=pltpu.CompilerParams(needs_layout_passes=False),
    scratch_types=[
        pltpu.VMEM((_N1,), jnp.int32),
        pltpu.VMEM((2, _ECHUNK), jnp.int32),
        pltpu.VMEM((2, _ECHUNK), jnp.int32),
        pltpu.VMEM((2, _ECHUNK), jnp.int32),
        pltpu.VMEM((2, _ECHUNK), jnp.int32),
        pltpu.VMEM((_P1 // _NTILES,), jnp.float32),
        pltpu.VMEM((_P1 // _NTILES,), jnp.int32),
        pltpu.VMEM((16 * _G,), jnp.float32),
        pltpu.SemaphoreType.DMA,
        pltpu.SemaphoreType.DMA,
        pltpu.SemaphoreType.DMA,
        pltpu.SemaphoreType.DMA,
        pltpu.SemaphoreType.DMA,
    ],
)
def _sc_main(packed_in, packed_out, ei_in, ei_out, z_in, b_in, z_out, b_out,
             part_hbm, table, ebuf0, ebuf1, ebuf2, ebuf3, zbuf, bbuf, bins,
             tsem, esem0, esem1, esem2, esem3):
    wid = lax.axis_index("s") * 2 + lax.axis_index("c")
    hi_mask = jnp.full((16,), -4096, jnp.int32)
    lo_mask = jnp.full((16,), 4095, jnp.int32)
    lane_off = lax.iota(jnp.int32, 16) * _G

    def zero_bins():
        def body(i, _):
            bins[pl.ds(i * 16, 16)] = jnp.zeros((16,), jnp.float32)
            return 0

        lax.fori_loop(0, (16 * _G) // 16, body, 0)

    def node_pass(z_hbm, b_hbm, nn):
        pltpu.sync_copy(z_hbm.at[pl.ds(wid * nn, nn)], zbuf.at[pl.ds(0, nn)])
        pltpu.sync_copy(b_hbm.at[pl.ds(wid * nn, nn)], bbuf.at[pl.ds(0, nn)])

        def body(j, _):
            zv = zbuf[pl.ds(j * 16, 16)]
            bv = bbuf[pl.ds(j * 16, 16)] + lane_off
            plsc.addupdate_scatter(bins, [bv], zv)
            return 0

        lax.fori_loop(0, nn // 16, body, 0)

    ebuf = (ebuf0, ebuf1, ebuf2, ebuf3)
    esem = (esem0, esem1, esem2, esem3)

    def edge_pass(ei_hbm, nedges):
        total_chunks = nedges // _ECHUNK
        ntc = (total_chunks - wid + _NTILES - 1) // _NTILES

        def issue(i, slot):
            col = (i * _NTILES + wid) * _ECHUNK
            pltpu.async_copy(ei_hbm.at[:, pl.ds(col, _ECHUNK)], ebuf[slot],
                             esem[slot])

        def drain(slot):
            pltpu.make_async_copy(
                ei_hbm.at[:, pl.ds(0, _ECHUNK)], ebuf[slot], esem[slot]).wait()

        def compute(slot):
            buf = ebuf[slot]

            @plsc.parallel_loop(0, _ECHUNK // 16, unroll=16)
            def body(j):
                vs = buf[0, pl.ds(j * 16, 16)]
                vd = buf[1, pl.ds(j * 16, 16)]
                gs = plsc.load_gather(table, [vs])
                gd = plsc.load_gather(table, [vd])
                y = plsc.bitcast(gs & hi_mask, jnp.float32)
                bd = (gd & lo_mask) + lane_off
                plsc.addupdate_scatter(bins, [bd], y)

        for s in range(_NBUF):
            issue(s, s)

        def group(g, _):
            for s in range(_NBUF):
                k = g * _NBUF + s

                @pl.when(k < ntc)
                def _():
                    drain(s)
                    compute(s)

                    @pl.when(k + _NBUF < ntc)
                    def _():
                        issue(k + _NBUF, s)

            return 0

        lax.fori_loop(0, (ntc + _NBUF - 1) // _NBUF, group, 0)

    def fold_and_dump(col):
        def fold(j, _):
            v = bins[pl.ds(j * 16, 16)]
            for l in range(1, 16):
                v = v + bins[pl.ds(l * _G + j * 16, 16)]
            bins[pl.ds(j * 16, 16)] = v
            return 0

        lax.fori_loop(0, _G // 16, fold, 0)
        pltpu.sync_copy(bins.at[pl.ds(0, _G)], part_hbm.at[wid, pl.ds(col, _G)])

    tdma = pltpu.async_copy(packed_in.at[pl.ds(0, _N1)], table, tsem)
    zero_bins()
    node_pass(z_in, b_in, _P1 // _NTILES)
    tdma.wait()
    edge_pass(ei_in, _E1)
    tdma2 = pltpu.async_copy(packed_out.at[pl.ds(0, _N2)], table.at[pl.ds(0, _N2)], tsem)
    fold_and_dump(0)

    zero_bins()
    node_pass(z_out, b_out, _P2 // _NTILES)
    tdma2.wait()
    edge_pass(ei_out, _E2)
    fold_and_dump(_G)


def kernel(x_in, edge_index_in, batch_in, x_out, edge_index_out, batch_out,
           W1a, W1b, W2a, W2b):
    xi = jnp.pad(x_in[:, 0], (0, _P1 - _N1)).reshape(-1, 128)
    bi = jnp.pad(batch_in, (0, _P1 - _N1))
    xo = jnp.pad(x_out[:, 0], (0, _P2 - _N2)).reshape(-1, 128)
    bo = jnp.pad(batch_out, (0, _P2 - _N2))
    w1bt = W1b.reshape(1, 128)
    w2bt = W2b.reshape(1, 128)

    packed_in, z_in = _prep(xi, bi.reshape(-1, 128), W1a, w1bt, W2a, w2bt)
    packed_out, z_out = _prep(xo, bo.reshape(-1, 128), W1a, w1bt, W2a, w2bt)

    part = _sc_main(
        packed_in.reshape(-1), packed_out.reshape(-1),
        edge_index_in, edge_index_out,
        z_in.reshape(-1), bi, z_out.reshape(-1), bo,
    )
    total = _reduce(part)[0]
    return (total[:_G].reshape(_G, 1), total[_G:].reshape(_G, 1))

# --- scband reference (transcript-rebuilt; emitter-appended) ---
"""Pipeline reference for scband-wssuper-modular-model-12214886990621 (READ-ONLY COPY).

The authoritative reference and input builder live on the scoring server;
editing this copy changes nothing except your own understanding.
"""

import jax, jax.numpy as jnp
import numpy as np

NUM_GRAPHS = 1024
HIDDEN = 128

def _mlp(x, Wa, Wb):
    # Linear(1, H, bias=False) -> ReLU -> Linear(H, 1, bias=False)
    return jnp.maximum(x @ Wa, 0.0) @ Wb

def _gnn(x, edge_index, batch, W1a, W1b, W2a, W2b):
    src = edge_index[0]
    dst = edge_index[1]
    # message: nn1(x_j) gathered from source nodes
    msg = _mlp(x[src], W1a, W1b)
    # aggregate (aggr='add') at destination nodes
    agg = jax.ops.segment_sum(msg, dst, num_segments=x.shape[0])
    # out = nn2(x) + propagate(...)
    out = _mlp(x, W2a, W2b) + agg
    # readout: scatter-add over connected-component batch ids
    return jax.ops.segment_sum(out, batch, num_segments=NUM_GRAPHS)

def setup_inputs(seed: int = 0) -> dict:
    key = jax.random.key(seed)
    ks = jax.random.split(key, 10)
    N1, E1 = 100000, 6400000
    N2, E2 = 50000, 1600000
    x_in = jax.random.normal(ks[0], (N1, 1), dtype=jnp.float32)
    edge_index_in = jax.random.randint(ks[1], (2, E1), 0, N1, dtype=jnp.int32)
    batch_in = jnp.sort(jax.random.randint(ks[2], (N1,), 0, NUM_GRAPHS, dtype=jnp.int32))
    x_out = jax.random.normal(ks[3], (N2, 1), dtype=jnp.float32)
    edge_index_out = jax.random.randint(ks[4], (2, E2), 0, N2, dtype=jnp.int32)
    batch_out = jnp.sort(jax.random.randint(ks[5], (N2,), 0, NUM_GRAPHS, dtype=jnp.int32))
    # shared nn1 / nn2 parameters (no bias)
    W1a = jax.random.normal(ks[6], (1, HIDDEN), dtype=jnp.float32) * 0.5
    W1b = jax.random.normal(ks[7], (HIDDEN, 1), dtype=jnp.float32) * (1.0 / np.sqrt(HIDDEN))
    W2a = jax.random.normal(ks[8], (1, HIDDEN), dtype=jnp.float32) * 0.5
    W2b = jax.random.normal(ks[9], (HIDDEN, 1), dtype=jnp.float32) * (1.0 / np.sqrt(HIDDEN))
    return {"x_in": x_in, "edge_index_in": edge_index_in, "batch_in": batch_in,
            "x_out": x_out, "edge_index_out": edge_index_out, "batch_out": batch_out,
            "W1a": W1a, "W1b": W1b, "W2a": W2a, "W2b": W2b}

def reference(x_in, edge_index_in, batch_in, x_out, edge_index_out, batch_out, W1a, W1b, W2a, W2b):
    anomaly_scores_inside = _gnn(x_in, edge_index_in, batch_in, W1a, W1b, W2a, W2b)
    anomaly_scores_outside = _gnn(x_out, edge_index_out, batch_out, W1a, W1b, W2a, W2b)
    return (anomaly_scores_inside, anomaly_scores_outside)

if __name__ == "__main__":
    import jax
    _d = setup_inputs()
    print(jax.jit(kernel)(*tuple(_d.values())))

</pallas_src>

<mosaic_0001>
#map = affine_map<(d0, d1) -> (0)>
#map1 = affine_map<(d0, d1) -> (0, 0)>
module attributes {stable_mosaic.version = 14 : i64} {
  func.func @_sc_main(%arg0: i32, %arg1: i32, %arg2: memref<100352xi32, #tpu.memory_space<hbm>>, %arg3: memref<50176xi32, #tpu.memory_space<hbm>>, %arg4: memref<2x6400000xi32, #tpu.memory_space<hbm>>, %arg5: memref<2x1600000xi32, #tpu.memory_space<hbm>>, %arg6: memref<100352xf32, #tpu.memory_space<hbm>>, %arg7: memref<100352xi32, #tpu.memory_space<hbm>>, %arg8: memref<50176xf32, #tpu.memory_space<hbm>>, %arg9: memref<50176xi32, #tpu.memory_space<hbm>>, %arg10: memref<32x2048xf32, #tpu.memory_space<hbm>>, %arg11: memref<100000xi32, #tpu.memory_space<vmem>>, %arg12: memref<2x512xi32, #tpu.memory_space<vmem>>, %arg13: memref<2x512xi32, #tpu.memory_space<vmem>>, %arg14: memref<2x512xi32, #tpu.memory_space<vmem>>, %arg15: memref<2x512xi32, #tpu.memory_space<vmem>>, %arg16: memref<3136xf32, #tpu.memory_space<vmem>>, %arg17: memref<3136xi32, #tpu.memory_space<vmem>>, %arg18: memref<16384xf32, #tpu.memory_space<vmem>>, %arg19: memref<!tpu.dma_semaphore, #tpu.memory_space<semaphore_mem>>, %arg20: memref<!tpu.dma_semaphore, #tpu.memory_space<semaphore_mem>>, %arg21: memref<!tpu.dma_semaphore, #tpu.memory_space<semaphore_mem>>, %arg22: memref<!tpu.dma_semaphore, #tpu.memory_space<semaphore_mem>>, %arg23: memref<!tpu.dma_semaphore, #tpu.memory_space<semaphore_mem>>) attributes {dimension_semantics = [#tpu.dimension_semantics<core_parallel>, #tpu.dimension_semantics<subcore_parallel>], iteration_bounds = array<i64: 2, 16>, scalar_prefetch = 0 : i64, scratch_operands = 13 : i64, tpu.core_type = #tpu.core_type<sc_vector_subcore>, window_params = [{transform_indices = #map}, {transform_indices = #map}, {transform_indices = #map1}, {transform_indices = #map1}, {transform_indices = #map}, {transform_indices = #map}, {transform_indices = #map}, {transform_indices = #map}, {transform_indices = #map1}]} {
    %mul3A = arith.constant 2 : i32
    %mul3A_0 = arith.muli %arg1, %mul3A : i32
    %add3A = arith.addi %mul3A_0, %arg0 : i32
    %broadcast_in_dim3A = arith.constant -4096 : i32
    %broadcast_in_dim3A_1 = vector.broadcast %broadcast_in_dim3A : i32 to vector<16xi32>
    %broadcast_in_dim3A_2 = arith.constant 4095 : i32
    %broadcast_in_dim3A_3 = vector.broadcast %broadcast_in_dim3A_2 : i32 to vector<16xi32>
    %iota3A = tpu.iota {dimensions = array<i32: 0>} : vector<16xi32>
    %mul3A_4 = arith.constant 1024 : i32
    %mul3A_5 = vector.broadcast %mul3A_4 : i32 to vector<16xi32>
    %mul3A_6 = arith.muli %iota3A, %mul3A_5 : vector<16xi32>
    %dma_start3A = arith.constant 0 : i32
    %dma_start3A_7 = tpu.memref_slice %arg2[%dma_start3A] : memref<100352xi32, #tpu.memory_space<hbm>> -> memref<100000xi32, #tpu.memory_space<hbm>>
    %dma_start3A_8 = arith.constant 0 : i32
    %dma_start3A_9 = tpu.memref_slice %arg2[%dma_start3A_8] : memref<100352xi32, #tpu.memory_space<hbm>> -> memref<100000xi32, #tpu.memory_space<hbm>>
    tpu.enqueue_dma source(%dma_start3A_9 : memref<100000xi32, #tpu.memory_space<hbm>>) target(%arg11 : memref<100000xi32, #tpu.memory_space<vmem>>) target_semaphore(%arg19 : memref<!tpu.dma_semaphore, #tpu.memory_space<semaphore_mem>>)
    %scan3A = arith.constant 0 : i32
    %scan3A_10 = arith.constant 0 : i32
    %scan3A_11 = arith.constant 1024 : i32
    %scan3A_12 = arith.addi %scan3A_10, %scan3A_11 : i32
    %scan3A_13 = arith.constant 1 : i32
    %scan3A_14 = scf.for %scan3A_273 = %scan3A_10 to %scan3A_12 step %scan3A_13 iter_args(%scan3A_274 = %scan3A) -> (i32)  : i32 {
      %broadcast_in_dim3A_275 = arith.constant 0.000000e+00 : f32
      %broadcast_in_dim3A_276 = vector.broadcast %broadcast_in_dim3A_275 : f32 to vector<16xf32>
      %mul3A_277 = arith.constant 16 : i32
      %mul3A_278 = arith.muli %scan3A_273, %mul3A_277 : i32
      %swap3A = arith.index_cast %mul3A_278 : i32 to index
      %swap3A_279 = tpu.vector_load %arg18[%swap3A] {strides = array<i32>} : memref<16384xf32, #tpu.memory_space<vmem>>, vector<16xf32>,
      tpu.vector_store %arg18[%swap3A], %broadcast_in_dim3A_276 {strides = array<i32>} : memref<16384xf32, #tpu.memory_space<vmem>>, vector<16xf32>,
      %scan3A_280 = arith.constant 0 : i32
      scf.yield %scan3A_280 : i32
    }
    %scan3A_15 = arith.constant 1024 : i32
    %mul3A_16 = arith.constant 3136 : i32
    %mul3A_17 = arith.muli %add3A, %mul3A_16 : i32
    "tpu.region"() ({
      %run_scoped3A = tpu.sem_alloc : memref<!tpu.dma_semaphore, #tpu.memory_space<semaphore_mem>>
      %dma_start3A_273 = arith.constant 0 : i32
      %dma_start3A_274 = tpu.memref_slice %arg16[%dma_start3A_273] : memref<3136xf32, #tpu.memory_space<vmem>> -> memref<3136xf32, #tpu.memory_space<vmem>>
      %dma_start3A_275 = tpu.memref_slice %arg6[%mul3A_17] : memref<100352xf32, #tpu.memory_space<hbm>> -> memref<3136xf32, #tpu.memory_space<hbm>>
      %dma_start3A_276 = arith.constant 0 : i32
      %dma_start3A_277 = tpu.memref_slice %arg16[%dma_start3A_276] : memref<3136xf32, #tpu.memory_space<vmem>> -> memref<3136xf32, #tpu.memory_space<vmem>>
      %dma_start3A_278 = tpu.memref_slice %arg6[%mul3A_17] : memref<100352xf32, #tpu.memory_space<hbm>> -> memref<3136xf32, #tpu.memory_space<hbm>>
      tpu.enqueue_dma source(%dma_start3A_278 : memref<3136xf32, #tpu.memory_space<hbm>>) target(%dma_start3A_277 : memref<3136xf32, #tpu.memory_space<vmem>>) target_semaphore(%run_scoped3A : memref<!tpu.dma_semaphore, #tpu.memory_space<semaphore_mem>>)
      %dma_wait3A_279 = arith.constant 0 : i32
      %dma_wait3A_280 = tpu.memref_slice %arg16[%dma_wait3A_279] : memref<3136xf32, #tpu.memory_space<vmem>> -> memref<3136xf32, #tpu.memory_space<vmem>>
      %dma_wait3A_281 = tpu.memref_slice %arg6[%mul3A_17] : memref<100352xf32, #tpu.memory_space<hbm>> -> memref<3136xf32, #tpu.memory_space<hbm>>
      %dma_wait3A_282 = arith.constant 0 : i32
      %dma_wait3A_283 = tpu.memref_slice %arg16[%dma_wait3A_282] : memref<3136xf32, #tpu.memory_space<vmem>> -> memref<3136xf32, #tpu.memory_space<vmem>>
      %dma_wait3A_284 = tpu.memref_slice %arg6[%mul3A_17] : memref<100352xf32, #tpu.memory_space<hbm>> -> memref<3136xf32, #tpu.memory_space<hbm>>
      tpu.wait_dma2 semaphore(%run_scoped3A : memref<!tpu.dma_semaphore, #tpu.memory_space<semaphore_mem>>) src(%dma_wait3A_284 : memref<3136xf32, #tpu.memory_space<hbm>>) dst(%dma_wait3A_283 : memref<3136xf32, #tpu.memory_space<vmem>>)
      tpu.yield
    }) : () -> ()
    %mul3A_18 = arith.constant 3136 : i32
    %mul3A_19 = arith.muli %add3A, %mul3A_18 : i32
    "tpu.region"() ({
      %run_scoped3A = tpu.sem_alloc : memref<!tpu.dma_semaphore, #tpu.memory_space<semaphore_mem>>
      %dma_start3A_273 = arith.constant 0 : i32
      %dma_start3A_274 = tpu.memref_slice %arg17[%dma_start3A_273] : memref<3136xi32, #tpu.memory_space<vmem>> -> memref<3136xi32, #tpu.memory_space<vmem>>
      %dma_start3A_275 = tpu.memref_slice %arg7[%mul3A_19] : memref<100352xi32, #tpu.memory_space<hbm>> -> memref<3136xi32, #tpu.memory_space<hbm>>
      %dma_start3A_276 = arith.constant 0 : i32
      %dma_start3A_277 = tpu.memref_slice %arg17[%dma_start3A_276] : memref<3136xi32, #tpu.memory_space<vmem>> -> memref<3136xi32, #tpu.memory_space<vmem>>
      %dma_start3A_278 = tpu.memref_slice %arg7[%mul3A_19] : memref<100352xi32, #tpu.memory_space<hbm>> -> memref<3136xi32, #tpu.memory_space<hbm>>
      tpu.enqueue_dma source(%dma_start3A_278 : memref<3136xi32, #tpu.memory_space<hbm>>) target(%dma_start3A_277 : memref<3136xi32, #tpu.memory_space<vmem>>) target_semaphore(%run_scoped3A : memref<!tpu.dma_semaphore, #tpu.memory_space<semaphore_mem>>)
      %dma_wait3A_279 = arith.constant 0 : i32
      %dma_wait3A_280 = tpu.memref_slice %arg17[%dma_wait3A_279] : memref<3136xi32, #tpu.memory_space<vmem>> -> memref<3136xi32, #tpu.memory_space<vmem>>
      %dma_wait3A_281 = tpu.memref_slice %arg7[%mul3A_19] : memref<100352xi32, #tpu.memory_space<hbm>> -> memref<3136xi32, #tpu.memory_space<hbm>>
      %dma_wait3A_282 = arith.constant 0 : i32
      %dma_wait3A_283 = tpu.memref_slice %arg17[%dma_wait3A_282] : memref<3136xi32, #tpu.memory_space<vmem>> -> memref<3136xi32, #tpu.memory_space<vmem>>
      %dma_wait3A_284 = tpu.memref_slice %arg7[%mul3A_19] : memref<100352xi32, #tpu.memory_space<hbm>> -> memref<3136xi32, #tpu.memory_space<hbm>>
      tpu.wait_dma2 semaphore(%run_scoped3A : memref<!tpu.dma_semaphore, #tpu.memory_space<semaphore_mem>>) src(%dma_wait3A_284 : memref<3136xi32, #tpu.memory_space<hbm>>) dst(%dma_wait3A_283 : memref<3136xi32, #tpu.memory_space<vmem>>)
      tpu.yield
    }) : () -> ()
    %scan3A_20 = arith.constant 0 : i32
    %scan3A_21 = arith.constant 0 : i32
    %scan3A_22 = arith.constant 196 : i32
    %scan3A_23 = arith.addi %scan3A_21, %scan3A_22 : i32
    %scan3A_24 = arith.constant 1 : i32
    %scan3A_25 = scf.for %scan3A_273 = %scan3A_21 to %scan3A_23 step %scan3A_24 iter_args(%scan3A_274 = %scan3A_20) -> (i32)  : i32 {
      %mul3A_275 = arith.constant 16 : i32
      %mul3A_276 = arith.muli %scan3A_273, %mul3A_275 : i32
      %get3A = arith.index_cast %mul3A_276 : i32 to index
      %get3A_277 = tpu.vector_load %arg16[%get3A] {strides = array<i32>} : memref<3136xf32, #tpu.memory_space<vmem>>, vector<16xf32>,
      %mul3A_278 = arith.constant 16 : i32
      %mul3A_279 = arith.muli %scan3A_273, %mul3A_278 : i32
      %get3A_280 = arith.index_cast %mul3A_279 : i32 to index
      %get3A_281 = tpu.vector_load %arg17[%get3A_280] {strides = array<i32>} : memref<3136xi32, #tpu.memory_space<vmem>>, vector<16xi32>,
      %add3A_282 = arith.addi %get3A_281, %mul3A_6 : vector<16xi32>
      tpu.vector_store_idx %arg18[%add3A_282], %get3A_277 {add = true} : memref<16384xf32, #tpu.memory_space<vmem>>[vector<16xi32>], vector<16xf32>,
      %scan3A_283 = arith.constant 0 : i32
      scf.yield %scan3A_283 : i32
    }
    %scan3A_26 = arith.constant 196 : i32
    %dma_wait3A = arith.constant 0 : i32
    %dma_wait3A_27 = tpu.memref_slice %arg2[%dma_wait3A] : memref<100352xi32, #tpu.memory_space<hbm>> -> memref<100000xi32, #tpu.memory_space<hbm>>
    %dma_wait3A_28 = arith.constant 0 : i32
    %dma_wait3A_29 = tpu.memref_slice %arg2[%dma_wait3A_28] : memref<100352xi32, #tpu.memory_space<hbm>> -> memref<100000xi32, #tpu.memory_space<hbm>>
    tpu.wait_dma2 semaphore(%arg19 : memref<!tpu.dma_semaphore, #tpu.memory_space<semaphore_mem>>) src(%dma_wait3A_29 : memref<100000xi32, #tpu.memory_space<hbm>>) dst(%arg11 : memref<100000xi32, #tpu.memory_space<vmem>>)
    %sub3A = arith.constant 12500 : i32
    %sub3A_30 = arith.subi %sub3A, %add3A : i32
    %add3A_31 = arith.constant 32 : i32
    %add3A_32 = arith.addi %sub3A_30, %add3A_31 : i32
    %sub3A_33 = arith.constant 1 : i32
    %sub3A_34 = arith.subi %add3A_32, %sub3A_33 : i32
    %jit3A = arith.constant 32 : i32
    %div3A = arith.divsi %sub3A_34, %jit3A : i32
    %sign3A = arith.constant 0 : i32
    %sign3A_35 = arith.cmpi sgt, %sub3A_34, %sign3A : i32
    %sign3A_36 = arith.extui %sign3A_35 : i1 to i32
    %sign3A_37 = arith.constant 0 : i32
    %sign3A_38 = arith.cmpi slt, %sub3A_34, %sign3A_37 : i32
    %sign3A_39 = arith.extui %sign3A_38 : i1 to i32
    %sign3A_40 = arith.subi %sign3A_36, %sign3A_39 : i32
    %sign3A_41 = arith.constant 0 : i32
    %sign3A_42 = arith.cmpi sgt, %jit3A, %sign3A_41 : i32
    %sign3A_43 = arith.extui %sign3A_42 : i1 to i32
    %sign3A_44 = arith.constant 0 : i32
    %sign3A_45 = arith.cmpi slt, %jit3A, %sign3A_44 : i32
    %sign3A_46 = arith.extui %sign3A_45 : i1 to i32
    %sign3A_47 = arith.subi %sign3A_43, %sign3A_46 : i32
    %ne3A = arith.cmpi ne, %sign3A_40, %sign3A_47 : i32
    %rem3A = arith.remsi %sub3A_34, %jit3A : i32
    %ne3A_48 = arith.constant 0 : i32
    %ne3A_49 = arith.cmpi ne, %rem3A, %ne3A_48 : i32
    %and3A = arith.andi %ne3A, %ne3A_49 : i1
    %sub3A_50 = arith.constant 1 : i32
    %sub3A_51 = arith.subi %div3A, %sub3A_50 : i32
    %select_n3A = arith.select %and3A, %sub3A_51, %div3A : i32
    %add3A_52 = arith.constant 0 : i32
    %add3A_53 = arith.addi %add3A_52, %add3A : i32
    %mul3A_54 = arith.constant 512 : i32
    %mul3A_55 = arith.muli %add3A_53, %mul3A_54 : i32
    %dma_start3A_56 = arith.constant 0 : i32
    %dma_start3A_57 = tpu.memref_slice %arg4[%dma_start3A_56, %mul3A_55] : memref<2x6400000xi32, #tpu.memory_space<hbm>> -> memref<2x512xi32, #tpu.memory_space<hbm>>
    %dma_start3A_58 = arith.constant 0 : i32
    %dma_start3A_59 = tpu.memref_slice %arg4[%dma_start3A_58, %mul3A_55] : memref<2x6400000xi32, #tpu.memory_space<hbm>> -> memref<2x512xi32, #tpu.memory_space<hbm>>
    tpu.enqueue_dma source(%dma_start3A_59 : memref<2x512xi32, #tpu.memory_space<hbm>>) target(%arg12 : memref<2x512xi32, #tpu.memory_space<vmem>>) target_semaphore(%arg20 : memref<!tpu.dma_semaphore, #tpu.memory_space<semaphore_mem>>)
    %add3A_60 = arith.constant 32 : i32
    %add3A_61 = arith.addi %add3A_60, %add3A : i32
    %mul3A_62 = arith.constant 512 : i32
    %mul3A_63 = arith.muli %add3A_61, %mul3A_62 : i32
    %dma_start3A_64 = arith.constant 0 : i32
    %dma_start3A_65 = tpu.memref_slice %arg4[%dma_start3A_64, %mul3A_63] : memref<2x6400000xi32, #tpu.memory_space<hbm>> -> memref<2x512xi32, #tpu.memory_space<hbm>>
    %dma_start3A_66 = arith.constant 0 : i32
    %dma_start3A_67 = tpu.memref_slice %arg4[%dma_start3A_66, %mul3A_63] : memref<2x6400000xi32, #tpu.memory_space<hbm>> -> memref<2x512xi32, #tpu.memory_space<hbm>>
    tpu.enqueue_dma source(%dma_start3A_67 : memref<2x512xi32, #tpu.memory_space<hbm>>) target(%arg13 : memref<2x512xi32, #tpu.memory_space<vmem>>) target_semaphore(%arg21 : memref<!tpu.dma_semaphore, #tpu.memory_space<semaphore_mem>>)
    %add3A_68 = arith.constant 64 : i32
    %add3A_69 = arith.addi %add3A_68, %add3A : i32
    %mul3A_70 = arith.constant 512 : i32
    %mul3A_71 = arith.muli %add3A_69, %mul3A_70 : i32
    %dma_start3A_72 = arith.constant 0 : i32
    %dma_start3A_73 = tpu.memref_slice %arg4[%dma_start3A_72, %mul3A_71] : memref<2x6400000xi32, #tpu.memory_space<hbm>> -> memref<2x512xi32, #tpu.memory_space<hbm>>
    %dma_start3A_74 = arith.constant 0 : i32
    %dma_start3A_75 = tpu.memref_slice %arg4[%dma_start3A_74, %mul3A_71] : memref<2x6400000xi32, #tpu.memory_space<hbm>> -> memref<2x512xi32, #tpu.memory_space<hbm>>
    tpu.enqueue_dma source(%dma_start3A_75 : memref<2x512xi32, #tpu.memory_space<hbm>>) target(%arg14 : memref<2x512xi32, #tpu.memory_space<vmem>>) target_semaphore(%arg22 : memref<!tpu.dma_semaphore, #tpu.memory_space<semaphore_mem>>)
    %add3A_76 = arith.constant 96 : i32
    %add3A_77 = arith.addi %add3A_76, %add3A : i32
    %mul3A_78 = arith.constant 512 : i32
    %mul3A_79 = arith.muli %add3A_77, %mul3A_78 : i32
    %dma_start3A_80 = arith.constant 0 : i32
    %dma_start3A_81 = tpu.memref_slice %arg4[%dma_start3A_80, %mul3A_79] : memref<2x6400000xi32, #tpu.memory_space<hbm>> -> memref<2x512xi32, #tpu.memory_space<hbm>>
    %dma_start3A_82 = arith.constant 0 : i32
    %dma_start3A_83 = tpu.memref_slice %arg4[%dma_start3A_82, %mul3A_79] : memref<2x6400000xi32, #tpu.memory_space<hbm>> -> memref<2x512xi32, #tpu.memory_space<hbm>>
    tpu.enqueue_dma source(%dma_start3A_83 : memref<2x512xi32, #tpu.memory_space<hbm>>) target(%arg15 : memref<2x512xi32, #tpu.memory_space<vmem>>) target_semaphore(%arg23 : memref<!tpu.dma_semaphore, #tpu.memory_space<semaphore_mem>>)
    %add3A_84 = arith.constant 4 : i32
    %add3A_85 = arith.addi %select_n3A, %add3A_84 : i32
    %sub3A_86 = arith.constant 1 : i32
    %sub3A_87 = arith.subi %add3A_85, %sub3A_86 : i32
    %jit3A_88 = arith.constant 4 : i32
    %div3A_89 = arith.divsi %sub3A_87, %jit3A_88 : i32
    %sign3A_90 = arith.constant 0 : i32
    %sign3A_91 = arith.cmpi sgt, %sub3A_87, %sign3A_90 : i32
    %sign3A_92 = arith.extui %sign3A_91 : i1 to i32
    %sign3A_93 = arith.constant 0 : i32
    %sign3A_94 = arith.cmpi slt, %sub3A_87, %sign3A_93 : i32
    %sign3A_95 = arith.extui %sign3A_94 : i1 to i32
    %sign3A_96 = arith.subi %sign3A_92, %sign3A_95 : i32
    %sign3A_97 = arith.constant 0 : i32
    %sign3A_98 = arith.cmpi sgt, %jit3A_88, %sign3A_97 : i32
    %sign3A_99 = arith.extui %sign3A_98 : i1 to i32
    %sign3A_100 = arith.constant 0 : i32
    %sign3A_101 = arith.cmpi slt, %jit3A_88, %sign3A_100 : i32
    %sign3A_102 = arith.extui %sign3A_101 : i1 to i32
    %sign3A_103 = arith.subi %sign3A_99, %sign3A_102 : i32
    %ne3A_104 = arith.cmpi ne, %sign3A_96, %sign3A_103 : i32
    %rem3A_105 = arith.remsi %sub3A_87, %jit3A_88 : i32
    %ne3A_106 = arith.constant 0 : i32
    %ne3A_107 = arith.cmpi ne, %rem3A_105, %ne3A_106 : i32
    %and3A_108 = arith.andi %ne3A_104, %ne3A_107 : i1
    %sub3A_109 = arith.constant 1 : i32
    %sub3A_110 = arith.subi %div3A_89, %sub3A_109 : i32
    %select_n3A_111 = arith.select %and3A_108, %sub3A_110, %div3A_89 : i32
    %while3A = arith.constant 0 : i32
    %while3A_112 = arith.constant 0 : i32
    %while3A_113 = arith.subi %select_n3A_111, %while3A : i32
    %while3A_114 = arith.addi %while3A, %while3A_113 : i32
    %while3A_115 = arith.constant 1 : i32
    %while3A_116 = arith.divsi %while3A_113, %while3A_115 : i32
    %while3A_117 = arith.muli %while3A_116, %while3A_115 : i32
    %while3A_118 = arith.addi %while3A, %while3A_117 : i32
    %while3A_119 = arith.constant 1 : i32
    %while3A_120 = scf.for %while3A_273 = %while3A to %while3A_118 step %while3A_119 iter_args(%while3A_274 = %while3A_112) -> (i32)  : i32 {
      %mul3A_275 = arith.constant 4 : i32
      %mul3A_276 = arith.muli %while3A_273, %mul3A_275 : i32
      %add3A_277 = arith.constant 0 : i32
      %add3A_278 = arith.addi %mul3A_276, %add3A_277 : i32
      %lt3A = arith.cmpi slt, %add3A_278, %select_n3A : i32
      %convert_element_type3A = arith.extui %lt3A : i1 to i32
      %cond3A = arith.constant 0 : i32
      %cond3A_279 = arith.cmpi ne, %convert_element_type3A, %cond3A : i32
      scf.if %cond3A_279 {
        %dma_wait3A_305 = arith.constant 0 : i32
        %dma_wait3A_306 = arith.constant 0 : i32
        %dma_wait3A_307 = tpu.memref_slice %arg4[%dma_wait3A_305, %dma_wait3A_306] : memref<2x6400000xi32, #tpu.memory_space<hbm>> -> memref<2x512xi32, #tpu.memory_space<hbm>>
        %dma_wait3A_308 = arith.constant 0 : i32
        %dma_wait3A_309 = arith.constant 0 : i32
        %dma_wait3A_310 = tpu.memref_slice %arg4[%dma_wait3A_308, %dma_wait3A_309] : memref<2x6400000xi32, #tpu.memory_space<hbm>> -> memref<2x512xi32, #tpu.memory_space<hbm>>
        tpu.wait_dma2 semaphore(%arg20 : memref<!tpu.dma_semaphore, #tpu.memory_space<semaphore_mem>>) src(%dma_wait3A_310 : memref<2x512xi32, #tpu.memory_space<hbm>>) dst(%arg12 : memref<2x512xi32, #tpu.memory_space<vmem>>)
        %parallel_loop3A = arith.constant 0 : i32
        %parallel_loop3A_311 = arith.constant 32 : i32
        %parallel_loop3A_312 = arith.constant 1 : i32
        scf.for %parallel_loop3A_319 = %parallel_loop3A to %parallel_loop3A_311 step %parallel_loop3A_312  : i32 {
          %parallel_loop3A_320 = arith.constant 16 : i32
          %parallel_loop3A_321 = arith.muli %parallel_loop3A_319, %parallel_loop3A_320 : i32
          %parallel_loop3A_322 = arith.constant 0 : i32
          %parallel_loop3A_323 = arith.index_cast %parallel_loop3A_322 : i32 to index
          %parallel_loop3A_324 = arith.index_cast %parallel_loop3A_321 : i32 to index
          %parallel_loop3A_325 = tpu.vector_load %arg12[%parallel_loop3A_323, %parallel_loop3A_324] {strides = array<i32>} : memref<2x512xi32, #tpu.memory_space<vmem>>, vector<16xi32>,
          %parallel_loop3A_326 = arith.constant 16 : i32
          %parallel_loop3A_327 = arith.muli %parallel_loop3A_319, %parallel_loop3A_326 : i32
          %parallel_loop3A_328 = arith.constant 1 : i32
          %parallel_loop3A_329 = arith.index_cast %parallel_loop3A_328 : i32 to index
          %parallel_loop3A_330 = arith.index_cast %parallel_loop3A_327 : i32 to index
          %parallel_loop3A_331 = tpu.vector_load %arg12[%parallel_loop3A_329, %parallel_loop3A_330] {strides = array<i32>} : memref<2x512xi32, #tpu.memory_space<vmem>>, vector<16xi32>,
          %parallel_loop3A_332 = tpu.vector_load_idx %arg11[%parallel_loop3A_325] : memref<100000xi32, #tpu.memory_space<vmem>>[vector<16xi32>], vector<16xi32>,
          %parallel_loop3A_333 = tpu.vector_load_idx %arg11[%parallel_loop3A_331] : memref<100000xi32, #tpu.memory_space<vmem>>[vector<16xi32>], vector<16xi32>,
          %parallel_loop3A_334 = arith.andi %parallel_loop3A_332, %broadcast_in_dim3A_1 : vector<16xi32>
          %parallel_loop3A_335 = vector.bitcast %parallel_loop3A_334 : vector<16xi32> to vector<16xf32>
          %parallel_loop3A_336 = arith.andi %parallel_loop3A_333, %broadcast_in_dim3A_3 : vector<16xi32>
          %parallel_loop3A_337 = arith.addi %parallel_loop3A_336, %mul3A_6 : vector<16xi32>
          tpu.vector_store_idx %arg18[%parallel_loop3A_337], %parallel_loop3A_335 {add = true} : memref<16384xf32, #tpu.memory_space<vmem>>[vector<16xi32>], vector<16xf32>,
        } {sc.loop_unroll_factor = 16 : i64, sc.parallel_access}
        %add3A_313 = arith.constant 4 : i32
        %add3A_314 = arith.addi %add3A_278, %add3A_313 : i32
        %lt3A_315 = arith.cmpi slt, %add3A_314, %select_n3A : i32
        %convert_element_type3A_316 = arith.extui %lt3A_315 : i1 to i32
        %cond3A_317 = arith.constant 0 : i32
        %cond3A_318 = arith.cmpi ne, %convert_element_type3A_316, %cond3A_317 : i32
        scf.if %cond3A_318 {
          %add3A_319 = arith.constant 4 : i32
          %add3A_320 = arith.addi %add3A_278, %add3A_319 : i32
          %mul3A_321 = arith.constant 32 : i32
          %mul3A_322 = arith.muli %add3A_320, %mul3A_321 : i32
          %add3A_323 = arith.addi %mul3A_322, %add3A : i32
          %mul3A_324 = arith.constant 512 : i32
          %mul3A_325 = arith.muli %add3A_323, %mul3A_324 : i32
          %dma_start3A_326 = arith.constant 0 : i32
          %dma_start3A_327 = tpu.memref_slice %arg4[%dma_start3A_326, %mul3A_325] : memref<2x6400000xi32, #tpu.memory_space<hbm>> -> memref<2x512xi32, #tpu.memory_space<hbm>>
          %dma_start3A_328 = arith.constant 0 : i32
          %dma_start3A_329 = tpu.memref_slice %arg4[%dma_start3A_328, %mul3A_325] : memref<2x6400000xi32, #tpu.memory_space<hbm>> -> memref<2x512xi32, #tpu.memory_space<hbm>>
          tpu.enqueue_dma source(%dma_start3A_329 : memref<2x512xi32, #tpu.memory_space<hbm>>) target(%arg12 : memref<2x512xi32, #tpu.memory_space<vmem>>) target_semaphore(%arg20 : memref<!tpu.dma_semaphore, #tpu.memory_space<semaphore_mem>>)
        } else {
        }
      } else {
      }
      %mul3A_280 = arith.constant 4 : i32
      %mul3A_281 = arith.muli %while3A_273, %mul3A_280 : i32
      %add3A_282 = arith.constant 1 : i32
      %add3A_283 = arith.addi %mul3A_281, %add3A_282 : i32
      %lt3A_284 = arith.cmpi slt, %add3A_283, %select_n3A : i32
      %convert_element_type3A_285 = arith.extui %lt3A_284 : i1 to i32
      %cond3A_286 = arith.constant 0 : i32
      %cond3A_287 = arith.cmpi ne, %convert_element_type3A_285, %cond3A_286 : i32
      scf.if %cond3A_287 {
        %dma_wait3A_305 = arith.constant 0 : i32
        %dma_wait3A_306 = arith.constant 0 : i32
        %dma_wait3A_307 = tpu.memref_slice %arg4[%dma_wait3A_305, %dma_wait3A_306] : memref<2x6400000xi32, #tpu.memory_space<hbm>> -> memref<2x512xi32, #tpu.memory_space<hbm>>
        %dma_wait3A_308 = arith.constant 0 : i32
        %dma_wait3A_309 = arith.constant 0 : i32
        %dma_wait3A_310 = tpu.memref_slice %arg4[%dma_wait3A_308, %dma_wait3A_309] : memref<2x6400000xi32, #tpu.memory_space<hbm>> -> memref<2x512xi32, #tpu.memory_space<hbm>>
        tpu.wait_dma2 semaphore(%arg21 : memref<!tpu.dma_semaphore, #tpu.memory_space<semaphore_mem>>) src(%dma_wait3A_310 : memref<2x512xi32, #tpu.memory_space<hbm>>) dst(%arg13 : memref<2x512xi32, #tpu.memory_space<vmem>>)
        %parallel_loop3A = arith.constant 0 : i32
        %parallel_loop3A_311 = arith.constant 32 : i32
        %parallel_loop3A_312 = arith.constant 1 : i32
        scf.for %parallel_loop3A_319 = %parallel_loop3A to %parallel_loop3A_311 step %parallel_loop3A_312  : i32 {
          %parallel_loop3A_320 = arith.constant 16 : i32
          %parallel_loop3A_321 = arith.muli %parallel_loop3A_319, %parallel_loop3A_320 : i32
          %parallel_loop3A_322 = arith.constant 0 : i32
          %parallel_loop3A_323 = arith.index_cast %parallel_loop3A_322 : i32 to index
          %parallel_loop3A_324 = arith.index_cast %parallel_loop3A_321 : i32 to index
          %parallel_loop3A_325 = tpu.vector_load %arg13[%parallel_loop3A_323, %parallel_loop3A_324] {strides = array<i32>} : memref<2x512xi32, #tpu.memory_space<vmem>>, vector<16xi32>,
          %parallel_loop3A_326 = arith.constant 16 : i32
          %parallel_loop3A_327 = arith.muli %parallel_loop3A_319, %parallel_loop3A_326 : i32
          %parallel_loop3A_328 = arith.constant 1 : i32
          %parallel_loop3A_329 = arith.index_cast %parallel_loop3A_328 : i32 to index
          %parallel_loop3A_330 = arith.index_cast %parallel_loop3A_327 : i32 to index
          %parallel_loop3A_331 = tpu.vector_load %arg13[%parallel_loop3A_329, %parallel_loop3A_330] {strides = array<i32>} : memref<2x512xi32, #tpu.memory_space<vmem>>, vector<16xi32>,
          %parallel_loop3A_332 = tpu.vector_load_idx %arg11[%parallel_loop3A_325] : memref<100000xi32, #tpu.memory_space<vmem>>[vector<16xi32>], vector<16xi32>,
          %parallel_loop3A_333 = tpu.vector_load_idx %arg11[%parallel_loop3A_331] : memref<100000xi32, #tpu.memory_space<vmem>>[vector<16xi32>], vector<16xi32>,
          %parallel_loop3A_334 = arith.andi %parallel_loop3A_332, %broadcast_in_dim3A_1 : vector<16xi32>
          %parallel_loop3A_335 = vector.bitcast %parallel_loop3A_334 : vector<16xi32> to vector<16xf32>
          %parallel_loop3A_336 = arith.andi %parallel_loop3A_333, %broadcast_in_dim3A_3 : vector<16xi32>
          %parallel_loop3A_337 = arith.addi %parallel_loop3A_336, %mul3A_6 : vector<16xi32>
          tpu.vector_store_idx %arg18[%parallel_loop3A_337], %parallel_loop3A_335 {add = true} : memref<16384xf32, #tpu.memory_space<vmem>>[vector<16xi32>], vector<16xf32>,
        } {sc.loop_unroll_factor = 16 : i64, sc.parallel_access}
        %add3A_313 = arith.constant 4 : i32
        %add3A_314 = arith.addi %add3A_283, %add3A_313 : i32
        %lt3A_315 = arith.cmpi slt, %add3A_314, %select_n3A : i32
        %convert_element_type3A_316 = arith.extui %lt3A_315 : i1 to i32
        %cond3A_317 = arith.constant 0 : i32
        %cond3A_318 = arith.cmpi ne, %convert_element_type3A_316, %cond3A_317 : i32
        scf.if %cond3A_318 {
          %add3A_319 = arith.constant 4 : i32
          %add3A_320 = arith.addi %add3A_283, %add3A_319 : i32
          %mul3A_321 = arith.constant 32 : i32
          %mul3A_322 = arith.muli %add3A_320, %mul3A_321 : i32
          %add3A_323 = arith.addi %mul3A_322, %add3A : i32
          %mul3A_324 = arith.constant 512 : i32
          %mul3A_325 = arith.muli %add3A_323, %mul3A_324 : i32
          %dma_start3A_326 = arith.constant 0 : i32
          %dma_start3A_327 = tpu.memref_slice %arg4[%dma_start3A_326, %mul3A_325] : memref<2x6400000xi32, #tpu.memory_space<hbm>> -> memref<2x512xi32, #tpu.memory_space<hbm>>
          %dma_start3A_328 = arith.constant 0 : i32
          %dma_start3A_329 = tpu.memref_slice %arg4[%dma_start3A_328, %mul3A_325] : memref<2x6400000xi32, #tpu.memory_space<hbm>> -> memref<2x512xi32, #tpu.memory_space<hbm>>
          tpu.enqueue_dma source(%dma_start3A_329 : memref<2x512xi32, #tpu.memory_space<hbm>>) target(%arg13 : memref<2x512xi32, #tpu.memory_space<vmem>>) target_semaphore(%arg21 : memref<!tpu.dma_semaphore, #tpu.memory_space<semaphore_mem>>)
        } else {
        }
      } else {
      }
      %mul3A_288 = arith.constant 4 : i32
      %mul3A_289 = arith.muli %while3A_273, %mul3A_288 : i32
      %add3A_290 = arith.constant 2 : i32
      %add3A_291 = arith.addi %mul3A_289, %add3A_290 : i32
      %lt3A_292 = arith.cmpi slt, %add3A_291, %select_n3A : i32
      %convert_element_type3A_293 = arith.extui %lt3A_292 : i1 to i32
      %cond3A_294 = arith.constant 0 : i32
      %cond3A_295 = arith.cmpi ne, %convert_element_type3A_293, %cond3A_294 : i32
      scf.if %cond3A_295 {
        %dma_wait3A_305 = arith.constant 0 : i32
        %dma_wait3A_306 = arith.constant 0 : i32
        %dma_wait3A_307 = tpu.memref_slice %arg4[%dma_wait3A_305, %dma_wait3A_306] : memref<2x6400000xi32, #tpu.memory_space<hbm>> -> memref<2x512xi32, #tpu.memory_space<hbm>>
        %dma_wait3A_308 = arith.constant 0 : i32
        %dma_wait3A_309 = arith.constant 0 : i32
        %dma_wait3A_310 = tpu.memref_slice %arg4[%dma_wait3A_308, %dma_wait3A_309] : memref<2x6400000xi32, #tpu.memory_space<hbm>> -> memref<2x512xi32, #tpu.memory_space<hbm>>
        tpu.wait_dma2 semaphore(%arg22 : memref<!tpu.dma_semaphore, #tpu.memory_space<semaphore_mem>>) src(%dma_wait3A_310 : memref<2x512xi32, #tpu.memory_space<hbm>>) dst(%arg14 : memref<2x512xi32, #tpu.memory_space<vmem>>)
        %parallel_loop3A = arith.constant 0 : i32
        %parallel_loop3A_311 = arith.constant 32 : i32
        %parallel_loop3A_312 = arith.constant 1 : i32
        scf.for %parallel_loop3A_319 = %parallel_loop3A to %parallel_loop3A_311 step %parallel_loop3A_312  : i32 {
          %parallel_loop3A_320 = arith.constant 16 : i32
          %parallel_loop3A_321 = arith.muli %parallel_loop3A_319, %parallel_loop3A_320 : i32
          %parallel_loop3A_322 = arith.constant 0 : i32
          %parallel_loop3A_323 = arith.index_cast %parallel_loop3A_322 : i32 to index
          %parallel_loop3A_324 = arith.index_cast %parallel_loop3A_321 : i32 to index
          %parallel_loop3A_325 = tpu.vector_load %arg14[%parallel_loop3A_323, %parallel_loop3A_324] {strides = array<i32>} : memref<2x512xi32, #tpu.memory_space<vmem>>, vector<16xi32>,
          %parallel_loop3A_326 = arith.constant 16 : i32
          %parallel_loop3A_327 = arith.muli %parallel_loop3A_319, %parallel_loop3A_326 : i32
          %parallel_loop3A_328 = arith.constant 1 : i32
          %parallel_loop3A_329 = arith.index_cast %parallel_loop3A_328 : i32 to index
          %parallel_loop3A_330 = arith.index_cast %parallel_loop3A_327 : i32 to index
          %parallel_loop3A_331 = tpu.vector_load %arg14[%parallel_loop3A_329, %parallel_loop3A_330] {strides = array<i32>} : memref<2x512xi32, #tpu.memory_space<vmem>>, vector<16xi32>,
          %parallel_loop3A_332 = tpu.vector_load_idx %arg11[%parallel_loop3A_325] : memref<100000xi32, #tpu.memory_space<vmem>>[vector<16xi32>], vector<16xi32>,
          %parallel_loop3A_333 = tpu.vector_load_idx %arg11[%parallel_loop3A_331] : memref<100000xi32, #tpu.memory_space<vmem>>[vector<16xi32>], vector<16xi32>,
          %parallel_loop3A_334 = arith.andi %parallel_loop3A_332, %broadcast_in_dim3A_1 : vector<16xi32>
          %parallel_loop3A_335 = vector.bitcast %parallel_loop3A_334 : vector<16xi32> to vector<16xf32>
          %parallel_loop3A_336 = arith.andi %parallel_loop3A_333, %broadcast_in_dim3A_3 : vector<16xi32>
          %parallel_loop3A_337 = arith.addi %parallel_loop3A_336, %mul3A_6 : vector<16xi32>
          tpu.vector_store_idx %arg18[%parallel_loop3A_337], %parallel_loop3A_335 {add = true} : memref<16384xf32, #tpu.memory_space<vmem>>[vector<16xi32>], vector<16xf32>,
        } {sc.loop_unroll_factor = 16 : i64, sc.parallel_access}
        %add3A_313 = arith.constant 4 : i32
        %add3A_314 = arith.addi %add3A_291, %add3A_313 : i32
        %lt3A_315 = arith.cmpi slt, %add3A_314, %select_n3A : i32
        %convert_element_type3A_316 = arith.extui %lt3A_315 : i1 to i32
        %cond3A_317 = arith.constant 0 : i32
        %cond3A_318 = arith.cmpi ne, %convert_element_type3A_316, %cond3A_317 : i32
        scf.if %cond3A_318 {
          %add3A_319 = arith.constant 4 : i32
          %add3A_320 = arith.addi %add3A_291, %add3A_319 : i32
          %mul3A_321 = arith.constant 32 : i32
          %mul3A_322 = arith.muli %add3A_320, %mul3A_321 : i32
          %add3A_323 = arith.addi %mul3A_322, %add3A : i32
          %mul3A_324 = arith.constant 512 : i32
          %mul3A_325 = arith.muli %add3A_323, %mul3A_324 : i32
          %dma_start3A_326 = arith.constant 0 : i32
          %dma_start3A_327 = tpu.memref_slice %arg4[%dma_start3A_326, %mul3A_325] : memref<2x6400000xi32, #tpu.memory_space<hbm>> -> memref<2x512xi32, #tpu.memory_space<hbm>>
          %dma_start3A_328 = arith.constant 0 : i32
          %dma_start3A_329 = tpu.memref_slice %arg4[%dma_start3A_328, %mul3A_325] : memref<2x6400000xi32, #tpu.memory_space<hbm>> -> memref<2x512xi32, #tpu.memory_space<hbm>>
          tpu.enqueue_dma source(%dma_start3A_329 : memref<2x512xi32, #tpu.memory_space<hbm>>) target(%arg14 : memref<2x512xi32, #tpu.memory_space<vmem>>) target_semaphore(%arg22 : memref<!tpu.dma_semaphore, #tpu.memory_space<semaphore_mem>>)
        } else {
        }
      } else {
      }
      %mul3A_296 = arith.constant 4 : i32
      %mul3A_297 = arith.muli %while3A_273, %mul3A_296 : i32
      %add3A_298 = arith.constant 3 : i32
      %add3A_299 = arith.addi %mul3A_297, %add3A_298 : i32
      %lt3A_300 = arith.cmpi slt, %add3A_299, %select_n3A : i32
      %convert_element_type3A_301 = arith.extui %lt3A_300 : i1 to i32
      %cond3A_302 = arith.constant 0 : i32
      %cond3A_303 = arith.cmpi ne, %convert_element_type3A_301, %cond3A_302 : i32
      scf.if %cond3A_303 {
        %dma_wait3A_305 = arith.constant 0 : i32
        %dma_wait3A_306 = arith.constant 0 : i32
        %dma_wait3A_307 = tpu.memref_slice %arg4[%dma_wait3A_305, %dma_wait3A_306] : memref<2x6400000xi32, #tpu.memory_space<hbm>> -> memref<2x512xi32, #tpu.memory_space<hbm>>
        %dma_wait3A_308 = arith.constant 0 : i32
        %dma_wait3A_309 = arith.constant 0 : i32
        %dma_wait3A_310 = tpu.memref_slice %arg4[%dma_wait3A_308, %dma_wait3A_309] : memref<2x6400000xi32, #tpu.memory_space<hbm>> -> memref<2x512xi32, #tpu.memory_space<hbm>>
        tpu.wait_dma2 semaphore(%arg23 : memref<!tpu.dma_semaphore, #tpu.memory_space<semaphore_mem>>) src(%dma_wait3A_310 : memref<2x512xi32, #tpu.memory_space<hbm>>) dst(%arg15 : memref<2x512xi32, #tpu.memory_space<vmem>>)
        %parallel_loop3A = arith.constant 0 : i32
        %parallel_loop3A_311 = arith.constant 32 : i32
        %parallel_loop3A_312 = arith.constant 1 : i32
        scf.for %parallel_loop3A_319 = %parallel_loop3A to %parallel_loop3A_311 step %parallel_loop3A_312  : i32 {
          %parallel_loop3A_320 = arith.constant 16 : i32
          %parallel_loop3A_321 = arith.muli %parallel_loop3A_319, %parallel_loop3A_320 : i32
          %parallel_loop3A_322 = arith.constant 0 : i32
          %parallel_loop3A_323 = arith.index_cast %parallel_loop3A_322 : i32 to index
          %parallel_loop3A_324 = arith.index_cast %parallel_loop3A_321 : i32 to index
          %parallel_loop3A_325 = tpu.vector_load %arg15[%parallel_loop3A_323, %parallel_loop3A_324] {strides = array<i32>} : memref<2x512xi32, #tpu.memory_space<vmem>>, vector<16xi32>,
          %parallel_loop3A_326 = arith.constant 16 : i32
          %parallel_loop3A_327 = arith.muli %parallel_loop3A_319, %parallel_loop3A_326 : i32
          %parallel_loop3A_328 = arith.constant 1 : i32
          %parallel_loop3A_329 = arith.index_cast %parallel_loop3A_328 : i32 to index
          %parallel_loop3A_330 = arith.index_cast %parallel_loop3A_327 : i32 to index
          %parallel_loop3A_331 = tpu.vector_load %arg15[%parallel_loop3A_329, %parallel_loop3A_330] {strides = array<i32>} : memref<2x512xi32, #tpu.memory_space<vmem>>, vector<16xi32>,
          %parallel_loop3A_332 = tpu.vector_load_idx %arg11[%parallel_loop3A_325] : memref<100000xi32, #tpu.memory_space<vmem>>[vector<16xi32>], vector<16xi32>,
          %parallel_loop3A_333 = tpu.vector_load_idx %arg11[%parallel_loop3A_331] : memref<100000xi32, #tpu.memory_space<vmem>>[vector<16xi32>], vector<16xi32>,
          %parallel_loop3A_334 = arith.andi %parallel_loop3A_332, %broadcast_in_dim3A_1 : vector<16xi32>
          %parallel_loop3A_335 = vector.bitcast %parallel_loop3A_334 : vector<16xi32> to vector<16xf32>
          %parallel_loop3A_336 = arith.andi %parallel_loop3A_333, %broadcast_in_dim3A_3 : vector<16xi32>
          %parallel_loop3A_337 = arith.addi %parallel_loop3A_336, %mul3A_6 : vector<16xi32>
          tpu.vector_store_idx %arg18[%parallel_loop3A_337], %parallel_loop3A_335 {add = true} : memref<16384xf32, #tpu.memory_space<vmem>>[vector<16xi32>], vector<16xf32>,
        } {sc.loop_unroll_factor = 16 : i64, sc.parallel_access}
        %add3A_313 = arith.constant 4 : i32
        %add3A_314 = arith.addi %add3A_299, %add3A_313 : i32
        %lt3A_315 = arith.cmpi slt, %add3A_314, %select_n3A : i32
        %convert_element_type3A_316 = arith.extui %lt3A_315 : i1 to i32
        %cond3A_317 = arith.constant 0 : i32
        %cond3A_318 = arith.cmpi ne, %convert_element_type3A_316, %cond3A_317 : i32
        scf.if %cond3A_318 {
          %add3A_319 = arith.constant 4 : i32
          %add3A_320 = arith.addi %add3A_299, %add3A_319 : i32
          %mul3A_321 = arith.constant 32 : i32
          %mul3A_322 = arith.muli %add3A_320, %mul3A_321 : i32
          %add3A_323 = arith.addi %mul3A_322, %add3A : i32
          %mul3A_324 = arith.constant 512 : i32
          %mul3A_325 = arith.muli %add3A_323, %mul3A_324 : i32
          %dma_start3A_326 = arith.constant 0 : i32
          %dma_start3A_327 = tpu.memref_slice %arg4[%dma_start3A_326, %mul3A_325] : memref<2x6400000xi32, #tpu.memory_space<hbm>> -> memref<2x512xi32, #tpu.memory_space<hbm>>
          %dma_start3A_328 = arith.constant 0 : i32
          %dma_start3A_329 = tpu.memref_slice %arg4[%dma_start3A_328, %mul3A_325] : memref<2x6400000xi32, #tpu.memory_space<hbm>> -> memref<2x512xi32, #tpu.memory_space<hbm>>
          tpu.enqueue_dma source(%dma_start3A_329 : memref<2x512xi32, #tpu.memory_space<hbm>>) target(%arg15 : memref<2x512xi32, #tpu.memory_space<vmem>>) target_semaphore(%arg23 : memref<!tpu.dma_semaphore, #tpu.memory_space<semaphore_mem>>)
        } else {
        }
      } else {
      }
      %while3A_304 = arith.constant 0 : i32
      scf.yield %while3A_304 : i32
    }
    %while3A_121 = arith.constant 1 : i32
    %while3A_122 = scf.for %while3A_273 = %while3A_118 to %while3A_114 step %while3A_121 iter_args(%while3A_274 = %while3A_120) -> (i32)  : i32 {
      %mul3A_275 = arith.constant 4 : i32
      %mul3A_276 = arith.muli %while3A_273, %mul3A_275 : i32
      %add3A_277 = arith.constant 0 : i32
      %add3A_278 = arith.addi %mul3A_276, %add3A_277 : i32
      %lt3A = arith.cmpi slt, %add3A_278, %select_n3A : i32
      %convert_element_type3A = arith.extui %lt3A : i1 to i32
      %cond3A = arith.constant 0 : i32
      %cond3A_279 = arith.cmpi ne, %convert_element_type3A, %cond3A : i32
      scf.if %cond3A_279 {
        %dma_wait3A_305 = arith.constant 0 : i32
        %dma_wait3A_306 = arith.constant 0 : i32
        %dma_wait3A_307 = tpu.memref_slice %arg4[%dma_wait3A_305, %dma_wait3A_306] : memref<2x6400000xi32, #tpu.memory_space<hbm>> -> memref<2x512xi32, #tpu.memory_space<hbm>>
        %dma_wait3A_308 = arith.constant 0 : i32
        %dma_wait3A_309 = arith.constant 0 : i32
        %dma_wait3A_310 = tpu.memref_slice %arg4[%dma_wait3A_308, %dma_wait3A_309] : memref<2x6400000xi32, #tpu.memory_space<hbm>> -> memref<2x512xi32, #tpu.memory_space<hbm>>
        tpu.wait_dma2 semaphore(%arg20 : memref<!tpu.dma_semaphore, #tpu.memory_space<semaphore_mem>>) src(%dma_wait3A_310 : memref<2x512xi32, #tpu.memory_space<hbm>>) dst(%arg12 : memref<2x512xi32, #tpu.memory_space<vmem>>)
        %parallel_loop3A = arith.constant 0 : i32
        %parallel_loop3A_311 = arith.constant 32 : i32
        %parallel_loop3A_312 = arith.constant 1 : i32
        scf.for %parallel_loop3A_319 = %parallel_loop3A to %parallel_loop3A_311 step %parallel_loop3A_312  : i32 {
          %parallel_loop3A_320 = arith.constant 16 : i32
          %parallel_loop3A_321 = arith.muli %parallel_loop3A_319, %parallel_loop3A_320 : i32
          %parallel_loop3A_322 = arith.constant 0 : i32
          %parallel_loop3A_323 = arith.index_cast %parallel_loop3A_322 : i32 to index
          %parallel_loop3A_324 = arith.index_cast %parallel_loop3A_321 : i32 to index
          %parallel_loop3A_325 = tpu.vector_load %arg12[%parallel_loop3A_323, %parallel_loop3A_324] {strides = array<i32>} : memref<2x512xi32, #tpu.memory_space<vmem>>, vector<16xi32>,
          %parallel_loop3A_326 = arith.constant 16 : i32
          %parallel_loop3A_327 = arith.muli %parallel_loop3A_319, %parallel_loop3A_326 : i32
          %parallel_loop3A_328 = arith.constant 1 : i32
          %parallel_loop3A_329 = arith.index_cast %parallel_loop3A_328 : i32 to index
          %parallel_loop3A_330 = arith.index_cast %parallel_loop3A_327 : i32 to index
          %parallel_loop3A_331 = tpu.vector_load %arg12[%parallel_loop3A_329, %parallel_loop3A_330] {strides = array<i32>} : memref<2x512xi32, #tpu.memory_space<vmem>>, vector<16xi32>,
          %parallel_loop3A_332 = tpu.vector_load_idx %arg11[%parallel_loop3A_325] : memref<100000xi32, #tpu.memory_space<vmem>>[vector<16xi32>], vector<16xi32>,
          %parallel_loop3A_333 = tpu.vector_load_idx %arg11[%parallel_loop3A_331] : memref<100000xi32, #tpu.memory_space<vmem>>[vector<16xi32>], vector<16xi32>,
          %parallel_loop3A_334 = arith.andi %parallel_loop3A_332, %broadcast_in_dim3A_1 : vector<16xi32>
          %parallel_loop3A_335 = vector.bitcast %parallel_loop3A_334 : vector<16xi32> to vector<16xf32>
          %parallel_loop3A_336 = arith.andi %parallel_loop3A_333, %broadcast_in_dim3A_3 : vector<16xi32>
          %parallel_loop3A_337 = arith.addi %parallel_loop3A_336, %mul3A_6 : vector<16xi32>
          tpu.vector_store_idx %arg18[%parallel_loop3A_337], %parallel_loop3A_335 {add = true} : memref<16384xf32, #tpu.memory_space<vmem>>[vector<16xi32>], vector<16xf32>,
        } {sc.loop_unroll_factor = 16 : i64, sc.parallel_access}
        %add3A_313 = arith.constant 4 : i32
        %add3A_314 = arith.addi %add3A_278, %add3A_313 : i32
        %lt3A_315 = arith.cmpi slt, %add3A_314, %select_n3A : i32
        %convert_element_type3A_316 = arith.extui %lt3A_315 : i1 to i32
        %cond3A_317 = arith.constant 0 : i32
        %cond3A_318 = arith.cmpi ne, %convert_element_type3A_316, %cond3A_317 : i32
        scf.if %cond3A_318 {
          %add3A_319 = arith.constant 4 : i32
          %add3A_320 = arith.addi %add3A_278, %add3A_319 : i32
          %mul3A_321 = arith.constant 32 : i32
          %mul3A_322 = arith.muli %add3A_320, %mul3A_321 : i32
          %add3A_323 = arith.addi %mul3A_322, %add3A : i32
          %mul3A_324 = arith.constant 512 : i32
          %mul3A_325 = arith.muli %add3A_323, %mul3A_324 : i32
          %dma_start3A_326 = arith.constant 0 : i32
          %dma_start3A_327 = tpu.memref_slice %arg4[%dma_start3A_326, %mul3A_325] : memref<2x6400000xi32, #tpu.memory_space<hbm>> -> memref<2x512xi32, #tpu.memory_space<hbm>>
          %dma_start3A_328 = arith.constant 0 : i32
          %dma_start3A_329 = tpu.memref_slice %arg4[%dma_start3A_328, %mul3A_325] : memref<2x6400000xi32, #tpu.memory_space<hbm>> -> memref<2x512xi32, #tpu.memory_space<hbm>>
          tpu.enqueue_dma source(%dma_start3A_329 : memref<2x512xi32, #tpu.memory_space<hbm>>) target(%arg12 : memref<2x512xi32, #tpu.memory_space<vmem>>) target_semaphore(%arg20 : memref<!tpu.dma_semaphore, #tpu.memory_space<semaphore_mem>>)
        } else {
        }
      } else {
      }
      %mul3A_280 = arith.constant 4 : i32
      %mul3A_281 = arith.muli %while3A_273, %mul3A_280 : i32
      %add3A_282 = arith.constant 1 : i32
      %add3A_283 = arith.addi %mul3A_281, %add3A_282 : i32
      %lt3A_284 = arith.cmpi slt, %add3A_283, %select_n3A : i32
      %convert_element_type3A_285 = arith.extui %lt3A_284 : i1 to i32
      %cond3A_286 = arith.constant 0 : i32
      %cond3A_287 = arith.cmpi ne, %convert_element_type3A_285, %cond3A_286 : i32
      scf.if %cond3A_287 {
        %dma_wait3A_305 = arith.constant 0 : i32
        %dma_wait3A_306 = arith.constant 0 : i32
        %dma_wait3A_307 = tpu.memref_slice %arg4[%dma_wait3A_305, %dma_wait3A_306] : memref<2x6400000xi32, #tpu.memory_space<hbm>> -> memref<2x512xi32, #tpu.memory_space<hbm>>
        %dma_wait3A_308 = arith.constant 0 : i32
        %dma_wait3A_309 = arith.constant 0 : i32
        %dma_wait3A_310 = tpu.memref_slice %arg4[%dma_wait3A_308, %dma_wait3A_309] : memref<2x6400000xi32, #tpu.memory_space<hbm>> -> memref<2x512xi32, #tpu.memory_space<hbm>>
        tpu.wait_dma2 semaphore(%arg21 : memref<!tpu.dma_semaphore, #tpu.memory_space<semaphore_mem>>) src(%dma_wait3A_310 : memref<2x512xi32, #tpu.memory_space<hbm>>) dst(%arg13 : memref<2x512xi32, #tpu.memory_space<vmem>>)
        %parallel_loop3A = arith.constant 0 : i32
        %parallel_loop3A_311 = arith.constant 32 : i32
        %parallel_loop3A_312 = arith.constant 1 : i32
        scf.for %parallel_loop3A_319 = %parallel_loop3A to %parallel_loop3A_311 step %parallel_loop3A_312  : i32 {
          %parallel_loop3A_320 = arith.constant 16 : i32
          %parallel_loop3A_321 = arith.muli %parallel_loop3A_319, %parallel_loop3A_320 : i32
          %parallel_loop3A_322 = arith.constant 0 : i32
          %parallel_loop3A_323 = arith.index_cast %parallel_loop3A_322 : i32 to index
          %parallel_loop3A_324 = arith.index_cast %parallel_loop3A_321 : i32 to index
          %parallel_loop3A_325 = tpu.vector_load %arg13[%parallel_loop3A_323, %parallel_loop3A_324] {strides = array<i32>} : memref<2x512xi32, #tpu.memory_space<vmem>>, vector<16xi32>,
          %parallel_loop3A_326 = arith.constant 16 : i32
          %parallel_loop3A_327 = arith.muli %parallel_loop3A_319, %parallel_loop3A_326 : i32
          %parallel_loop3A_328 = arith.constant 1 : i32
          %parallel_loop3A_329 = arith.index_cast %parallel_loop3A_328 : i32 to index
          %parallel_loop3A_330 = arith.index_cast %parallel_loop3A_327 : i32 to index
          %parallel_loop3A_331 = tpu.vector_load %arg13[%parallel_loop3A_329, %parallel_loop3A_330] {strides = array<i32>} : memref<2x512xi32, #tpu.memory_space<vmem>>, vector<16xi32>,
          %parallel_loop3A_332 = tpu.vector_load_idx %arg11[%parallel_loop3A_325] : memref<100000xi32, #tpu.memory_space<vmem>>[vector<16xi32>], vector<16xi32>,
          %parallel_loop3A_333 = tpu.vector_load_idx %arg11[%parallel_loop3A_331] : memref<100000xi32, #tpu.memory_space<vmem>>[vector<16xi32>], vector<16xi32>,
          %parallel_loop3A_334 = arith.andi %parallel_loop3A_332, %broadcast_in_dim3A_1 : vector<16xi32>
          %parallel_loop3A_335 = vector.bitcast %parallel_loop3A_334 : vector<16xi32> to vector<16xf32>
          %parallel_loop3A_336 = arith.andi %parallel_loop3A_333, %broadcast_in_dim3A_3 : vector<16xi32>
          %parallel_loop3A_337 = arith.addi %parallel_loop3A_336, %mul3A_6 : vector<16xi32>
          tpu.vector_store_idx %arg18[%parallel_loop3A_337], %parallel_loop3A_335 {add = true} : memref<16384xf32, #tpu.memory_space<vmem>>[vector<16xi32>], vector<16xf32>,
        } {sc.loop_unroll_factor = 16 : i64, sc.parallel_access}
        %add3A_313 = arith.constant 4 : i32
        %add3A_314 = arith.addi %add3A_283, %add3A_313 : i32
        %lt3A_315 = arith.cmpi slt, %add3A_314, %select_n3A : i32
        %convert_element_type3A_316 = arith.extui %lt3A_315 : i1 to i32
        %cond3A_317 = arith.constant 0 : i32
        %cond3A_318 = arith.cmpi ne, %convert_element_type3A_316, %cond3A_317 : i32
        scf.if %cond3A_318 {
          %add3A_319 = arith.constant 4 : i32
          %add3A_320 = arith.addi %add3A_283, %add3A_319 : i32
          %mul3A_321 = arith.constant 32 : i32
          %mul3A_322 = arith.muli %add3A_320, %mul3A_321 : i32
          %add3A_323 = arith.addi %mul3A_322, %add3A : i32
          %mul3A_324 = arith.constant 512 : i32
          %mul3A_325 = arith.muli %add3A_323, %mul3A_324 : i32
          %dma_start3A_326 = arith.constant 0 : i32
          %dma_start3A_327 = tpu.memref_slice %arg4[%dma_start3A_326, %mul3A_325] : memref<2x6400000xi32, #tpu.memory_space<hbm>> -> memref<2x512xi32, #tpu.memory_space<hbm>>
          %dma_start3A_328 = arith.constant 0 : i32
          %dma_start3A_329 = tpu.memref_slice %arg4[%dma_start3A_328, %mul3A_325] : memref<2x6400000xi32, #tpu.memory_space<hbm>> -> memref<2x512xi32, #tpu.memory_space<hbm>>
          tpu.enqueue_dma source(%dma_start3A_329 : memref<2x512xi32, #tpu.memory_space<hbm>>) target(%arg13 : memref<2x512xi32, #tpu.memory_space<vmem>>) target_semaphore(%arg21 : memref<!tpu.dma_semaphore, #tpu.memory_space<semaphore_mem>>)
        } else {
        }
      } else {
      }
      %mul3A_288 = arith.constant 4 : i32
      %mul3A_289 = arith.muli %while3A_273, %mul3A_288 : i32
      %add3A_290 = arith.constant 2 : i32
      %add3A_291 = arith.addi %mul3A_289, %add3A_290 : i32
      %lt3A_292 = arith.cmpi slt, %add3A_291, %select_n3A : i32
      %convert_element_type3A_293 = arith.extui %lt3A_292 : i1 to i32
      %cond3A_294 = arith.constant 0 : i32
      %cond3A_295 = arith.cmpi ne, %convert_element_type3A_293, %cond3A_294 : i32
      scf.if %cond3A_295 {
        %dma_wait3A_305 = arith.constant 0 : i32
        %dma_wait3A_306 = arith.constant 0 : i32
        %dma_wait3A_307 = tpu.memref_slice %arg4[%dma_wait3A_305, %dma_wait3A_306] : memref<2x6400000xi32, #tpu.memory_space<hbm>> -> memref<2x512xi32, #tpu.memory_space<hbm>>
        %dma_wait3A_308 = arith.constant 0 : i32
        %dma_wait3A_309 = arith.constant 0 : i32
        %dma_wait3A_310 = tpu.memref_slice %arg4[%dma_wait3A_308, %dma_wait3A_309] : memref<2x6400000xi32, #tpu.memory_space<hbm>> -> memref<2x512xi32, #tpu.memory_space<hbm>>
        tpu.wait_dma2 semaphore(%arg22 : memref<!tpu.dma_semaphore, #tpu.memory_space<semaphore_mem>>) src(%dma_wait3A_310 : memref<2x512xi32, #tpu.memory_space<hbm>>) dst(%arg14 : memref<2x512xi32, #tpu.memory_space<vmem>>)
        %parallel_loop3A = arith.constant 0 : i32
        %parallel_loop3A_311 = arith.constant 32 : i32
        %parallel_loop3A_312 = arith.constant 1 : i32
        scf.for %parallel_loop3A_319 = %parallel_loop3A to %parallel_loop3A_311 step %parallel_loop3A_312  : i32 {
          %parallel_loop3A_320 = arith.constant 16 : i32
          %parallel_loop3A_321 = arith.muli %parallel_loop3A_319, %parallel_loop3A_320 : i32
          %parallel_loop3A_322 = arith.constant 0 : i32
          %parallel_loop3A_323 = arith.index_cast %parallel_loop3A_322 : i32 to index
          %parallel_loop3A_324 = arith.index_cast %parallel_loop3A_321 : i32 to index
          %parallel_loop3A_325 = tpu.vector_load %arg14[%parallel_loop3A_323, %parallel_loop3A_324] {strides = array<i32>} : memref<2x512xi32, #tpu.memory_space<vmem>>, vector<16xi32>,
          %parallel_loop3A_326 = arith.constant 16 : i32
          %parallel_loop3A_327 = arith.muli %parallel_loop3A_319, %parallel_loop3A_326 : i32
          %parallel_loop3A_328 = arith.constant 1 : i32
          %parallel_loop3A_329 = arith.index_cast %parallel_loop3A_328 : i32 to index
          %parallel_loop3A_330 = arith.index_cast %parallel_loop3A_327 : i32 to index
          %parallel_loop3A_331 = tpu.vector_load %arg14[%parallel_loop3A_329, %parallel_loop3A_330] {strides = array<i32>} : memref<2x512xi32, #tpu.memory_space<vmem>>, vector<16xi32>,
          %parallel_loop3A_332 = tpu.vector_load_idx %arg11[%parallel_loop3A_325] : memref<100000xi32, #tpu.memory_space<vmem>>[vector<16xi32>], vector<16xi32>,
          %parallel_loop3A_333 = tpu.vector_load_idx %arg11[%parallel_loop3A_331] : memref<100000xi32, #tpu.memory_space<vmem>>[vector<16xi32>], vector<16xi32>,
          %parallel_loop3A_334 = arith.andi %parallel_loop3A_332, %broadcast_in_dim3A_1 : vector<16xi32>
          %parallel_loop3A_335 = vector.bitcast %parallel_loop3A_334 : vector<16xi32> to vector<16xf32>
          %parallel_loop3A_336 = arith.andi %parallel_loop3A_333, %broadcast_in_dim3A_3 : vector<16xi32>
          %parallel_loop3A_337 = arith.addi %parallel_loop3A_336, %mul3A_6 : vector<16xi32>
          tpu.vector_store_idx %arg18[%parallel_loop3A_337], %parallel_loop3A_335 {add = true} : memref<16384xf32, #tpu.memory_space<vmem>>[vector<16xi32>], vector<16xf32>,
        } {sc.loop_unroll_factor = 16 : i64, sc.parallel_access}
        %add3A_313 = arith.constant 4 : i32
        %add3A_314 = arith.addi %add3A_291, %add3A_313 : i32
        %lt3A_315 = arith.cmpi slt, %add3A_314, %select_n3A : i32
        %convert_element_type3A_316 = arith.extui %lt3A_315 : i1 to i32
        %cond3A_317 = arith.constant 0 : i32
        %cond3A_318 = arith.cmpi ne, %convert_element_type3A_316, %cond3A_317 : i32
        scf.if %cond3A_318 {
          %add3A_319 = arith.constant 4 : i32
          %add3A_320 = arith.addi %add3A_291, %add3A_319 : i32
          %mul3A_321 = arith.constant 32 : i32
          %mul3A_322 = arith.muli %add3A_320, %mul3A_321 : i32
          %add3A_323 = arith.addi %mul3A_322, %add3A : i32
          %mul3A_324 = arith.constant 512 : i32
          %mul3A_325 = arith.muli %add3A_323, %mul3A_324 : i32
          %dma_start3A_326 = arith.constant 0 : i32
          %dma_start3A_327 = tpu.memref_slice %arg4[%dma_start3A_326, %mul3A_325] : memref<2x6400000xi32, #tpu.memory_space<hbm>> -> memref<2x512xi32, #tpu.memory_space<hbm>>
          %dma_start3A_328 = arith.constant 0 : i32
          %dma_start3A_329 = tpu.memref_slice %arg4[%dma_start3A_328, %mul3A_325] : memref<2x6400000xi32, #tpu.memory_space<hbm>> -> memref<2x512xi32, #tpu.memory_space<hbm>>
          tpu.enqueue_dma source(%dma_start3A_329 : memref<2x512xi32, #tpu.memory_space<hbm>>) target(%arg14 : memref<2x512xi32, #tpu.memory_space<vmem>>) target_semaphore(%arg22 : memref<!tpu.dma_semaphore, #tpu.memory_space<semaphore_mem>>)
        } else {
        }
      } else {
      }
      %mul3A_296 = arith.constant 4 : i32
      %mul3A_297 = arith.muli %while3A_273, %mul3A_296 : i32
      %add3A_298 = arith.constant 3 : i32
      %add3A_299 = arith.addi %mul3A_297, %add3A_298 : i32
      %lt3A_300 = arith.cmpi slt, %add3A_299, %select_n3A : i32
      %convert_element_type3A_301 = arith.extui %lt3A_300 : i1 to i32
      %cond3A_302 = arith.constant 0 : i32
      %cond3A_303 = arith.cmpi ne, %convert_element_type3A_301, %cond3A_302 : i32
      scf.if %cond3A_303 {
        %dma_wait3A_305 = arith.constant 0 : i32
        %dma_wait3A_306 = arith.constant 0 : i32
        %dma_wait3A_307 = tpu.memref_slice %arg4[%dma_wait3A_305, %dma_wait3A_306] : memref<2x6400000xi32, #tpu.memory_space<hbm>> -> memref<2x512xi32, #tpu.memory_space<hbm>>
        %dma_wait3A_308 = arith.constant 0 : i32
        %dma_wait3A_309 = arith.constant 0 : i32
        %dma_wait3A_310 = tpu.memref_slice %arg4[%dma_wait3A_308, %dma_wait3A_309] : memref<2x6400000xi32, #tpu.memory_space<hbm>> -> memref<2x512xi32, #tpu.memory_space<hbm>>
        tpu.wait_dma2 semaphore(%arg23 : memref<!tpu.dma_semaphore, #tpu.memory_space<semaphore_mem>>) src(%dma_wait3A_310 : memref<2x512xi32, #tpu.memory_space<hbm>>) dst(%arg15 : memref<2x512xi32, #tpu.memory_space<vmem>>)
        %parallel_loop3A = arith.constant 0 : i32
        %parallel_loop3A_311 = arith.constant 32 : i32
        %parallel_loop3A_312 = arith.constant 1 : i32
        scf.for %parallel_loop3A_319 = %parallel_loop3A to %parallel_loop3A_311 step %parallel_loop3A_312  : i32 {
          %parallel_loop3A_320 = arith.constant 16 : i32
          %parallel_loop3A_321 = arith.muli %parallel_loop3A_319, %parallel_loop3A_320 : i32
          %parallel_loop3A_322 = arith.constant 0 : i32
          %parallel_loop3A_323 = arith.index_cast %parallel_loop3A_322 : i32 to index
          %parallel_loop3A_324 = arith.index_cast %parallel_loop3A_321 : i32 to index
          %parallel_loop3A_325 = tpu.vector_load %arg15[%parallel_loop3A_323, %parallel_loop3A_324] {strides = array<i32>} : memref<2x512xi32, #tpu.memory_space<vmem>>, vector<16xi32>,
          %parallel_loop3A_326 = arith.constant 16 : i32
          %parallel_loop3A_327 = arith.muli %parallel_loop3A_319, %parallel_loop3A_326 : i32
          %parallel_loop3A_328 = arith.constant 1 : i32
          %parallel_loop3A_329 = arith.index_cast %parallel_loop3A_328 : i32 to index
          %parallel_loop3A_330 = arith.index_cast %parallel_loop3A_327 : i32 to index
          %parallel_loop3A_331 = tpu.vector_load %arg15[%parallel_loop3A_329, %parallel_loop3A_330] {strides = array<i32>} : memref<2x512xi32, #tpu.memory_space<vmem>>, vector<16xi32>,
          %parallel_loop3A_332 = tpu.vector_load_idx %arg11[%parallel_loop3A_325] : memref<100000xi32, #tpu.memory_space<vmem>>[vector<16xi32>], vector<16xi32>,
          %parallel_loop3A_333 = tpu.vector_load_idx %arg11[%parallel_loop3A_331] : memref<100000xi32, #tpu.memory_space<vmem>>[vector<16xi32>], vector<16xi32>,
          %parallel_loop3A_334 = arith.andi %parallel_loop3A_332, %broadcast_in_dim3A_1 : vector<16xi32>
          %parallel_loop3A_335 = vector.bitcast %parallel_loop3A_334 : vector<16xi32> to vector<16xf32>
          %parallel_loop3A_336 = arith.andi %parallel_loop3A_333, %broadcast_in_dim3A_3 : vector<16xi32>
          %parallel_loop3A_337 = arith.addi %parallel_loop3A_336, %mul3A_6 : vector<16xi32>
          tpu.vector_store_idx %arg18[%parallel_loop3A_337], %parallel_loop3A_335 {add = true} : memref<16384xf32, #tpu.memory_space<vmem>>[vector<16xi32>], vector<16xf32>,
        } {sc.loop_unroll_factor = 16 : i64, sc.parallel_access}
        %add3A_313 = arith.constant 4 : i32
        %add3A_314 = arith.addi %add3A_299, %add3A_313 : i32
        %lt3A_315 = arith.cmpi slt, %add3A_314, %select_n3A : i32
        %convert_element_type3A_316 = arith.extui %lt3A_315 : i1 to i32
        %cond3A_317 = arith.constant 0 : i32
        %cond3A_318 = arith.cmpi ne, %convert_element_type3A_316, %cond3A_317 : i32
        scf.if %cond3A_318 {
          %add3A_319 = arith.constant 4 : i32
          %add3A_320 = arith.addi %add3A_299, %add3A_319 : i32
          %mul3A_321 = arith.constant 32 : i32
          %mul3A_322 = arith.muli %add3A_320, %mul3A_321 : i32
          %add3A_323 = arith.addi %mul3A_322, %add3A : i32
          %mul3A_324 = arith.constant 512 : i32
          %mul3A_325 = arith.muli %add3A_323, %mul3A_324 : i32
          %dma_start3A_326 = arith.constant 0 : i32
          %dma_start3A_327 = tpu.memref_slice %arg4[%dma_start3A_326, %mul3A_325] : memref<2x6400000xi32, #tpu.memory_space<hbm>> -> memref<2x512xi32, #tpu.memory_space<hbm>>
          %dma_start3A_328 = arith.constant 0 : i32
          %dma_start3A_329 = tpu.memref_slice %arg4[%dma_start3A_328, %mul3A_325] : memref<2x6400000xi32, #tpu.memory_space<hbm>> -> memref<2x512xi32, #tpu.memory_space<hbm>>
          tpu.enqueue_dma source(%dma_start3A_329 : memref<2x512xi32, #tpu.memory_space<hbm>>) target(%arg15 : memref<2x512xi32, #tpu.memory_space<vmem>>) target_semaphore(%arg23 : memref<!tpu.dma_semaphore, #tpu.memory_space<semaphore_mem>>)
        } else {
        }
      } else {
      }
      %while3A_304 = arith.constant 0 : i32
      scf.yield %while3A_304 : i32
    }
    %dma_start3A_123 = arith.constant 0 : i32
    %dma_start3A_124 = tpu.memref_slice %arg11[%dma_start3A_123] : memref<100000xi32, #tpu.memory_space<vmem>> -> memref<50000xi32, #tpu.memory_space<vmem>>
    %dma_start3A_125 = arith.constant 0 : i32
    %dma_start3A_126 = tpu.memref_slice %arg3[%dma_start3A_125] : memref<50176xi32, #tpu.memory_space<hbm>> -> memref<50000xi32, #tpu.memory_space<hbm>>
    %dma_start3A_127 = arith.constant 0 : i32
    %dma_start3A_128 = tpu.memref_slice %arg11[%dma_start3A_127] : memref<100000xi32, #tpu.memory_space<vmem>> -> memref<50000xi32, #tpu.memory_space<vmem>>
    %dma_start3A_129 = arith.constant 0 : i32
    %dma_start3A_130 = tpu.memref_slice %arg3[%dma_start3A_129] : memref<50176xi32, #tpu.memory_space<hbm>> -> memref<50000xi32, #tpu.memory_space<hbm>>
    tpu.enqueue_dma source(%dma_start3A_130 : memref<50000xi32, #tpu.memory_space<hbm>>) target(%dma_start3A_128 : memref<50000xi32, #tpu.memory_space<vmem>>) target_semaphore(%arg19 : memref<!tpu.dma_semaphore, #tpu.memory_space<semaphore_mem>>)
    %scan3A_131 = arith.constant 0 : i32
    %scan3A_132 = arith.constant 0 : i32
    %scan3A_133 = arith.constant 64 : i32
    %scan3A_134 = arith.addi %scan3A_132, %scan3A_133 : i32
    %scan3A_135 = arith.constant 1 : i32
    %scan3A_136 = scf.for %scan3A_273 = %scan3A_132 to %scan3A_134 step %scan3A_135 iter_args(%scan3A_274 = %scan3A_131) -> (i32)  : i32 {
      %mul3A_275 = arith.constant 16 : i32
      %mul3A_276 = arith.muli %scan3A_273, %mul3A_275 : i32
      %get3A = arith.index_cast %mul3A_276 : i32 to index
      %get3A_277 = tpu.vector_load %arg18[%get3A] {strides = array<i32>} : memref<16384xf32, #tpu.memory_space<vmem>>, vector<16xf32>,
      %mul3A_278 = arith.constant 16 : i32
      %mul3A_279 = arith.muli %scan3A_273, %mul3A_278 : i32
      %add3A_280 = arith.constant 1024 : i32
      %add3A_281 = arith.addi %add3A_280, %mul3A_279 : i32
      %get3A_282 = arith.index_cast %add3A_281 : i32 to index
      %get3A_283 = tpu.vector_load %arg18[%get3A_282] {strides = array<i32>} : memref<16384xf32, #tpu.memory_space<vmem>>, vector<16xf32>,
      %add3A_284 = arith.addf %get3A_277, %get3A_283 : vector<16xf32>
      %mul3A_285 = arith.constant 16 : i32
      %mul3A_286 = arith.muli %scan3A_273, %mul3A_285 : i32
      %add3A_287 = arith.constant 2048 : i32
      %add3A_288 = arith.addi %add3A_287, %mul3A_286 : i32
      %get3A_289 = arith.index_cast %add3A_288 : i32 to index
      %get3A_290 = tpu.vector_load %arg18[%get3A_289] {strides = array<i32>} : memref<16384xf32, #tpu.memory_space<vmem>>, vector<16xf32>,
      %add3A_291 = arith.addf %add3A_284, %get3A_290 : vector<16xf32>
      %mul3A_292 = arith.constant 16 : i32
      %mul3A_293 = arith.muli %scan3A_273, %mul3A_292 : i32
      %add3A_294 = arith.constant 3072 : i32
      %add3A_295 = arith.addi %add3A_294, %mul3A_293 : i32
      %get3A_296 = arith.index_cast %add3A_295 : i32 to index
      %get3A_297 = tpu.vector_load %arg18[%get3A_296] {strides = array<i32>} : memref<16384xf32, #tpu.memory_space<vmem>>, vector<16xf32>,
      %add3A_298 = arith.addf %add3A_291, %get3A_297 : vector<16xf32>
      %mul3A_299 = arith.constant 16 : i32
      %mul3A_300 = arith.muli %scan3A_273, %mul3A_299 : i32
      %add3A_301 = arith.constant 4096 : i32
      %add3A_302 = arith.addi %add3A_301, %mul3A_300 : i32
      %get3A_303 = arith.index_cast %add3A_302 : i32 to index
      %get3A_304 = tpu.vector_load %arg18[%get3A_303] {strides = array<i32>} : memref<16384xf32, #tpu.memory_space<vmem>>, vector<16xf32>,
      %add3A_305 = arith.addf %add3A_298, %get3A_304 : vector<16xf32>
      %mul3A_306 = arith.constant 16 : i32
      %mul3A_307 = arith.muli %scan3A_273, %mul3A_306 : i32
      %add3A_308 = arith.constant 5120 : i32
      %add3A_309 = arith.addi %add3A_308, %mul3A_307 : i32
      %get3A_310 = arith.index_cast %add3A_309 : i32 to index
      %get3A_311 = tpu.vector_load %arg18[%get3A_310] {strides = array<i32>} : memref<16384xf32, #tpu.memory_space<vmem>>, vector<16xf32>,
      %add3A_312 = arith.addf %add3A_305, %get3A_311 : vector<16xf32>
      %mul3A_313 = arith.constant 16 : i32
      %mul3A_314 = arith.muli %scan3A_273, %mul3A_313 : i32
      %add3A_315 = arith.constant 6144 : i32
      %add3A_316 = arith.addi %add3A_315, %mul3A_314 : i32
      %get3A_317 = arith.index_cast %add3A_316 : i32 to index
      %get3A_318 = tpu.vector_load %arg18[%get3A_317] {strides = array<i32>} : memref<16384xf32, #tpu.memory_space<vmem>>, vector<16xf32>,
      %add3A_319 = arith.addf %add3A_312, %get3A_318 : vector<16xf32>
      %mul3A_320 = arith.constant 16 : i32
      %mul3A_321 = arith.muli %scan3A_273, %mul3A_320 : i32
      %add3A_322 = arith.constant 7168 : i32
      %add3A_323 = arith.addi %add3A_322, %mul3A_321 : i32
      %get3A_324 = arith.index_cast %add3A_323 : i32 to index
      %get3A_325 = tpu.vector_load %arg18[%get3A_324] {strides = array<i32>} : memref<16384xf32, #tpu.memory_space<vmem>>, vector<16xf32>,
      %add3A_326 = arith.addf %add3A_319, %get3A_325 : vector<16xf32>
      %mul3A_327 = arith.constant 16 : i32
      %mul3A_328 = arith.muli %scan3A_273, %mul3A_327 : i32
      %add3A_329 = arith.constant 8192 : i32
      %add3A_330 = arith.addi %add3A_329, %mul3A_328 : i32
      %get3A_331 = arith.index_cast %add3A_330 : i32 to index
      %get3A_332 = tpu.vector_load %arg18[%get3A_331] {strides = array<i32>} : memref<16384xf32, #tpu.memory_space<vmem>>, vector<16xf32>,
      %add3A_333 = arith.addf %add3A_326, %get3A_332 : vector<16xf32>
      %mul3A_334 = arith.constant 16 : i32
      %mul3A_335 = arith.muli %scan3A_273, %mul3A_334 : i32
      %add3A_336 = arith.constant 9216 : i32
      %add3A_337 = arith.addi %add3A_336, %mul3A_335 : i32
      %get3A_338 = arith.index_cast %add3A_337 : i32 to index
      %get3A_339 = tpu.vector_load %arg18[%get3A_338] {strides = array<i32>} : memref<16384xf32, #tpu.memory_space<vmem>>, vector<16xf32>,
      %add3A_340 = arith.addf %add3A_333, %get3A_339 : vector<16xf32>
      %mul3A_341 = arith.constant 16 : i32
      %mul3A_342 = arith.muli %scan3A_273, %mul3A_341 : i32
      %add3A_343 = arith.constant 10240 : i32
      %add3A_344 = arith.addi %add3A_343, %mul3A_342 : i32
      %get3A_345 = arith.index_cast %add3A_344 : i32 to index
      %get3A_346 = tpu.vector_load %arg18[%get3A_345] {strides = array<i32>} : memref<16384xf32, #tpu.memory_space<vmem>>, vector<16xf32>,
      %add3A_347 = arith.addf %add3A_340, %get3A_346 : vector<16xf32>
      %mul3A_348 = arith.constant 16 : i32
      %mul3A_349 = arith.muli %scan3A_273, %mul3A_348 : i32
      %add3A_350 = arith.constant 11264 : i32
      %add3A_351 = arith.addi %add3A_350, %mul3A_349 : i32
      %get3A_352 = arith.index_cast %add3A_351 : i32 to index
      %get3A_353 = tpu.vector_load %arg18[%get3A_352] {strides = array<i32>} : memref<16384xf32, #tpu.memory_space<vmem>>, vector<16xf32>,
      %add3A_354 = arith.addf %add3A_347, %get3A_353 : vector<16xf32>
      %mul3A_355 = arith.constant 16 : i32
      %mul3A_356 = arith.muli %scan3A_273, %mul3A_355 : i32
      %add3A_357 = arith.constant 12288 : i32
      %add3A_358 = arith.addi %add3A_357, %mul3A_356 : i32
      %get3A_359 = arith.index_cast %add3A_358 : i32 to index
      %get3A_360 = tpu.vector_load %arg18[%get3A_359] {strides = array<i32>} : memref<16384xf32, #tpu.memory_space<vmem>>, vector<16xf32>,
      %add3A_361 = arith.addf %add3A_354, %get3A_360 : vector<16xf32>
      %mul3A_362 = arith.constant 16 : i32
      %mul3A_363 = arith.muli %scan3A_273, %mul3A_362 : i32
      %add3A_364 = arith.constant 13312 : i32
      %add3A_365 = arith.addi %add3A_364, %mul3A_363 : i32
      %get3A_366 = arith.index_cast %add3A_365 : i32 to index
      %get3A_367 = tpu.vector_load %arg18[%get3A_366] {strides = array<i32>} : memref<16384xf32, #tpu.memory_space<vmem>>, vector<16xf32>,
      %add3A_368 = arith.addf %add3A_361, %get3A_367 : vector<16xf32>
      %mul3A_369 = arith.constant 16 : i32
      %mul3A_370 = arith.muli %scan3A_273, %mul3A_369 : i32
      %add3A_371 = arith.constant 14336 : i32
      %add3A_372 = arith.addi %add3A_371, %mul3A_370 : i32
      %get3A_373 = arith.index_cast %add3A_372 : i32 to index
      %get3A_374 = tpu.vector_load %arg18[%get3A_373] {strides = array<i32>} : memref<16384xf32, #tpu.memory_space<vmem>>, vector<16xf32>,
      %add3A_375 = arith.addf %add3A_368, %get3A_374 : vector<16xf32>
      %mul3A_376 = arith.constant 16 : i32
      %mul3A_377 = arith.muli %scan3A_273, %mul3A_376 : i32
      %add3A_378 = arith.constant 15360 : i32
      %add3A_379 = arith.addi %add3A_378, %mul3A_377 : i32
      %get3A_380 = arith.index_cast %add3A_379 : i32 to index
      %get3A_381 = tpu.vector_load %arg18[%get3A_380] {strides = array<i32>} : memref<16384xf32, #tpu.memory_space<vmem>>, vector<16xf32>,
      %add3A_382 = arith.addf %add3A_375, %get3A_381 : vector<16xf32>
      %mul3A_383 = arith.constant 16 : i32
      %mul3A_384 = arith.muli %scan3A_273, %mul3A_383 : i32
      %swap3A = arith.index_cast %mul3A_384 : i32 to index
      %swap3A_385 = tpu.vector_load %arg18[%swap3A] {strides = array<i32>} : memref<16384xf32, #tpu.memory_space<vmem>>, vector<16xf32>,
      tpu.vector_store %arg18[%swap3A], %add3A_382 {strides = array<i32>} : memref<16384xf32, #tpu.memory_space<vmem>>, vector<16xf32>,
      %scan3A_386 = arith.constant 0 : i32
      scf.yield %scan3A_386 : i32
    }
    %scan3A_137 = arith.constant 64 : i32
    "tpu.region"() ({
      %run_scoped3A = tpu.sem_alloc : memref<!tpu.dma_semaphore, #tpu.memory_space<semaphore_mem>>
      %dma_start3A_273 = arith.constant 0 : i32
      %dma_start3A_274 = tpu.memref_slice %arg18[%dma_start3A_273] : memref<16384xf32, #tpu.memory_space<vmem>> -> memref<1024xf32, #tpu.memory_space<vmem>>
      %dma_start3A_275 = arith.constant 0 : i32
      %dma_start3A_276 = tpu.memref_slice %arg10[%add3A, %dma_start3A_275] : memref<32x2048xf32, #tpu.memory_space<hbm>> -> memref<1x1024xf32, #tpu.memory_space<hbm>>
      %dma_start3A_277 = tpu.memref_squeeze %dma_start3A_276 : memref<1x1024xf32, #tpu.memory_space<hbm>> -> memref<1024xf32, #tpu.memory_space<hbm>>
      %dma_start3A_278 = arith.constant 0 : i32
      %dma_start3A_279 = tpu.memref_slice %arg10[%add3A, %dma_start3A_278] : memref<32x2048xf32, #tpu.memory_space<hbm>> -> memref<1x1024xf32, #tpu.memory_space<hbm>>
      %dma_start3A_280 = tpu.memref_squeeze %dma_start3A_279 : memref<1x1024xf32, #tpu.memory_space<hbm>> -> memref<1024xf32, #tpu.memory_space<hbm>>
      %dma_start3A_281 = arith.constant 0 : i32
      %dma_start3A_282 = tpu.memref_slice %arg18[%dma_start3A_281] : memref<16384xf32, #tpu.memory_space<vmem>> -> memref<1024xf32, #tpu.memory_space<vmem>>
      tpu.enqueue_dma source(%dma_start3A_282 : memref<1024xf32, #tpu.memory_space<vmem>>) target(%dma_start3A_280 : memref<1024xf32, #tpu.memory_space<hbm>>) target_semaphore(%run_scoped3A : memref<!tpu.dma_semaphore, #tpu.memory_space<semaphore_mem>>)
      %dma_wait3A_283 = arith.constant 0 : i32
      %dma_wait3A_284 = tpu.memref_slice %arg18[%dma_wait3A_283] : memref<16384xf32, #tpu.memory_space<vmem>> -> memref<1024xf32, #tpu.memory_space<vmem>>
      %dma_wait3A_285 = arith.constant 0 : i32
      %dma_wait3A_286 = tpu.memref_slice %arg10[%add3A, %dma_wait3A_285] : memref<32x2048xf32, #tpu.memory_space<hbm>> -> memref<1x1024xf32, #tpu.memory_space<hbm>>
      %dma_wait3A_287 = tpu.memref_squeeze %dma_wait3A_286 : memref<1x1024xf32, #tpu.memory_space<hbm>> -> memref<1024xf32, #tpu.memory_space<hbm>>
      %dma_wait3A_288 = arith.constant 0 : i32
      %dma_wait3A_289 = tpu.memref_slice %arg10[%add3A, %dma_wait3A_288] : memref<32x2048xf32, #tpu.memory_space<hbm>> -> memref<1x1024xf32, #tpu.memory_space<hbm>>
      %dma_wait3A_290 = tpu.memref_squeeze %dma_wait3A_289 : memref<1x1024xf32, #tpu.memory_space<hbm>> -> memref<1024xf32, #tpu.memory_space<hbm>>
      %dma_wait3A_291 = arith.constant 0 : i32
      %dma_wait3A_292 = tpu.memref_slice %arg18[%dma_wait3A_291] : memref<16384xf32, #tpu.memory_space<vmem>> -> memref<1024xf32, #tpu.memory_space<vmem>>
      tpu.wait_dma2 semaphore(%run_scoped3A : memref<!tpu.dma_semaphore, #tpu.memory_space<semaphore_mem>>) src(%dma_wait3A_292 : memref<1024xf32, #tpu.memory_space<vmem>>) dst(%dma_wait3A_290 : memref<1024xf32, #tpu.memory_space<hbm>>)
      tpu.yield
    }) : () -> ()
    %scan3A_138 = arith.constant 0 : i32
    %scan3A_139 = arith.constant 0 : i32
    %scan3A_140 = arith.constant 1024 : i32
    %scan3A_141 = arith.addi %scan3A_139, %scan3A_140 : i32
    %scan3A_142 = arith.constant 1 : i32
    %scan3A_143 = scf.for %scan3A_273 = %scan3A_139 to %scan3A_141 step %scan3A_142 iter_args(%scan3A_274 = %scan3A_138) -> (i32)  : i32 {
      %broadcast_in_dim3A_275 = arith.constant 0.000000e+00 : f32
      %broadcast_in_dim3A_276 = vector.broadcast %broadcast_in_dim3A_275 : f32 to vector<16xf32>
      %mul3A_277 = arith.constant 16 : i32
      %mul3A_278 = arith.muli %scan3A_273, %mul3A_277 : i32
      %swap3A = arith.index_cast %mul3A_278 : i32 to index
      %swap3A_279 = tpu.vector_load %arg18[%swap3A] {strides = array<i32>} : memref<16384xf32, #tpu.memory_space<vmem>>, vector<16xf32>,
      tpu.vector_store %arg18[%swap3A], %broadcast_in_dim3A_276 {strides = array<i32>} : memref<16384xf32, #tpu.memory_space<vmem>>, vector<16xf32>,
      %scan3A_280 = arith.constant 0 : i32
      scf.yield %scan3A_280 : i32
    }
    %scan3A_144 = arith.constant 1024 : i32
    %mul3A_145 = arith.constant 1568 : i32
    %mul3A_146 = arith.muli %add3A, %mul3A_145 : i32
    "tpu.region"() ({
      %run_scoped3A = tpu.sem_alloc : memref<!tpu.dma_semaphore, #tpu.memory_space<semaphore_mem>>
      %dma_start3A_273 = arith.constant 0 : i32
      %dma_start3A_274 = tpu.memref_slice %arg16[%dma_start3A_273] : memref<3136xf32, #tpu.memory_space<vmem>> -> memref<1568xf32, #tpu.memory_space<vmem>>
      %dma_start3A_275 = tpu.memref_slice %arg8[%mul3A_146] : memref<50176xf32, #tpu.memory_space<hbm>> -> memref<1568xf32, #tpu.memory_space<hbm>>
      %dma_start3A_276 = arith.constant 0 : i32
      %dma_start3A_277 = tpu.memref_slice %arg16[%dma_start3A_276] : memref<3136xf32, #tpu.memory_space<vmem>> -> memref<1568xf32, #tpu.memory_space<vmem>>
      %dma_start3A_278 = tpu.memref_slice %arg8[%mul3A_146] : memref<50176xf32, #tpu.memory_space<hbm>> -> memref<1568xf32, #tpu.memory_space<hbm>>
      tpu.enqueue_dma source(%dma_start3A_278 : memref<1568xf32, #tpu.memory_space<hbm>>) target(%dma_start3A_277 : memref<1568xf32, #tpu.memory_space<vmem>>) target_semaphore(%run_scoped3A : memref<!tpu.dma_semaphore, #tpu.memory_space<semaphore_mem>>)
      %dma_wait3A_279 = arith.constant 0 : i32
      %dma_wait3A_280 = tpu.memref_slice %arg16[%dma_wait3A_279] : memref<3136xf32, #tpu.memory_space<vmem>> -> memref<1568xf32, #tpu.memory_space<vmem>>
      %dma_wait3A_281 = tpu.memref_slice %arg8[%mul3A_146] : memref<50176xf32, #tpu.memory_space<hbm>> -> memref<1568xf32, #tpu.memory_space<hbm>>
      %dma_wait3A_282 = arith.constant 0 : i32
      %dma_wait3A_283 = tpu.memref_slice %arg16[%dma_wait3A_282] : memref<3136xf32, #tpu.memory_space<vmem>> -> memref<1568xf32, #tpu.memory_space<vmem>>
      %dma_wait3A_284 = tpu.memref_slice %arg8[%mul3A_146] : memref<50176xf32, #tpu.memory_space<hbm>> -> memref<1568xf32, #tpu.memory_space<hbm>>
      tpu.wait_dma2 semaphore(%run_scoped3A : memref<!tpu.dma_semaphore, #tpu.memory_space<semaphore_mem>>) src(%dma_wait3A_284 : memref<1568xf32, #tpu.memory_space<hbm>>) dst(%dma_wait3A_283 : memref<1568xf32, #tpu.memory_space<vmem>>)
      tpu.yield
    }) : () -> ()
    %mul3A_147 = arith.constant 1568 : i32
    %mul3A_148 = arith.muli %add3A, %mul3A_147 : i32
    "tpu.region"() ({
      %run_scoped3A = tpu.sem_alloc : memref<!tpu.dma_semaphore, #tpu.memory_space<semaphore_mem>>
      %dma_start3A_273 = arith.constant 0 : i32
      %dma_start3A_274 = tpu.memref_slice %arg17[%dma_start3A_273] : memref<3136xi32, #tpu.memory_space<vmem>> -> memref<1568xi32, #tpu.memory_space<vmem>>
      %dma_start3A_275 = tpu.memref_slice %arg9[%mul3A_148] : memref<50176xi32, #tpu.memory_space<hbm>> -> memref<1568xi32, #tpu.memory_space<hbm>>
      %dma_start3A_276 = arith.constant 0 : i32
      %dma_start3A_277 = tpu.memref_slice %arg17[%dma_start3A_276] : memref<3136xi32, #tpu.memory_space<vmem>> -> memref<1568xi32, #tpu.memory_space<vmem>>
      %dma_start3A_278 = tpu.memref_slice %arg9[%mul3A_148] : memref<50176xi32, #tpu.memory_space<hbm>> -> memref<1568xi32, #tpu.memory_space<hbm>>
      tpu.enqueue_dma source(%dma_start3A_278 : memref<1568xi32, #tpu.memory_space<hbm>>) target(%dma_start3A_277 : memref<1568xi32, #tpu.memory_space<vmem>>) target_semaphore(%run_scoped3A : memref<!tpu.dma_semaphore, #tpu.memory_space<semaphore_mem>>)
      %dma_wait3A_279 = arith.constant 0 : i32
      %dma_wait3A_280 = tpu.memref_slice %arg17[%dma_wait3A_279] : memref<3136xi32, #tpu.memory_space<vmem>> -> memref<1568xi32, #tpu.memory_space<vmem>>
      %dma_wait3A_281 = tpu.memref_slice %arg9[%mul3A_148] : memref<50176xi32, #tpu.memory_space<hbm>> -> memref<1568xi32, #tpu.memory_space<hbm>>
      %dma_wait3A_282 = arith.constant 0 : i32
      %dma_wait3A_283 = tpu.memref_slice %arg17[%dma_wait3A_282] : memref<3136xi32, #tpu.memory_space<vmem>> -> memref<1568xi32, #tpu.memory_space<vmem>>
      %dma_wait3A_284 = tpu.memref_slice %arg9[%mul3A_148] : memref<50176xi32, #tpu.memory_space<hbm>> -> memref<1568xi32, #tpu.memory_space<hbm>>
      tpu.wait_dma2 semaphore(%run_scoped3A : memref<!tpu.dma_semaphore, #tpu.memory_space<semaphore_mem>>) src(%dma_wait3A_284 : memref<1568xi32, #tpu.memory_space<hbm>>) dst(%dma_wait3A_283 : memref<1568xi32, #tpu.memory_space<vmem>>)
      tpu.yield
    }) : () -> ()
    %scan3A_149 = arith.constant 0 : i32
    %scan3A_150 = arith.constant 0 : i32
    %scan3A_151 = arith.constant 98 : i32
    %scan3A_152 = arith.addi %scan3A_150, %scan3A_151 : i32
    %scan3A_153 = arith.constant 1 : i32
    %scan3A_154 = scf.for %scan3A_273 = %scan3A_150 to %scan3A_152 step %scan3A_153 iter_args(%scan3A_274 = %scan3A_149) -> (i32)  : i32 {
      %mul3A_275 = arith.constant 16 : i32
      %mul3A_276 = arith.muli %scan3A_273, %mul3A_275 : i32
      %get3A = arith.index_cast %mul3A_276 : i32 to index
      %get3A_277 = tpu.vector_load %arg16[%get3A] {strides = array<i32>} : memref<3136xf32, #tpu.memory_space<vmem>>, vector<16xf32>,
      %mul3A_278 = arith.constant 16 : i32
      %mul3A_279 = arith.muli %scan3A_273, %mul3A_278 : i32
      %get3A_280 = arith.index_cast %mul3A_279 : i32 to index
      %get3A_281 = tpu.vector_load %arg17[%get3A_280] {strides = array<i32>} : memref<3136xi32, #tpu.memory_space<vmem>>, vector<16xi32>,
      %add3A_282 = arith.addi %get3A_281, %mul3A_6 : vector<16xi32>
      tpu.vector_store_idx %arg18[%add3A_282], %get3A_277 {add = true} : memref<16384xf32, #tpu.memory_space<vmem>>[vector<16xi32>], vector<16xf32>,
      %scan3A_283 = arith.constant 0 : i32
      scf.yield %scan3A_283 : i32
    }
    %scan3A_155 = arith.constant 98 : i32
    %dma_wait3A_156 = arith.constant 0 : i32
    %dma_wait3A_157 = tpu.memref_slice %arg11[%dma_wait3A_156] : memref<100000xi32, #tpu.memory_space<vmem>> -> memref<50000xi32, #tpu.memory_space<vmem>>
    %dma_wait3A_158 = arith.constant 0 : i32
    %dma_wait3A_159 = tpu.memref_slice %arg3[%dma_wait3A_158] : memref<50176xi32, #tpu.memory_space<hbm>> -> memref<50000xi32, #tpu.memory_space<hbm>>
    %dma_wait3A_160 = arith.constant 0 : i32
    %dma_wait3A_161 = tpu.memref_slice %arg11[%dma_wait3A_160] : memref<100000xi32, #tpu.memory_space<vmem>> -> memref<50000xi32, #tpu.memory_space<vmem>>
    %dma_wait3A_162 = arith.constant 0 : i32
    %dma_wait3A_163 = tpu.memref_slice %arg3[%dma_wait3A_162] : memref<50176xi32, #tpu.memory_space<hbm>> -> memref<50000xi32, #tpu.memory_space<hbm>>
    tpu.wait_dma2 semaphore(%arg19 : memref<!tpu.dma_semaphore, #tpu.memory_space<semaphore_mem>>) src(%dma_wait3A_163 : memref<50000xi32, #tpu.memory_space<hbm>>) dst(%dma_wait3A_161 : memref<50000xi32, #tpu.memory_space<vmem>>)
    %sub3A_164 = arith.constant 3125 : i32
    %sub3A_165 = arith.subi %sub3A_164, %add3A : i32
    %add3A_166 = arith.constant 32 : i32
    %add3A_167 = arith.addi %sub3A_165, %add3A_166 : i32
    %sub3A_168 = arith.constant 1 : i32
    %sub3A_169 = arith.subi %add3A_167, %sub3A_168 : i32
    %jit3A_170 = arith.constant 32 : i32
    %div3A_171 = arith.divsi %sub3A_169, %jit3A_170 : i32
    %sign3A_172 = arith.constant 0 : i32
    %sign3A_173 = arith.cmpi sgt, %sub3A_169, %sign3A_172 : i32
    %sign3A_174 = arith.extui %sign3A_173 : i1 to i32
    %sign3A_175 = arith.constant 0 : i32
    %sign3A_176 = arith.cmpi slt, %sub3A_169, %sign3A_175 : i32
    %sign3A_177 = arith.extui %sign3A_176 : i1 to i32
    %sign3A_178 = arith.subi %sign3A_174, %sign3A_177 : i32
    %sign3A_179 = arith.constant 0 : i32
    %sign3A_180 = arith.cmpi sgt, %jit3A_170, %sign3A_179 : i32
    %sign3A_181 = arith.extui %sign3A_180 : i1 to i32
    %sign3A_182 = arith.constant 0 : i32
    %sign3A_183 = arith.cmpi slt, %jit3A_170, %sign3A_182 : i32
    %sign3A_184 = arith.extui %sign3A_183 : i1 to i32
    %sign3A_185 = arith.subi %sign3A_181, %sign3A_184 : i32
    %ne3A_186 = arith.cmpi ne, %sign3A_178, %sign3A_185 : i32
    %rem3A_187 = arith.remsi %sub3A_169, %jit3A_170 : i32
    %ne3A_188 = arith.constant 0 : i32
    %ne3A_189 = arith.cmpi ne, %rem3A_187, %ne3A_188 : i32
    %and3A_190 = arith.andi %ne3A_186, %ne3A_189 : i1
    %sub3A_191 = arith.constant 1 : i32
    %sub3A_192 = arith.subi %div3A_171, %sub3A_191 : i32
    %select_n3A_193 = arith.select %and3A_190, %sub3A_192, %div3A_171 : i32
    %add3A_194 = arith.constant 0 : i32
    %add3A_195 = arith.addi %add3A_194, %add3A : i32
    %mul3A_196 = arith.constant 512 : i32
    %mul3A_197 = arith.muli %add3A_195, %mul3A_196 : i32
    %dma_start3A_198 = arith.constant 0 : i32
    %dma_start3A_199 = tpu.memref_slice %arg5[%dma_start3A_198, %mul3A_197] : memref<2x1600000xi32, #tpu.memory_space<hbm>> -> memref<2x512xi32, #tpu.memory_space<hbm>>
    %dma_start3A_200 = arith.constant 0 : i32
    %dma_start3A_201 = tpu.memref_slice %arg5[%dma_start3A_200, %mul3A_197] : memref<2x1600000xi32, #tpu.memory_space<hbm>> -> memref<2x512xi32, #tpu.memory_space<hbm>>
    tpu.enqueue_dma source(%dma_start3A_201 : memref<2x512xi32, #tpu.memory_space<hbm>>) target(%arg12 : memref<2x512xi32, #tpu.memory_space<vmem>>) target_semaphore(%arg20 : memref<!tpu.dma_semaphore, #tpu.memory_space<semaphore_mem>>)
    %add3A_202 = arith.constant 32 : i32
    %add3A_203 = arith.addi %add3A_202, %add3A : i32
    %mul3A_204 = arith.constant 512 : i32
    %mul3A_205 = arith.muli %add3A_203, %mul3A_204 : i32
    %dma_start3A_206 = arith.constant 0 : i32
    %dma_start3A_207 = tpu.memref_slice %arg5[%dma_start3A_206, %mul3A_205] : memref<2x1600000xi32, #tpu.memory_space<hbm>> -> memref<2x512xi32, #tpu.memory_space<hbm>>
    %dma_start3A_208 = arith.constant 0 : i32
    %dma_start3A_209 = tpu.memref_slice %arg5[%dma_start3A_208, %mul3A_205] : memref<2x1600000xi32, #tpu.memory_space<hbm>> -> memref<2x512xi32, #tpu.memory_space<hbm>>
    tpu.enqueue_dma source(%dma_start3A_209 : memref<2x512xi32, #tpu.memory_space<hbm>>) target(%arg13 : memref<2x512xi32, #tpu.memory_space<vmem>>) target_semaphore(%arg21 : memref<!tpu.dma_semaphore, #tpu.memory_space<semaphore_mem>>)
    %add3A_210 = arith.constant 64 : i32
    %add3A_211 = arith.addi %add3A_210, %add3A : i32
    %mul3A_212 = arith.constant 512 : i32
    %mul3A_213 = arith.muli %add3A_211, %mul3A_212 : i32
    %dma_start3A_214 = arith.constant 0 : i32
    %dma_start3A_215 = tpu.memref_slice %arg5[%dma_start3A_214, %mul3A_213] : memref<2x1600000xi32, #tpu.memory_space<hbm>> -> memref<2x512xi32, #tpu.memory_space<hbm>>
    %dma_start3A_216 = arith.constant 0 : i32
    %dma_start3A_217 = tpu.memref_slice %arg5[%dma_start3A_216, %mul3A_213] : memref<2x1600000xi32, #tpu.memory_space<hbm>> -> memref<2x512xi32, #tpu.memory_space<hbm>>
    tpu.enqueue_dma source(%dma_start3A_217 : memref<2x512xi32, #tpu.memory_space<hbm>>) target(%arg14 : memref<2x512xi32, #tpu.memory_space<vmem>>) target_semaphore(%arg22 : memref<!tpu.dma_semaphore, #tpu.memory_space<semaphore_mem>>)
    %add3A_218 = arith.constant 96 : i32
    %add3A_219 = arith.addi %add3A_218, %add3A : i32
    %mul3A_220 = arith.constant 512 : i32
    %mul3A_221 = arith.muli %add3A_219, %mul3A_220 : i32
    %dma_start3A_222 = arith.constant 0 : i32
    %dma_start3A_223 = tpu.memref_slice %arg5[%dma_start3A_222, %mul3A_221] : memref<2x1600000xi32, #tpu.memory_space<hbm>> -> memref<2x512xi32, #tpu.memory_space<hbm>>
    %dma_start3A_224 = arith.constant 0 : i32
    %dma_start3A_225 = tpu.memref_slice %arg5[%dma_start3A_224, %mul3A_221] : memref<2x1600000xi32, #tpu.memory_space<hbm>> -> memref<2x512xi32, #tpu.memory_space<hbm>>
    tpu.enqueue_dma source(%dma_start3A_225 : memref<2x512xi32, #tpu.memory_space<hbm>>) target(%arg15 : memref<2x512xi32, #tpu.memory_space<vmem>>) target_semaphore(%arg23 : memref<!tpu.dma_semaphore, #tpu.memory_space<semaphore_mem>>)
    %add3A_226 = arith.constant 4 : i32
    %add3A_227 = arith.addi %select_n3A_193, %add3A_226 : i32
    %sub3A_228 = arith.constant 1 : i32
    %sub3A_229 = arith.subi %add3A_227, %sub3A_228 : i32
    %jit3A_230 = arith.constant 4 : i32
    %div3A_231 = arith.divsi %sub3A_229, %jit3A_230 : i32
    %sign3A_232 = arith.constant 0 : i32
    %sign3A_233 = arith.cmpi sgt, %sub3A_229, %sign3A_232 : i32
    %sign3A_234 = arith.extui %sign3A_233 : i1 to i32
    %sign3A_235 = arith.constant 0 : i32
    %sign3A_236 = arith.cmpi slt, %sub3A_229, %sign3A_235 : i32
    %sign3A_237 = arith.extui %sign3A_236 : i1 to i32
    %sign3A_238 = arith.subi %sign3A_234, %sign3A_237 : i32
    %sign3A_239 = arith.constant 0 : i32
    %sign3A_240 = arith.cmpi sgt, %jit3A_230, %sign3A_239 : i32
    %sign3A_241 = arith.extui %sign3A_240 : i1 to i32
    %sign3A_242 = arith.constant 0 : i32
    %sign3A_243 = arith.cmpi slt, %jit3A_230, %sign3A_242 : i32
    %sign3A_244 = arith.extui %sign3A_243 : i1 to i32
    %sign3A_245 = arith.subi %sign3A_241, %sign3A_244 : i32
    %ne3A_246 = arith.cmpi ne, %sign3A_238, %sign3A_245 : i32
    %rem3A_247 = arith.remsi %sub3A_229, %jit3A_230 : i32
    %ne3A_248 = arith.constant 0 : i32
    %ne3A_249 = arith.cmpi ne, %rem3A_247, %ne3A_248 : i32
    %and3A_250 = arith.andi %ne3A_246, %ne3A_249 : i1
    %sub3A_251 = arith.constant 1 : i32
    %sub3A_252 = arith.subi %div3A_231, %sub3A_251 : i32
    %select_n3A_253 = arith.select %and3A_250, %sub3A_252, %div3A_231 : i32
    %while3A_254 = arith.constant 0 : i32
    %while3A_255 = arith.constant 0 : i32
    %while3A_256 = arith.subi %select_n3A_253, %while3A_254 : i32
    %while3A_257 = arith.addi %while3A_254, %while3A_256 : i32
    %while3A_258 = arith.constant 1 : i32
    %while3A_259 = arith.divsi %while3A_256, %while3A_258 : i32
    %while3A_260 = arith.muli %while3A_259, %while3A_258 : i32
    %while3A_261 = arith.addi %while3A_254, %while3A_260 : i32
    %while3A_262 = arith.constant 1 : i32
    %while3A_263 = scf.for %while3A_273 = %while3A_254 to %while3A_261 step %while3A_262 iter_args(%while3A_274 = %while3A_255) -> (i32)  : i32 {
      %mul3A_275 = arith.constant 4 : i32
      %mul3A_276 = arith.muli %while3A_273, %mul3A_275 : i32
      %add3A_277 = arith.constant 0 : i32
      %add3A_278 = arith.addi %mul3A_276, %add3A_277 : i32
      %lt3A = arith.cmpi slt, %add3A_278, %select_n3A_193 : i32
      %convert_element_type3A = arith.extui %lt3A : i1 to i32
      %cond3A = arith.constant 0 : i32
      %cond3A_279 = arith.cmpi ne, %convert_element_type3A, %cond3A : i32
      scf.if %cond3A_279 {
        %dma_wait3A_305 = arith.constant 0 : i32
        %dma_wait3A_306 = arith.constant 0 : i32
        %dma_wait3A_307 = tpu.memref_slice %arg5[%dma_wait3A_305, %dma_wait3A_306] : memref<2x1600000xi32, #tpu.memory_space<hbm>> -> memref<2x512xi32, #tpu.memory_space<hbm>>
        %dma_wait3A_308 = arith.constant 0 : i32
        %dma_wait3A_309 = arith.constant 0 : i32
        %dma_wait3A_310 = tpu.memref_slice %arg5[%dma_wait3A_308, %dma_wait3A_309] : memref<2x1600000xi32, #tpu.memory_space<hbm>> -> memref<2x512xi32, #tpu.memory_space<hbm>>
        tpu.wait_dma2 semaphore(%arg20 : memref<!tpu.dma_semaphore, #tpu.memory_space<semaphore_mem>>) src(%dma_wait3A_310 : memref<2x512xi32, #tpu.memory_space<hbm>>) dst(%arg12 : memref<2x512xi32, #tpu.memory_space<vmem>>)
        %parallel_loop3A = arith.constant 0 : i32
        %parallel_loop3A_311 = arith.constant 32 : i32
        %parallel_loop3A_312 = arith.constant 1 : i32
        scf.for %parallel_loop3A_319 = %parallel_loop3A to %parallel_loop3A_311 step %parallel_loop3A_312  : i32 {
          %parallel_loop3A_320 = arith.constant 16 : i32
          %parallel_loop3A_321 = arith.muli %parallel_loop3A_319, %parallel_loop3A_320 : i32
          %parallel_loop3A_322 = arith.constant 0 : i32
          %parallel_loop3A_323 = arith.index_cast %parallel_loop3A_322 : i32 to index
          %parallel_loop3A_324 = arith.index_cast %parallel_loop3A_321 : i32 to index
          %parallel_loop3A_325 = tpu.vector_load %arg12[%parallel_loop3A_323, %parallel_loop3A_324] {strides = array<i32>} : memref<2x512xi32, #tpu.memory_space<vmem>>, vector<16xi32>,
          %parallel_loop3A_326 = arith.constant 16 : i32
          %parallel_loop3A_327 = arith.muli %parallel_loop3A_319, %parallel_loop3A_326 : i32
          %parallel_loop3A_328 = arith.constant 1 : i32
          %parallel_loop3A_329 = arith.index_cast %parallel_loop3A_328 : i32 to index
          %parallel_loop3A_330 = arith.index_cast %parallel_loop3A_327 : i32 to index
          %parallel_loop3A_331 = tpu.vector_load %arg12[%parallel_loop3A_329, %parallel_loop3A_330] {strides = array<i32>} : memref<2x512xi32, #tpu.memory_space<vmem>>, vector<16xi32>,
          %parallel_loop3A_332 = tpu.vector_load_idx %arg11[%parallel_loop3A_325] : memref<100000xi32, #tpu.memory_space<vmem>>[vector<16xi32>], vector<16xi32>,
          %parallel_loop3A_333 = tpu.vector_load_idx %arg11[%parallel_loop3A_331] : memref<100000xi32, #tpu.memory_space<vmem>>[vector<16xi32>], vector<16xi32>,
          %parallel_loop3A_334 = arith.andi %parallel_loop3A_332, %broadcast_in_dim3A_1 : vector<16xi32>
          %parallel_loop3A_335 = vector.bitcast %parallel_loop3A_334 : vector<16xi32> to vector<16xf32>
          %parallel_loop3A_336 = arith.andi %parallel_loop3A_333, %broadcast_in_dim3A_3 : vector<16xi32>
          %parallel_loop3A_337 = arith.addi %parallel_loop3A_336, %mul3A_6 : vector<16xi32>
          tpu.vector_store_idx %arg18[%parallel_loop3A_337], %parallel_loop3A_335 {add = true} : memref<16384xf32, #tpu.memory_space<vmem>>[vector<16xi32>], vector<16xf32>,
        } {sc.loop_unroll_factor = 16 : i64, sc.parallel_access}
        %add3A_313 = arith.constant 4 : i32
        %add3A_314 = arith.addi %add3A_278, %add3A_313 : i32
        %lt3A_315 = arith.cmpi slt, %add3A_314, %select_n3A_193 : i32
        %convert_element_type3A_316 = arith.extui %lt3A_315 : i1 to i32
        %cond3A_317 = arith.constant 0 : i32
        %cond3A_318 = arith.cmpi ne, %convert_element_type3A_316, %cond3A_317 : i32
        scf.if %cond3A_318 {
          %add3A_319 = arith.constant 4 : i32
          %add3A_320 = arith.addi %add3A_278, %add3A_319 : i32
          %mul3A_321 = arith.constant 32 : i32
          %mul3A_322 = arith.muli %add3A_320, %mul3A_321 : i32
          %add3A_323 = arith.addi %mul3A_322, %add3A : i32
          %mul3A_324 = arith.constant 512 : i32
          %mul3A_325 = arith.muli %add3A_323, %mul3A_324 : i32
          %dma_start3A_326 = arith.constant 0 : i32
          %dma_start3A_327 = tpu.memref_slice %arg5[%dma_start3A_326, %mul3A_325] : memref<2x1600000xi32, #tpu.memory_space<hbm>> -> memref<2x512xi32, #tpu.memory_space<hbm>>
          %dma_start3A_328 = arith.constant 0 : i32
          %dma_start3A_329 = tpu.memref_slice %arg5[%dma_start3A_328, %mul3A_325] : memref<2x1600000xi32, #tpu.memory_space<hbm>> -> memref<2x512xi32, #tpu.memory_space<hbm>>
          tpu.enqueue_dma source(%dma_start3A_329 : memref<2x512xi32, #tpu.memory_space<hbm>>) target(%arg12 : memref<2x512xi32, #tpu.memory_space<vmem>>) target_semaphore(%arg20 : memref<!tpu.dma_semaphore, #tpu.memory_space<semaphore_mem>>)
        } else {
        }
      } else {
      }
      %mul3A_280 = arith.constant 4 : i32
      %mul3A_281 = arith.muli %while3A_273, %mul3A_280 : i32
      %add3A_282 = arith.constant 1 : i32
      %add3A_283 = arith.addi %mul3A_281, %add3A_282 : i32
      %lt3A_284 = arith.cmpi slt, %add3A_283, %select_n3A_193 : i32
      %convert_element_type3A_285 = arith.extui %lt3A_284 : i1 to i32
      %cond3A_286 = arith.constant 0 : i32
      %cond3A_287 = arith.cmpi ne, %convert_element_type3A_285, %cond3A_286 : i32
      scf.if %cond3A_287 {
        %dma_wait3A_305 = arith.constant 0 : i32
        %dma_wait3A_306 = arith.constant 0 : i32
        %dma_wait3A_307 = tpu.memref_slice %arg5[%dma_wait3A_305, %dma_wait3A_306] : memref<2x1600000xi32, #tpu.memory_space<hbm>> -> memref<2x512xi32, #tpu.memory_space<hbm>>
        %dma_wait3A_308 = arith.constant 0 : i32
        %dma_wait3A_309 = arith.constant 0 : i32
        %dma_wait3A_310 = tpu.memref_slice %arg5[%dma_wait3A_308, %dma_wait3A_309] : memref<2x1600000xi32, #tpu.memory_space<hbm>> -> memref<2x512xi32, #tpu.memory_space<hbm>>
        tpu.wait_dma2 semaphore(%arg21 : memref<!tpu.dma_semaphore, #tpu.memory_space<semaphore_mem>>) src(%dma_wait3A_310 : memref<2x512xi32, #tpu.memory_space<hbm>>) dst(%arg13 : memref<2x512xi32, #tpu.memory_space<vmem>>)
        %parallel_loop3A = arith.constant 0 : i32
        %parallel_loop3A_311 = arith.constant 32 : i32
        %parallel_loop3A_312 = arith.constant 1 : i32
        scf.for %parallel_loop3A_319 = %parallel_loop3A to %parallel_loop3A_311 step %parallel_loop3A_312  : i32 {
          %parallel_loop3A_320 = arith.constant 16 : i32
          %parallel_loop3A_321 = arith.muli %parallel_loop3A_319, %parallel_loop3A_320 : i32
          %parallel_loop3A_322 = arith.constant 0 : i32
          %parallel_loop3A_323 = arith.index_cast %parallel_loop3A_322 : i32 to index
          %parallel_loop3A_324 = arith.index_cast %parallel_loop3A_321 : i32 to index
          %parallel_loop3A_325 = tpu.vector_load %arg13[%parallel_loop3A_323, %parallel_loop3A_324] {strides = array<i32>} : memref<2x512xi32, #tpu.memory_space<vmem>>, vector<16xi32>,
          %parallel_loop3A_326 = arith.constant 16 : i32
          %parallel_loop3A_327 = arith.muli %parallel_loop3A_319, %parallel_loop3A_326 : i32
          %parallel_loop3A_328 = arith.constant 1 : i32
          %parallel_loop3A_329 = arith.index_cast %parallel_loop3A_328 : i32 to index
          %parallel_loop3A_330 = arith.index_cast %parallel_loop3A_327 : i32 to index
          %parallel_loop3A_331 = tpu.vector_load %arg13[%parallel_loop3A_329, %parallel_loop3A_330] {strides = array<i32>} : memref<2x512xi32, #tpu.memory_space<vmem>>, vector<16xi32>,
          %parallel_loop3A_332 = tpu.vector_load_idx %arg11[%parallel_loop3A_325] : memref<100000xi32, #tpu.memory_space<vmem>>[vector<16xi32>], vector<16xi32>,
          %parallel_loop3A_333 = tpu.vector_load_idx %arg11[%parallel_loop3A_331] : memref<100000xi32, #tpu.memory_space<vmem>>[vector<16xi32>], vector<16xi32>,
          %parallel_loop3A_334 = arith.andi %parallel_loop3A_332, %broadcast_in_dim3A_1 : vector<16xi32>
          %parallel_loop3A_335 = vector.bitcast %parallel_loop3A_334 : vector<16xi32> to vector<16xf32>
          %parallel_loop3A_336 = arith.andi %parallel_loop3A_333, %broadcast_in_dim3A_3 : vector<16xi32>
          %parallel_loop3A_337 = arith.addi %parallel_loop3A_336, %mul3A_6 : vector<16xi32>
          tpu.vector_store_idx %arg18[%parallel_loop3A_337], %parallel_loop3A_335 {add = true} : memref<16384xf32, #tpu.memory_space<vmem>>[vector<16xi32>], vector<16xf32>,
        } {sc.loop_unroll_factor = 16 : i64, sc.parallel_access}
        %add3A_313 = arith.constant 4 : i32
        %add3A_314 = arith.addi %add3A_283, %add3A_313 : i32
        %lt3A_315 = arith.cmpi slt, %add3A_314, %select_n3A_193 : i32
        %convert_element_type3A_316 = arith.extui %lt3A_315 : i1 to i32
        %cond3A_317 = arith.constant 0 : i32
        %cond3A_318 = arith.cmpi ne, %convert_element_type3A_316, %cond3A_317 : i32
        scf.if %cond3A_318 {
          %add3A_319 = arith.constant 4 : i32
          %add3A_320 = arith.addi %add3A_283, %add3A_319 : i32
          %mul3A_321 = arith.constant 32 : i32
          %mul3A_322 = arith.muli %add3A_320, %mul3A_321 : i32
          %add3A_323 = arith.addi %mul3A_322, %add3A : i32
          %mul3A_324 = arith.constant 512 : i32
          %mul3A_325 = arith.muli %add3A_323, %mul3A_324 : i32
          %dma_start3A_326 = arith.constant 0 : i32
          %dma_start3A_327 = tpu.memref_slice %arg5[%dma_start3A_326, %mul3A_325] : memref<2x1600000xi32, #tpu.memory_space<hbm>> -> memref<2x512xi32, #tpu.memory_space<hbm>>
          %dma_start3A_328 = arith.constant 0 : i32
          %dma_start3A_329 = tpu.memref_slice %arg5[%dma_start3A_328, %mul3A_325] : memref<2x1600000xi32, #tpu.memory_space<hbm>> -> memref<2x512xi32, #tpu.memory_space<hbm>>
          tpu.enqueue_dma source(%dma_start3A_329 : memref<2x512xi32, #tpu.memory_space<hbm>>) target(%arg13 : memref<2x512xi32, #tpu.memory_space<vmem>>) target_semaphore(%arg21 : memref<!tpu.dma_semaphore, #tpu.memory_space<semaphore_mem>>)
        } else {
        }
      } else {
      }
      %mul3A_288 = arith.constant 4 : i32
      %mul3A_289 = arith.muli %while3A_273, %mul3A_288 : i32
      %add3A_290 = arith.constant 2 : i32
      %add3A_291 = arith.addi %mul3A_289, %add3A_290 : i32
      %lt3A_292 = arith.cmpi slt, %add3A_291, %select_n3A_193 : i32
      %convert_element_type3A_293 = arith.extui %lt3A_292 : i1 to i32
      %cond3A_294 = arith.constant 0 : i32
      %cond3A_295 = arith.cmpi ne, %convert_element_type3A_293, %cond3A_294 : i32
      scf.if %cond3A_295 {
        %dma_wait3A_305 = arith.constant 0 : i32
        %dma_wait3A_306 = arith.constant 0 : i32
        %dma_wait3A_307 = tpu.memref_slice %arg5[%dma_wait3A_305, %dma_wait3A_306] : memref<2x1600000xi32, #tpu.memory_space<hbm>> -> memref<2x512xi32, #tpu.memory_space<hbm>>
        %dma_wait3A_308 = arith.constant 0 : i32
        %dma_wait3A_309 = arith.constant 0 : i32
        %dma_wait3A_310 = tpu.memref_slice %arg5[%dma_wait3A_308, %dma_wait3A_309] : memref<2x1600000xi32, #tpu.memory_space<hbm>> -> memref<2x512xi32, #tpu.memory_space<hbm>>
        tpu.wait_dma2 semaphore(%arg22 : memref<!tpu.dma_semaphore, #tpu.memory_space<semaphore_mem>>) src(%dma_wait3A_310 : memref<2x512xi32, #tpu.memory_space<hbm>>) dst(%arg14 : memref<2x512xi32, #tpu.memory_space<vmem>>)
        %parallel_loop3A = arith.constant 0 : i32
        %parallel_loop3A_311 = arith.constant 32 : i32
        %parallel_loop3A_312 = arith.constant 1 : i32
        scf.for %parallel_loop3A_319 = %parallel_loop3A to %parallel_loop3A_311 step %parallel_loop3A_312  : i32 {
          %parallel_loop3A_320 = arith.constant 16 : i32
          %parallel_loop3A_321 = arith.muli %parallel_loop3A_319, %parallel_loop3A_320 : i32
          %parallel_loop3A_322 = arith.constant 0 : i32
          %parallel_loop3A_323 = arith.index_cast %parallel_loop3A_322 : i32 to index
          %parallel_loop3A_324 = arith.index_cast %parallel_loop3A_321 : i32 to index
          %parallel_loop3A_325 = tpu.vector_load %arg14[%parallel_loop3A_323, %parallel_loop3A_324] {strides = array<i32>} : memref<2x512xi32, #tpu.memory_space<vmem>>, vector<16xi32>,
          %parallel_loop3A_326 = arith.constant 16 : i32
          %parallel_loop3A_327 = arith.muli %parallel_loop3A_319, %parallel_loop3A_326 : i32
          %parallel_loop3A_328 = arith.constant 1 : i32
          %parallel_loop3A_329 = arith.index_cast %parallel_loop3A_328 : i32 to index
          %parallel_loop3A_330 = arith.index_cast %parallel_loop3A_327 : i32 to index
          %parallel_loop3A_331 = tpu.vector_load %arg14[%parallel_loop3A_329, %parallel_loop3A_330] {strides = array<i32>} : memref<2x512xi32, #tpu.memory_space<vmem>>, vector<16xi32>,
          %parallel_loop3A_332 = tpu.vector_load_idx %arg11[%parallel_loop3A_325] : memref<100000xi32, #tpu.memory_space<vmem>>[vector<16xi32>], vector<16xi32>,
          %parallel_loop3A_333 = tpu.vector_load_idx %arg11[%parallel_loop3A_331] : memref<100000xi32, #tpu.memory_space<vmem>>[vector<16xi32>], vector<16xi32>,
          %parallel_loop3A_334 = arith.andi %parallel_loop3A_332, %broadcast_in_dim3A_1 : vector<16xi32>
          %parallel_loop3A_335 = vector.bitcast %parallel_loop3A_334 : vector<16xi32> to vector<16xf32>
          %parallel_loop3A_336 = arith.andi %parallel_loop3A_333, %broadcast_in_dim3A_3 : vector<16xi32>
          %parallel_loop3A_337 = arith.addi %parallel_loop3A_336, %mul3A_6 : vector<16xi32>
          tpu.vector_store_idx %arg18[%parallel_loop3A_337], %parallel_loop3A_335 {add = true} : memref<16384xf32, #tpu.memory_space<vmem>>[vector<16xi32>], vector<16xf32>,
        } {sc.loop_unroll_factor = 16 : i64, sc.parallel_access}
        %add3A_313 = arith.constant 4 : i32
        %add3A_314 = arith.addi %add3A_291, %add3A_313 : i32
        %lt3A_315 = arith.cmpi slt, %add3A_314, %select_n3A_193 : i32
        %convert_element_type3A_316 = arith.extui %lt3A_315 : i1 to i32
        %cond3A_317 = arith.constant 0 : i32
        %cond3A_318 = arith.cmpi ne, %convert_element_type3A_316, %cond3A_317 : i32
        scf.if %cond3A_318 {
          %add3A_319 = arith.constant 4 : i32
          %add3A_320 = arith.addi %add3A_291, %add3A_319 : i32
          %mul3A_321 = arith.constant 32 : i32
          %mul3A_322 = arith.muli %add3A_320, %mul3A_321 : i32
          %add3A_323 = arith.addi %mul3A_322, %add3A : i32
          %mul3A_324 = arith.constant 512 : i32
          %mul3A_325 = arith.muli %add3A_323, %mul3A_324 : i32
          %dma_start3A_326 = arith.constant 0 : i32
          %dma_start3A_327 = tpu.memref_slice %arg5[%dma_start3A_326, %mul3A_325] : memref<2x1600000xi32, #tpu.memory_space<hbm>> -> memref<2x512xi32, #tpu.memory_space<hbm>>
          %dma_start3A_328 = arith.constant 0 : i32
          %dma_start3A_329 = tpu.memref_slice %arg5[%dma_start3A_328, %mul3A_325] : memref<2x1600000xi32, #tpu.memory_space<hbm>> -> memref<2x512xi32, #tpu.memory_space<hbm>>
          tpu.enqueue_dma source(%dma_start3A_329 : memref<2x512xi32, #tpu.memory_space<hbm>>) target(%arg14 : memref<2x512xi32, #tpu.memory_space<vmem>>) target_semaphore(%arg22 : memref<!tpu.dma_semaphore, #tpu.memory_space<semaphore_mem>>)
        } else {
        }
      } else {
      }
      %mul3A_296 = arith.constant 4 : i32
      %mul3A_297 = arith.muli %while3A_273, %mul3A_296 : i32
      %add3A_298 = arith.constant 3 : i32
      %add3A_299 = arith.addi %mul3A_297, %add3A_298 : i32
      %lt3A_300 = arith.cmpi slt, %add3A_299, %select_n3A_193 : i32
      %convert_element_type3A_301 = arith.extui %lt3A_300 : i1 to i32
      %cond3A_302 = arith.constant 0 : i32
      %cond3A_303 = arith.cmpi ne, %convert_element_type3A_301, %cond3A_302 : i32
      scf.if %cond3A_303 {
        %dma_wait3A_305 = arith.constant 0 : i32
        %dma_wait3A_306 = arith.constant 0 : i32
        %dma_wait3A_307 = tpu.memref_slice %arg5[%dma_wait3A_305, %dma_wait3A_306] : memref<2x1600000xi32, #tpu.memory_space<hbm>> -> memref<2x512xi32, #tpu.memory_space<hbm>>
        %dma_wait3A_308 = arith.constant 0 : i32
        %dma_wait3A_309 = arith.constant 0 : i32
        %dma_wait3A_310 = tpu.memref_slice %arg5[%dma_wait3A_308, %dma_wait3A_309] : memref<2x1600000xi32, #tpu.memory_space<hbm>> -> memref<2x512xi32, #tpu.memory_space<hbm>>
        tpu.wait_dma2 semaphore(%arg23 : memref<!tpu.dma_semaphore, #tpu.memory_space<semaphore_mem>>) src(%dma_wait3A_310 : memref<2x512xi32, #tpu.memory_space<hbm>>) dst(%arg15 : memref<2x512xi32, #tpu.memory_space<vmem>>)
        %parallel_loop3A = arith.constant 0 : i32
        %parallel_loop3A_311 = arith.constant 32 : i32
        %parallel_loop3A_312 = arith.constant 1 : i32
        scf.for %parallel_loop3A_319 = %parallel_loop3A to %parallel_loop3A_311 step %parallel_loop3A_312  : i32 {
          %parallel_loop3A_320 = arith.constant 16 : i32
          %parallel_loop3A_321 = arith.muli %parallel_loop3A_319, %parallel_loop3A_320 : i32
          %parallel_loop3A_322 = arith.constant 0 : i32
          %parallel_loop3A_323 = arith.index_cast %parallel_loop3A_322 : i32 to index
          %parallel_loop3A_324 = arith.index_cast %parallel_loop3A_321 : i32 to index
          %parallel_loop3A_325 = tpu.vector_load %arg15[%parallel_loop3A_323, %parallel_loop3A_324] {strides = array<i32>} : memref<2x512xi32, #tpu.memory_space<vmem>>, vector<16xi32>,
          %parallel_loop3A_326 = arith.constant 16 : i32
          %parallel_loop3A_327 = arith.muli %parallel_loop3A_319, %parallel_loop3A_326 : i32
          %parallel_loop3A_328 = arith.constant 1 : i32
          %parallel_loop3A_329 = arith.index_cast %parallel_loop3A_328 : i32 to index
          %parallel_loop3A_330 = arith.index_cast %parallel_loop3A_327 : i32 to index
          %parallel_loop3A_331 = tpu.vector_load %arg15[%parallel_loop3A_329, %parallel_loop3A_330] {strides = array<i32>} : memref<2x512xi32, #tpu.memory_space<vmem>>, vector<16xi32>,
          %parallel_loop3A_332 = tpu.vector_load_idx %arg11[%parallel_loop3A_325] : memref<100000xi32, #tpu.memory_space<vmem>>[vector<16xi32>], vector<16xi32>,
          %parallel_loop3A_333 = tpu.vector_load_idx %arg11[%parallel_loop3A_331] : memref<100000xi32, #tpu.memory_space<vmem>>[vector<16xi32>], vector<16xi32>,
          %parallel_loop3A_334 = arith.andi %parallel_loop3A_332, %broadcast_in_dim3A_1 : vector<16xi32>
          %parallel_loop3A_335 = vector.bitcast %parallel_loop3A_334 : vector<16xi32> to vector<16xf32>
          %parallel_loop3A_336 = arith.andi %parallel_loop3A_333, %broadcast_in_dim3A_3 : vector<16xi32>
          %parallel_loop3A_337 = arith.addi %parallel_loop3A_336, %mul3A_6 : vector<16xi32>
          tpu.vector_store_idx %arg18[%parallel_loop3A_337], %parallel_loop3A_335 {add = true} : memref<16384xf32, #tpu.memory_space<vmem>>[vector<16xi32>], vector<16xf32>,
        } {sc.loop_unroll_factor = 16 : i64, sc.parallel_access}
        %add3A_313 = arith.constant 4 : i32
        %add3A_314 = arith.addi %add3A_299, %add3A_313 : i32
        %lt3A_315 = arith.cmpi slt, %add3A_314, %select_n3A_193 : i32
        %convert_element_type3A_316 = arith.extui %lt3A_315 : i1 to i32
        %cond3A_317 = arith.constant 0 : i32
        %cond3A_318 = arith.cmpi ne, %convert_element_type3A_316, %cond3A_317 : i32
        scf.if %cond3A_318 {
          %add3A_319 = arith.constant 4 : i32
          %add3A_320 = arith.addi %add3A_299, %add3A_319 : i32
          %mul3A_321 = arith.constant 32 : i32
          %mul3A_322 = arith.muli %add3A_320, %mul3A_321 : i32
          %add3A_323 = arith.addi %mul3A_322, %add3A : i32
          %mul3A_324 = arith.constant 512 : i32
          %mul3A_325 = arith.muli %add3A_323, %mul3A_324 : i32
          %dma_start3A_326 = arith.constant 0 : i32
          %dma_start3A_327 = tpu.memref_slice %arg5[%dma_start3A_326, %mul3A_325] : memref<2x1600000xi32, #tpu.memory_space<hbm>> -> memref<2x512xi32, #tpu.memory_space<hbm>>
          %dma_start3A_328 = arith.constant 0 : i32
          %dma_start3A_329 = tpu.memref_slice %arg5[%dma_start3A_328, %mul3A_325] : memref<2x1600000xi32, #tpu.memory_space<hbm>> -> memref<2x512xi32, #tpu.memory_space<hbm>>
          tpu.enqueue_dma source(%dma_start3A_329 : memref<2x512xi32, #tpu.memory_space<hbm>>) target(%arg15 : memref<2x512xi32, #tpu.memory_space<vmem>>) target_semaphore(%arg23 : memref<!tpu.dma_semaphore, #tpu.memory_space<semaphore_mem>>)
        } else {
        }
      } else {
      }
      %while3A_304 = arith.constant 0 : i32
      scf.yield %while3A_304 : i32
    }
    %while3A_264 = arith.constant 1 : i32
    %while3A_265 = scf.for %while3A_273 = %while3A_261 to %while3A_257 step %while3A_264 iter_args(%while3A_274 = %while3A_263) -> (i32)  : i32 {
      %mul3A_275 = arith.constant 4 : i32
      %mul3A_276 = arith.muli %while3A_273, %mul3A_275 : i32
      %add3A_277 = arith.constant 0 : i32
      %add3A_278 = arith.addi %mul3A_276, %add3A_277 : i32
      %lt3A = arith.cmpi slt, %add3A_278, %select_n3A_193 : i32
      %convert_element_type3A = arith.extui %lt3A : i1 to i32
      %cond3A = arith.constant 0 : i32
      %cond3A_279 = arith.cmpi ne, %convert_element_type3A, %cond3A : i32
      scf.if %cond3A_279 {
        %dma_wait3A_305 = arith.constant 0 : i32
        %dma_wait3A_306 = arith.constant 0 : i32
        %dma_wait3A_307 = tpu.memref_slice %arg5[%dma_wait3A_305, %dma_wait3A_306] : memref<2x1600000xi32, #tpu.memory_space<hbm>> -> memref<2x512xi32, #tpu.memory_space<hbm>>
        %dma_wait3A_308 = arith.constant 0 : i32
        %dma_wait3A_309 = arith.constant 0 : i32
        %dma_wait3A_310 = tpu.memref_slice %arg5[%dma_wait3A_308, %dma_wait3A_309] : memref<2x1600000xi32, #tpu.memory_space<hbm>> -> memref<2x512xi32, #tpu.memory_space<hbm>>
        tpu.wait_dma2 semaphore(%arg20 : memref<!tpu.dma_semaphore, #tpu.memory_space<semaphore_mem>>) src(%dma_wait3A_310 : memref<2x512xi32, #tpu.memory_space<hbm>>) dst(%arg12 : memref<2x512xi32, #tpu.memory_space<vmem>>)
        %parallel_loop3A = arith.constant 0 : i32
        %parallel_loop3A_311 = arith.constant 32 : i32
        %parallel_loop3A_312 = arith.constant 1 : i32
        scf.for %parallel_loop3A_319 = %parallel_loop3A to %parallel_loop3A_311 step %parallel_loop3A_312  : i32 {
          %parallel_loop3A_320 = arith.constant 16 : i32
          %parallel_loop3A_321 = arith.muli %parallel_loop3A_319, %parallel_loop3A_320 : i32
          %parallel_loop3A_322 = arith.constant 0 : i32
          %parallel_loop3A_323 = arith.index_cast %parallel_loop3A_322 : i32 to index
          %parallel_loop3A_324 = arith.index_cast %parallel_loop3A_321 : i32 to index
          %parallel_loop3A_325 = tpu.vector_load %arg12[%parallel_loop3A_323, %parallel_loop3A_324] {strides = array<i32>} : memref<2x512xi32, #tpu.memory_space<vmem>>, vector<16xi32>,
          %parallel_loop3A_326 = arith.constant 16 : i32
          %parallel_loop3A_327 = arith.muli %parallel_loop3A_319, %parallel_loop3A_326 : i32
          %parallel_loop3A_328 = arith.constant 1 : i32
          %parallel_loop3A_329 = arith.index_cast %parallel_loop3A_328 : i32 to index
          %parallel_loop3A_330 = arith.index_cast %parallel_loop3A_327 : i32 to index
          %parallel_loop3A_331 = tpu.vector_load %arg12[%parallel_loop3A_329, %parallel_loop3A_330] {strides = array<i32>} : memref<2x512xi32, #tpu.memory_space<vmem>>, vector<16xi32>,
          %parallel_loop3A_332 = tpu.vector_load_idx %arg11[%parallel_loop3A_325] : memref<100000xi32, #tpu.memory_space<vmem>>[vector<16xi32>], vector<16xi32>,
          %parallel_loop3A_333 = tpu.vector_load_idx %arg11[%parallel_loop3A_331] : memref<100000xi32, #tpu.memory_space<vmem>>[vector<16xi32>], vector<16xi32>,
          %parallel_loop3A_334 = arith.andi %parallel_loop3A_332, %broadcast_in_dim3A_1 : vector<16xi32>
          %parallel_loop3A_335 = vector.bitcast %parallel_loop3A_334 : vector<16xi32> to vector<16xf32>
          %parallel_loop3A_336 = arith.andi %parallel_loop3A_333, %broadcast_in_dim3A_3 : vector<16xi32>
          %parallel_loop3A_337 = arith.addi %parallel_loop3A_336, %mul3A_6 : vector<16xi32>
          tpu.vector_store_idx %arg18[%parallel_loop3A_337], %parallel_loop3A_335 {add = true} : memref<16384xf32, #tpu.memory_space<vmem>>[vector<16xi32>], vector<16xf32>,
        } {sc.loop_unroll_factor = 16 : i64, sc.parallel_access}
        %add3A_313 = arith.constant 4 : i32
        %add3A_314 = arith.addi %add3A_278, %add3A_313 : i32
        %lt3A_315 = arith.cmpi slt, %add3A_314, %select_n3A_193 : i32
        %convert_element_type3A_316 = arith.extui %lt3A_315 : i1 to i32
        %cond3A_317 = arith.constant 0 : i32
        %cond3A_318 = arith.cmpi ne, %convert_element_type3A_316, %cond3A_317 : i32
        scf.if %cond3A_318 {
          %add3A_319 = arith.constant 4 : i32
          %add3A_320 = arith.addi %add3A_278, %add3A_319 : i32
          %mul3A_321 = arith.constant 32 : i32
          %mul3A_322 = arith.muli %add3A_320, %mul3A_321 : i32
          %add3A_323 = arith.addi %mul3A_322, %add3A : i32
          %mul3A_324 = arith.constant 512 : i32
          %mul3A_325 = arith.muli %add3A_323, %mul3A_324 : i32
          %dma_start3A_326 = arith.constant 0 : i32
          %dma_start3A_327 = tpu.memref_slice %arg5[%dma_start3A_326, %mul3A_325] : memref<2x1600000xi32, #tpu.memory_space<hbm>> -> memref<2x512xi32, #tpu.memory_space<hbm>>
          %dma_start3A_328 = arith.constant 0 : i32
          %dma_start3A_329 = tpu.memref_slice %arg5[%dma_start3A_328, %mul3A_325] : memref<2x1600000xi32, #tpu.memory_space<hbm>> -> memref<2x512xi32, #tpu.memory_space<hbm>>
          tpu.enqueue_dma source(%dma_start3A_329 : memref<2x512xi32, #tpu.memory_space<hbm>>) target(%arg12 : memref<2x512xi32, #tpu.memory_space<vmem>>) target_semaphore(%arg20 : memref<!tpu.dma_semaphore, #tpu.memory_space<semaphore_mem>>)
        } else {
        }
      } else {
      }
      %mul3A_280 = arith.constant 4 : i32
      %mul3A_281 = arith.muli %while3A_273, %mul3A_280 : i32
      %add3A_282 = arith.constant 1 : i32
      %add3A_283 = arith.addi %mul3A_281, %add3A_282 : i32
      %lt3A_284 = arith.cmpi slt, %add3A_283, %select_n3A_193 : i32
      %convert_element_type3A_285 = arith.extui %lt3A_284 : i1 to i32
      %cond3A_286 = arith.constant 0 : i32
      %cond3A_287 = arith.cmpi ne, %convert_element_type3A_285, %cond3A_286 : i32
      scf.if %cond3A_287 {
        %dma_wait3A_305 = arith.constant 0 : i32
        %dma_wait3A_306 = arith.constant 0 : i32
        %dma_wait3A_307 = tpu.memref_slice %arg5[%dma_wait3A_305, %dma_wait3A_306] : memref<2x1600000xi32, #tpu.memory_space<hbm>> -> memref<2x512xi32, #tpu.memory_space<hbm>>
        %dma_wait3A_308 = arith.constant 0 : i32
        %dma_wait3A_309 = arith.constant 0 : i32
        %dma_wait3A_310 = tpu.memref_slice %arg5[%dma_wait3A_308, %dma_wait3A_309] : memref<2x1600000xi32, #tpu.memory_space<hbm>> -> memref<2x512xi32, #tpu.memory_space<hbm>>
        tpu.wait_dma2 semaphore(%arg21 : memref<!tpu.dma_semaphore, #tpu.memory_space<semaphore_mem>>) src(%dma_wait3A_310 : memref<2x512xi32, #tpu.memory_space<hbm>>) dst(%arg13 : memref<2x512xi32, #tpu.memory_space<vmem>>)
        %parallel_loop3A = arith.constant 0 : i32
        %parallel_loop3A_311 = arith.constant 32 : i32
        %parallel_loop3A_312 = arith.constant 1 : i32
        scf.for %parallel_loop3A_319 = %parallel_loop3A to %parallel_loop3A_311 step %parallel_loop3A_312  : i32 {
          %parallel_loop3A_320 = arith.constant 16 : i32
          %parallel_loop3A_321 = arith.muli %parallel_loop3A_319, %parallel_loop3A_320 : i32
          %parallel_loop3A_322 = arith.constant 0 : i32
          %parallel_loop3A_323 = arith.index_cast %parallel_loop3A_322 : i32 to index
          %parallel_loop3A_324 = arith.index_cast %parallel_loop3A_321 : i32 to index
          %parallel_loop3A_325 = tpu.vector_load %arg13[%parallel_loop3A_323, %parallel_loop3A_324] {strides = array<i32>} : memref<2x512xi32, #tpu.memory_space<vmem>>, vector<16xi32>,
          %parallel_loop3A_326 = arith.constant 16 : i32
          %parallel_loop3A_327 = arith.muli %parallel_loop3A_319, %parallel_loop3A_326 : i32
          %parallel_loop3A_328 = arith.constant 1 : i32
          %parallel_loop3A_329 = arith.index_cast %parallel_loop3A_328 : i32 to index
          %parallel_loop3A_330 = arith.index_cast %parallel_loop3A_327 : i32 to index
          %parallel_loop3A_331 = tpu.vector_load %arg13[%parallel_loop3A_329, %parallel_loop3A_330] {strides = array<i32>} : memref<2x512xi32, #tpu.memory_space<vmem>>, vector<16xi32>,
          %parallel_loop3A_332 = tpu.vector_load_idx %arg11[%parallel_loop3A_325] : memref<100000xi32, #tpu.memory_space<vmem>>[vector<16xi32>], vector<16xi32>,
          %parallel_loop3A_333 = tpu.vector_load_idx %arg11[%parallel_loop3A_331] : memref<100000xi32, #tpu.memory_space<vmem>>[vector<16xi32>], vector<16xi32>,
          %parallel_loop3A_334 = arith.andi %parallel_loop3A_332, %broadcast_in_dim3A_1 : vector<16xi32>
          %parallel_loop3A_335 = vector.bitcast %parallel_loop3A_334 : vector<16xi32> to vector<16xf32>
          %parallel_loop3A_336 = arith.andi %parallel_loop3A_333, %broadcast_in_dim3A_3 : vector<16xi32>
          %parallel_loop3A_337 = arith.addi %parallel_loop3A_336, %mul3A_6 : vector<16xi32>
          tpu.vector_store_idx %arg18[%parallel_loop3A_337], %parallel_loop3A_335 {add = true} : memref<16384xf32, #tpu.memory_space<vmem>>[vector<16xi32>], vector<16xf32>,
        } {sc.loop_unroll_factor = 16 : i64, sc.parallel_access}
        %add3A_313 = arith.constant 4 : i32
        %add3A_314 = arith.addi %add3A_283, %add3A_313 : i32
        %lt3A_315 = arith.cmpi slt, %add3A_314, %select_n3A_193 : i32
        %convert_element_type3A_316 = arith.extui %lt3A_315 : i1 to i32
        %cond3A_317 = arith.constant 0 : i32
        %cond3A_318 = arith.cmpi ne, %convert_element_type3A_316, %cond3A_317 : i32
        scf.if %cond3A_318 {
          %add3A_319 = arith.constant 4 : i32
          %add3A_320 = arith.addi %add3A_283, %add3A_319 : i32
          %mul3A_321 = arith.constant 32 : i32
          %mul3A_322 = arith.muli %add3A_320, %mul3A_321 : i32
          %add3A_323 = arith.addi %mul3A_322, %add3A : i32
          %mul3A_324 = arith.constant 512 : i32
          %mul3A_325 = arith.muli %add3A_323, %mul3A_324 : i32
          %dma_start3A_326 = arith.constant 0 : i32
          %dma_start3A_327 = tpu.memref_slice %arg5[%dma_start3A_326, %mul3A_325] : memref<2x1600000xi32, #tpu.memory_space<hbm>> -> memref<2x512xi32, #tpu.memory_space<hbm>>
          %dma_start3A_328 = arith.constant 0 : i32
          %dma_start3A_329 = tpu.memref_slice %arg5[%dma_start3A_328, %mul3A_325] : memref<2x1600000xi32, #tpu.memory_space<hbm>> -> memref<2x512xi32, #tpu.memory_space<hbm>>
          tpu.enqueue_dma source(%dma_start3A_329 : memref<2x512xi32, #tpu.memory_space<hbm>>) target(%arg13 : memref<2x512xi32, #tpu.memory_space<vmem>>) target_semaphore(%arg21 : memref<!tpu.dma_semaphore, #tpu.memory_space<semaphore_mem>>)
        } else {
        }
      } else {
      }
      %mul3A_288 = arith.constant 4 : i32
      %mul3A_289 = arith.muli %while3A_273, %mul3A_288 : i32
      %add3A_290 = arith.constant 2 : i32
      %add3A_291 = arith.addi %mul3A_289, %add3A_290 : i32
      %lt3A_292 = arith.cmpi slt, %add3A_291, %select_n3A_193 : i32
      %convert_element_type3A_293 = arith.extui %lt3A_292 : i1 to i32
      %cond3A_294 = arith.constant 0 : i32
      %cond3A_295 = arith.cmpi ne, %convert_element_type3A_293, %cond3A_294 : i32
      scf.if %cond3A_295 {
        %dma_wait3A_305 = arith.constant 0 : i32
        %dma_wait3A_306 = arith.constant 0 : i32
        %dma_wait3A_307 = tpu.memref_slice %arg5[%dma_wait3A_305, %dma_wait3A_306] : memref<2x1600000xi32, #tpu.memory_space<hbm>> -> memref<2x512xi32, #tpu.memory_space<hbm>>
        %dma_wait3A_308 = arith.constant 0 : i32
        %dma_wait3A_309 = arith.constant 0 : i32
        %dma_wait3A_310 = tpu.memref_slice %arg5[%dma_wait3A_308, %dma_wait3A_309] : memref<2x1600000xi32, #tpu.memory_space<hbm>> -> memref<2x512xi32, #tpu.memory_space<hbm>>
        tpu.wait_dma2 semaphore(%arg22 : memref<!tpu.dma_semaphore, #tpu.memory_space<semaphore_mem>>) src(%dma_wait3A_310 : memref<2x512xi32, #tpu.memory_space<hbm>>) dst(%arg14 : memref<2x512xi32, #tpu.memory_space<vmem>>)
        %parallel_loop3A = arith.constant 0 : i32
        %parallel_loop3A_311 = arith.constant 32 : i32
        %parallel_loop3A_312 = arith.constant 1 : i32
        scf.for %parallel_loop3A_319 = %parallel_loop3A to %parallel_loop3A_311 step %parallel_loop3A_312  : i32 {
          %parallel_loop3A_320 = arith.constant 16 : i32
          %parallel_loop3A_321 = arith.muli %parallel_loop3A_319, %parallel_loop3A_320 : i32
          %parallel_loop3A_322 = arith.constant 0 : i32
          %parallel_loop3A_323 = arith.index_cast %parallel_loop3A_322 : i32 to index
          %parallel_loop3A_324 = arith.index_cast %parallel_loop3A_321 : i32 to index
          %parallel_loop3A_325 = tpu.vector_load %arg14[%parallel_loop3A_323, %parallel_loop3A_324] {strides = array<i32>} : memref<2x512xi32, #tpu.memory_space<vmem>>, vector<16xi32>,
          %parallel_loop3A_326 = arith.constant 16 : i32
          %parallel_loop3A_327 = arith.muli %parallel_loop3A_319, %parallel_loop3A_326 : i32
          %parallel_loop3A_328 = arith.constant 1 : i32
          %parallel_loop3A_329 = arith.index_cast %parallel_loop3A_328 : i32 to index
          %parallel_loop3A_330 = arith.index_cast %parallel_loop3A_327 : i32 to index
          %parallel_loop3A_331 = tpu.vector_load %arg14[%parallel_loop3A_329, %parallel_loop3A_330] {strides = array<i32>} : memref<2x512xi32, #tpu.memory_space<vmem>>, vector<16xi32>,
          %parallel_loop3A_332 = tpu.vector_load_idx %arg11[%parallel_loop3A_325] : memref<100000xi32, #tpu.memory_space<vmem>>[vector<16xi32>], vector<16xi32>,
          %parallel_loop3A_333 = tpu.vector_load_idx %arg11[%parallel_loop3A_331] : memref<100000xi32, #tpu.memory_space<vmem>>[vector<16xi32>], vector<16xi32>,
          %parallel_loop3A_334 = arith.andi %parallel_loop3A_332, %broadcast_in_dim3A_1 : vector<16xi32>
          %parallel_loop3A_335 = vector.bitcast %parallel_loop3A_334 : vector<16xi32> to vector<16xf32>
          %parallel_loop3A_336 = arith.andi %parallel_loop3A_333, %broadcast_in_dim3A_3 : vector<16xi32>
          %parallel_loop3A_337 = arith.addi %parallel_loop3A_336, %mul3A_6 : vector<16xi32>
          tpu.vector_store_idx %arg18[%parallel_loop3A_337], %parallel_loop3A_335 {add = true} : memref<16384xf32, #tpu.memory_space<vmem>>[vector<16xi32>], vector<16xf32>,
        } {sc.loop_unroll_factor = 16 : i64, sc.parallel_access}
        %add3A_313 = arith.constant 4 : i32
        %add3A_314 = arith.addi %add3A_291, %add3A_313 : i32
        %lt3A_315 = arith.cmpi slt, %add3A_314, %select_n3A_193 : i32
        %convert_element_type3A_316 = arith.extui %lt3A_315 : i1 to i32
        %cond3A_317 = arith.constant 0 : i32
        %cond3A_318 = arith.cmpi ne, %convert_element_type3A_316, %cond3A_317 : i32
        scf.if %cond3A_318 {
          %add3A_319 = arith.constant 4 : i32
          %add3A_320 = arith.addi %add3A_291, %add3A_319 : i32
          %mul3A_321 = arith.constant 32 : i32
          %mul3A_322 = arith.muli %add3A_320, %mul3A_321 : i32
          %add3A_323 = arith.addi %mul3A_322, %add3A : i32
          %mul3A_324 = arith.constant 512 : i32
          %mul3A_325 = arith.muli %add3A_323, %mul3A_324 : i32
          %dma_start3A_326 = arith.constant 0 : i32
          %dma_start3A_327 = tpu.memref_slice %arg5[%dma_start3A_326, %mul3A_325] : memref<2x1600000xi32, #tpu.memory_space<hbm>> -> memref<2x512xi32, #tpu.memory_space<hbm>>
          %dma_start3A_328 = arith.constant 0 : i32
          %dma_start3A_329 = tpu.memref_slice %arg5[%dma_start3A_328, %mul3A_325] : memref<2x1600000xi32, #tpu.memory_space<hbm>> -> memref<2x512xi32, #tpu.memory_space<hbm>>
          tpu.enqueue_dma source(%dma_start3A_329 : memref<2x512xi32, #tpu.memory_space<hbm>>) target(%arg14 : memref<2x512xi32, #tpu.memory_space<vmem>>) target_semaphore(%arg22 : memref<!tpu.dma_semaphore, #tpu.memory_space<semaphore_mem>>)
        } else {
        }
      } else {
      }
      %mul3A_296 = arith.constant 4 : i32
      %mul3A_297 = arith.muli %while3A_273, %mul3A_296 : i32
      %add3A_298 = arith.constant 3 : i32
      %add3A_299 = arith.addi %mul3A_297, %add3A_298 : i32
      %lt3A_300 = arith.cmpi slt, %add3A_299, %select_n3A_193 : i32
      %convert_element_type3A_301 = arith.extui %lt3A_300 : i1 to i32
      %cond3A_302 = arith.constant 0 : i32
      %cond3A_303 = arith.cmpi ne, %convert_element_type3A_301, %cond3A_302 : i32
      scf.if %cond3A_303 {
        %dma_wait3A_305 = arith.constant 0 : i32
        %dma_wait3A_306 = arith.constant 0 : i32
        %dma_wait3A_307 = tpu.memref_slice %arg5[%dma_wait3A_305, %dma_wait3A_306] : memref<2x1600000xi32, #tpu.memory_space<hbm>> -> memref<2x512xi32, #tpu.memory_space<hbm>>
        %dma_wait3A_308 = arith.constant 0 : i32
        %dma_wait3A_309 = arith.constant 0 : i32
        %dma_wait3A_310 = tpu.memref_slice %arg5[%dma_wait3A_308, %dma_wait3A_309] : memref<2x1600000xi32, #tpu.memory_space<hbm>> -> memref<2x512xi32, #tpu.memory_space<hbm>>
        tpu.wait_dma2 semaphore(%arg23 : memref<!tpu.dma_semaphore, #tpu.memory_space<semaphore_mem>>) src(%dma_wait3A_310 : memref<2x512xi32, #tpu.memory_space<hbm>>) dst(%arg15 : memref<2x512xi32, #tpu.memory_space<vmem>>)
        %parallel_loop3A = arith.constant 0 : i32
        %parallel_loop3A_311 = arith.constant 32 : i32
        %parallel_loop3A_312 = arith.constant 1 : i32
        scf.for %parallel_loop3A_319 = %parallel_loop3A to %parallel_loop3A_311 step %parallel_loop3A_312  : i32 {
          %parallel_loop3A_320 = arith.constant 16 : i32
          %parallel_loop3A_321 = arith.muli %parallel_loop3A_319, %parallel_loop3A_320 : i32
          %parallel_loop3A_322 = arith.constant 0 : i32
          %parallel_loop3A_323 = arith.index_cast %parallel_loop3A_322 : i32 to index
          %parallel_loop3A_324 = arith.index_cast %parallel_loop3A_321 : i32 to index
          %parallel_loop3A_325 = tpu.vector_load %arg15[%parallel_loop3A_323, %parallel_loop3A_324] {strides = array<i32>} : memref<2x512xi32, #tpu.memory_space<vmem>>, vector<16xi32>,
          %parallel_loop3A_326 = arith.constant 16 : i32
          %parallel_loop3A_327 = arith.muli %parallel_loop3A_319, %parallel_loop3A_326 : i32
          %parallel_loop3A_328 = arith.constant 1 : i32
          %parallel_loop3A_329 = arith.index_cast %parallel_loop3A_328 : i32 to index
          %parallel_loop3A_330 = arith.index_cast %parallel_loop3A_327 : i32 to index
          %parallel_loop3A_331 = tpu.vector_load %arg15[%parallel_loop3A_329, %parallel_loop3A_330] {strides = array<i32>} : memref<2x512xi32, #tpu.memory_space<vmem>>, vector<16xi32>,
          %parallel_loop3A_332 = tpu.vector_load_idx %arg11[%parallel_loop3A_325] : memref<100000xi32, #tpu.memory_space<vmem>>[vector<16xi32>], vector<16xi32>,
          %parallel_loop3A_333 = tpu.vector_load_idx %arg11[%parallel_loop3A_331] : memref<100000xi32, #tpu.memory_space<vmem>>[vector<16xi32>], vector<16xi32>,
          %parallel_loop3A_334 = arith.andi %parallel_loop3A_332, %broadcast_in_dim3A_1 : vector<16xi32>
          %parallel_loop3A_335 = vector.bitcast %parallel_loop3A_334 : vector<16xi32> to vector<16xf32>
          %parallel_loop3A_336 = arith.andi %parallel_loop3A_333, %broadcast_in_dim3A_3 : vector<16xi32>
          %parallel_loop3A_337 = arith.addi %parallel_loop3A_336, %mul3A_6 : vector<16xi32>
          tpu.vector_store_idx %arg18[%parallel_loop3A_337], %parallel_loop3A_335 {add = true} : memref<16384xf32, #tpu.memory_space<vmem>>[vector<16xi32>], vector<16xf32>,
        } {sc.loop_unroll_factor = 16 : i64, sc.parallel_access}
        %add3A_313 = arith.constant 4 : i32
        %add3A_314 = arith.addi %add3A_299, %add3A_313 : i32
        %lt3A_315 = arith.cmpi slt, %add3A_314, %select_n3A_193 : i32
        %convert_element_type3A_316 = arith.extui %lt3A_315 : i1 to i32
        %cond3A_317 = arith.constant 0 : i32
        %cond3A_318 = arith.cmpi ne, %convert_element_type3A_316, %cond3A_317 : i32
        scf.if %cond3A_318 {
          %add3A_319 = arith.constant 4 : i32
          %add3A_320 = arith.addi %add3A_299, %add3A_319 : i32
          %mul3A_321 = arith.constant 32 : i32
          %mul3A_322 = arith.muli %add3A_320, %mul3A_321 : i32
          %add3A_323 = arith.addi %mul3A_322, %add3A : i32
          %mul3A_324 = arith.constant 512 : i32
          %mul3A_325 = arith.muli %add3A_323, %mul3A_324 : i32
          %dma_start3A_326 = arith.constant 0 : i32
          %dma_start3A_327 = tpu.memref_slice %arg5[%dma_start3A_326, %mul3A_325] : memref<2x1600000xi32, #tpu.memory_space<hbm>> -> memref<2x512xi32, #tpu.memory_space<hbm>>
          %dma_start3A_328 = arith.constant 0 : i32
          %dma_start3A_329 = tpu.memref_slice %arg5[%dma_start3A_328, %mul3A_325] : memref<2x1600000xi32, #tpu.memory_space<hbm>> -> memref<2x512xi32, #tpu.memory_space<hbm>>
          tpu.enqueue_dma source(%dma_start3A_329 : memref<2x512xi32, #tpu.memory_space<hbm>>) target(%arg15 : memref<2x512xi32, #tpu.memory_space<vmem>>) target_semaphore(%arg23 : memref<!tpu.dma_semaphore, #tpu.memory_space<semaphore_mem>>)
        } else {
        }
      } else {
      }
      %while3A_304 = arith.constant 0 : i32
      scf.yield %while3A_304 : i32
    }
    %scan3A_266 = arith.constant 0 : i32
    %scan3A_267 = arith.constant 0 : i32
    %scan3A_268 = arith.constant 64 : i32
    %scan3A_269 = arith.addi %scan3A_267, %scan3A_268 : i32
    %scan3A_270 = arith.constant 1 : i32
    %scan3A_271 = scf.for %scan3A_273 = %scan3A_267 to %scan3A_269 step %scan3A_270 iter_args(%scan3A_274 = %scan3A_266) -> (i32)  : i32 {
      %mul3A_275 = arith.constant 16 : i32
      %mul3A_276 = arith.muli %scan3A_273, %mul3A_275 : i32
      %get3A = arith.index_cast %mul3A_276 : i32 to index
      %get3A_277 = tpu.vector_load %arg18[%get3A] {strides = array<i32>} : memref<16384xf32, #tpu.memory_space<vmem>>, vector<16xf32>,
      %mul3A_278 = arith.constant 16 : i32
      %mul3A_279 = arith.muli %scan3A_273, %mul3A_278 : i32
      %add3A_280 = arith.constant 1024 : i32
      %add3A_281 = arith.addi %add3A_280, %mul3A_279 : i32
      %get3A_282 = arith.index_cast %add3A_281 : i32 to index
      %get3A_283 = tpu.vector_load %arg18[%get3A_282] {strides = array<i32>} : memref<16384xf32, #tpu.memory_space<vmem>>, vector<16xf32>,
      %add3A_284 = arith.addf %get3A_277, %get3A_283 : vector<16xf32>
      %mul3A_285 = arith.constant 16 : i32
      %mul3A_286 = arith.muli %scan3A_273, %mul3A_285 : i32
      %add3A_287 = arith.constant 2048 : i32
      %add3A_288 = arith.addi %add3A_287, %mul3A_286 : i32
      %get3A_289 = arith.index_cast %add3A_288 : i32 to index
      %get3A_290 = tpu.vector_load %arg18[%get3A_289] {strides = array<i32>} : memref<16384xf32, #tpu.memory_space<vmem>>, vector<16xf32>,
      %add3A_291 = arith.addf %add3A_284, %get3A_290 : vector<16xf32>
      %mul3A_292 = arith.constant 16 : i32
      %mul3A_293 = arith.muli %scan3A_273, %mul3A_292 : i32
      %add3A_294 = arith.constant 3072 : i32
      %add3A_295 = arith.addi %add3A_294, %mul3A_293 : i32
      %get3A_296 = arith.index_cast %add3A_295 : i32 to index
      %get3A_297 = tpu.vector_load %arg18[%get3A_296] {strides = array<i32>} : memref<16384xf32, #tpu.memory_space<vmem>>, vector<16xf32>,
      %add3A_298 = arith.addf %add3A_291, %get3A_297 : vector<16xf32>
      %mul3A_299 = arith.constant 16 : i32
      %mul3A_300 = arith.muli %scan3A_273, %mul3A_299 : i32
      %add3A_301 = arith.constant 4096 : i32
      %add3A_302 = arith.addi %add3A_301, %mul3A_300 : i32
      %get3A_303 = arith.index_cast %add3A_302 : i32 to index
      %get3A_304 = tpu.vector_load %arg18[%get3A_303] {strides = array<i32>} : memref<16384xf32, #tpu.memory_space<vmem>>, vector<16xf32>,
      %add3A_305 = arith.addf %add3A_298, %get3A_304 : vector<16xf32>
      %mul3A_306 = arith.constant 16 : i32
      %mul3A_307 = arith.muli %scan3A_273, %mul3A_306 : i32
      %add3A_308 = arith.constant 5120 : i32
      %add3A_309 = arith.addi %add3A_308, %mul3A_307 : i32
      %get3A_310 = arith.index_cast %add3A_309 : i32 to index
      %get3A_311 = tpu.vector_load %arg18[%get3A_310] {strides = array<i32>} : memref<16384xf32, #tpu.memory_space<vmem>>, vector<16xf32>,
      %add3A_312 = arith.addf %add3A_305, %get3A_311 : vector<16xf32>
      %mul3A_313 = arith.constant 16 : i32
      %mul3A_314 = arith.muli %scan3A_273, %mul3A_313 : i32
      %add3A_315 = arith.constant 6144 : i32
      %add3A_316 = arith.addi %add3A_315, %mul3A_314 : i32
      %get3A_317 = arith.index_cast %add3A_316 : i32 to index
      %get3A_318 = tpu.vector_load %arg18[%get3A_317] {strides = array<i32>} : memref<16384xf32, #tpu.memory_space<vmem>>, vector<16xf32>,
      %add3A_319 = arith.addf %add3A_312, %get3A_318 : vector<16xf32>
      %mul3A_320 = arith.constant 16 : i32
      %mul3A_321 = arith.muli %scan3A_273, %mul3A_320 : i32
      %add3A_322 = arith.constant 7168 : i32
      %add3A_323 = arith.addi %add3A_322, %mul3A_321 : i32
      %get3A_324 = arith.index_cast %add3A_323 : i32 to index
      %get3A_325 = tpu.vector_load %arg18[%get3A_324] {strides = array<i32>} : memref<16384xf32, #tpu.memory_space<vmem>>, vector<16xf32>,
      %add3A_326 = arith.addf %add3A_319, %get3A_325 : vector<16xf32>
      %mul3A_327 = arith.constant 16 : i32
      %mul3A_328 = arith.muli %scan3A_273, %mul3A_327 : i32
      %add3A_329 = arith.constant 8192 : i32
      %add3A_330 = arith.addi %add3A_329, %mul3A_328 : i32
      %get3A_331 = arith.index_cast %add3A_330 : i32 to index
      %get3A_332 = tpu.vector_load %arg18[%get3A_331] {strides = array<i32>} : memref<16384xf32, #tpu.memory_space<vmem>>, vector<16xf32>,
      %add3A_333 = arith.addf %add3A_326, %get3A_332 : vector<16xf32>
      %mul3A_334 = arith.constant 16 : i32
      %mul3A_335 = arith.muli %scan3A_273, %mul3A_334 : i32
      %add3A_336 = arith.constant 9216 : i32
      %add3A_337 = arith.addi %add3A_336, %mul3A_335 : i32
      %get3A_338 = arith.index_cast %add3A_337 : i32 to index
      %get3A_339 = tpu.vector_load %arg18[%get3A_338] {strides = array<i32>} : memref<16384xf32, #tpu.memory_space<vmem>>, vector<16xf32>,
      %add3A_340 = arith.addf %add3A_333, %get3A_339 : vector<16xf32>
      %mul3A_341 = arith.constant 16 : i32
      %mul3A_342 = arith.muli %scan3A_273, %mul3A_341 : i32
      %add3A_343 = arith.constant 10240 : i32
      %add3A_344 = arith.addi %add3A_343, %mul3A_342 : i32
      %get3A_345 = arith.index_cast %add3A_344 : i32 to index
      %get3A_346 = tpu.vector_load %arg18[%get3A_345] {strides = array<i32>} : memref<16384xf32, #tpu.memory_space<vmem>>, vector<16xf32>,
      %add3A_347 = arith.addf %add3A_340, %get3A_346 : vector<16xf32>
      %mul3A_348 = arith.constant 16 : i32
      %mul3A_349 = arith.muli %scan3A_273, %mul3A_348 : i32
      %add3A_350 = arith.constant 11264 : i32
      %add3A_351 = arith.addi %add3A_350, %mul3A_349 : i32
      %get3A_352 = arith.index_cast %add3A_351 : i32 to index
      %get3A_353 = tpu.vector_load %arg18[%get3A_352] {strides = array<i32>} : memref<16384xf32, #tpu.memory_space<vmem>>, vector<16xf32>,
      %add3A_354 = arith.addf %add3A_347, %get3A_353 : vector<16xf32>
      %mul3A_355 = arith.constant 16 : i32
      %mul3A_356 = arith.muli %scan3A_273, %mul3A_355 : i32
      %add3A_357 = arith.constant 12288 : i32
      %add3A_358 = arith.addi %add3A_357, %mul3A_356 : i32
      %get3A_359 = arith.index_cast %add3A_358 : i32 to index
      %get3A_360 = tpu.vector_load %arg18[%get3A_359] {strides = array<i32>} : memref<16384xf32, #tpu.memory_space<vmem>>, vector<16xf32>,
      %add3A_361 = arith.addf %add3A_354, %get3A_360 : vector<16xf32>
      %mul3A_362 = arith.constant 16 : i32
      %mul3A_363 = arith.muli %scan3A_273, %mul3A_362 : i32
      %add3A_364 = arith.constant 13312 : i32
      %add3A_365 = arith.addi %add3A_364, %mul3A_363 : i32
      %get3A_366 = arith.index_cast %add3A_365 : i32 to index
      %get3A_367 = tpu.vector_load %arg18[%get3A_366] {strides = array<i32>} : memref<16384xf32, #tpu.memory_space<vmem>>, vector<16xf32>,
      %add3A_368 = arith.addf %add3A_361, %get3A_367 : vector<16xf32>
      %mul3A_369 = arith.constant 16 : i32
      %mul3A_370 = arith.muli %scan3A_273, %mul3A_369 : i32
      %add3A_371 = arith.constant 14336 : i32
      %add3A_372 = arith.addi %add3A_371, %mul3A_370 : i32
      %get3A_373 = arith.index_cast %add3A_372 : i32 to index
      %get3A_374 = tpu.vector_load %arg18[%get3A_373] {strides = array<i32>} : memref<16384xf32, #tpu.memory_space<vmem>>, vector<16xf32>,
      %add3A_375 = arith.addf %add3A_368, %get3A_374 : vector<16xf32>
      %mul3A_376 = arith.constant 16 : i32
      %mul3A_377 = arith.muli %scan3A_273, %mul3A_376 : i32
      %add3A_378 = arith.constant 15360 : i32
      %add3A_379 = arith.addi %add3A_378, %mul3A_377 : i32
      %get3A_380 = arith.index_cast %add3A_379 : i32 to index
      %get3A_381 = tpu.vector_load %arg18[%get3A_380] {strides = array<i32>} : memref<16384xf32, #tpu.memory_space<vmem>>, vector<16xf32>,
      %add3A_382 = arith.addf %add3A_375, %get3A_381 : vector<16xf32>
      %mul3A_383 = arith.constant 16 : i32
      %mul3A_384 = arith.muli %scan3A_273, %mul3A_383 : i32
      %swap3A = arith.index_cast %mul3A_384 : i32 to index
      %swap3A_385 = tpu.vector_load %arg18[%swap3A] {strides = array<i32>} : memref<16384xf32, #tpu.memory_space<vmem>>, vector<16xf32>,
      tpu.vector_store %arg18[%swap3A], %add3A_382 {strides = array<i32>} : memref<16384xf32, #tpu.memory_space<vmem>>, vector<16xf32>,
      %scan3A_386 = arith.constant 0 : i32
      scf.yield %scan3A_386 : i32
    }
    %scan3A_272 = arith.constant 64 : i32
    "tpu.region"() ({
      %run_scoped3A = tpu.sem_alloc : memref<!tpu.dma_semaphore, #tpu.memory_space<semaphore_mem>>
      %dma_start3A_273 = arith.constant 0 : i32
      %dma_start3A_274 = tpu.memref_slice %arg18[%dma_start3A_273] : memref<16384xf32, #tpu.memory_space<vmem>> -> memref<1024xf32, #tpu.memory_space<vmem>>
      %dma_start3A_275 = arith.constant 1024 : i32
      %dma_start3A_276 = tpu.memref_slice %arg10[%add3A, %dma_start3A_275] : memref<32x2048xf32, #tpu.memory_space<hbm>> -> memref<1x1024xf32, #tpu.memory_space<hbm>>
      %dma_start3A_277 = tpu.memref_squeeze %dma_start3A_276 : memref<1x1024xf32, #tpu.memory_space<hbm>> -> memref<1024xf32, #tpu.memory_space<hbm>>
      %dma_start3A_278 = arith.constant 1024 : i32
      %dma_start3A_279 = tpu.memref_slice %arg10[%add3A, %dma_start3A_278] : memref<32x2048xf32, #tpu.memory_space<hbm>> -> memref<1x1024xf32, #tpu.memory_space<hbm>>
      %dma_start3A_280 = tpu.memref_squeeze %dma_start3A_279 : memref<1x1024xf32, #tpu.memory_space<hbm>> -> memref<1024xf32, #tpu.memory_space<hbm>>
      %dma_start3A_281 = arith.constant 0 : i32
      %dma_start3A_282 = tpu.memref_slice %arg18[%dma_start3A_281] : memref<16384xf32, #tpu.memory_space<vmem>> -> memref<1024xf32, #tpu.memory_space<vmem>>
      tpu.enqueue_dma source(%dma_start3A_282 : memref<1024xf32, #tpu.memory_space<vmem>>) target(%dma_start3A_280 : memref<1024xf32, #tpu.memory_space<hbm>>) target_semaphore(%run_scoped3A : memref<!tpu.dma_semaphore, #tpu.memory_space<semaphore_mem>>)
      %dma_wait3A_283 = arith.constant 0 : i32
      %dma_wait3A_284 = tpu.memref_slice %arg18[%dma_wait3A_283] : memref<16384xf32, #tpu.memory_space<vmem>> -> memref<1024xf32, #tpu.memory_space<vmem>>
      %dma_wait3A_285 = arith.constant 1024 : i32
      %dma_wait3A_286 = tpu.memref_slice %arg10[%add3A, %dma_wait3A_285] : memref<32x2048xf32, #tpu.memory_space<hbm>> -> memref<1x1024xf32, #tpu.memory_space<hbm>>
      %dma_wait3A_287 = tpu.memref_squeeze %dma_wait3A_286 : memref<1x1024xf32, #tpu.memory_space<hbm>> -> memref<1024xf32, #tpu.memory_space<hbm>>
      %dma_wait3A_288 = arith.constant 1024 : i32
      %dma_wait3A_289 = tpu.memref_slice %arg10[%add3A, %dma_wait3A_288] : memref<32x2048xf32, #tpu.memory_space<hbm>> -> memref<1x1024xf32, #tpu.memory_space<hbm>>
      %dma_wait3A_290 = tpu.memref_squeeze %dma_wait3A_289 : memref<1x1024xf32, #tpu.memory_space<hbm>> -> memref<1024xf32, #tpu.memory_space<hbm>>
      %dma_wait3A_291 = arith.constant 0 : i32
      %dma_wait3A_292 = tpu.memref_slice %arg18[%dma_wait3A_291] : memref<16384xf32, #tpu.memory_space<vmem>> -> memref<1024xf32, #tpu.memory_space<vmem>>
      tpu.wait_dma2 semaphore(%run_scoped3A : memref<!tpu.dma_semaphore, #tpu.memory_space<semaphore_mem>>) src(%dma_wait3A_292 : memref<1024xf32, #tpu.memory_space<vmem>>) dst(%dma_wait3A_290 : memref<1024xf32, #tpu.memory_space<hbm>>)
      tpu.yield
    }) : () -> ()
    return
  }
}

module attributes {stable_mosaic.version = 14 : i64} {
  func.func @_prep_body(%arg0: memref<784x128xf32, #tpu.memory_space<vmem>>, %arg1: memref<784x128xi32, #tpu.memory_space<vmem>>, %arg2: memref<1x128xf32, #tpu.memory_space<vmem>>, %arg3: memref<1x128xf32, #tpu.memory_space<vmem>>, %arg4: memref<1x128xf32, #tpu.memory_space<vmem>>, %arg5: memref<1x128xf32, #tpu.memory_space<vmem>>, %arg6: memref<784x128xi32, #tpu.memory_space<vmem>>, %arg7: memref<784x128xf32, #tpu.memory_space<vmem>>) attributes {dimension_semantics = [], scalar_prefetch = 0 : i64, scratch_operands = 0 : i64, tpu.core_type = #tpu.core_type<tc>} {
    %get3A = arith.constant 0 : index
    %get3A_0 = arith.constant 0 : index
    %get3A_1 = vector.load %arg2[%get3A, %get3A_0] : memref<1x128xf32, #tpu.memory_space<vmem>>, vector<1x128xf32>
    %get3A_2 = arith.constant 0 : index
    %get3A_3 = arith.constant 0 : index
    %get3A_4 = vector.load %arg3[%get3A_2, %get3A_3] : memref<1x128xf32, #tpu.memory_space<vmem>>, vector<1x128xf32>
    %mul3A = arith.mulf %get3A_1, %get3A_4 : vector<1x128xf32>
    %gt3A = arith.constant 0.000000e+00 : f32
    %gt3A_5 = vector.broadcast %gt3A : f32 to vector<1x128xf32>
    %gt3A_6 = arith.cmpf ogt, %get3A_1, %gt3A_5 : vector<1x128xf32>
    %jit3A = arith.constant 0.000000e+00 : f32
    %broadcast_in_dim3A = vector.broadcast %jit3A : f32 to vector<1x128xf32>
    %select_n3A = arith.select %gt3A_6, %mul3A, %broadcast_in_dim3A : vector<1x128xi1>, vector<1x128xf32>
    %reduce_sum3A = vector.shape_cast %select_n3A : vector<1x128xf32> to vector<1x1x128xf32>
    %reduce_sum3A_7 = arith.constant dense<0.000000e+00> : vector<1xf32>
    %reduce_sum3A_8 = vector.multi_reduction <add>, %reduce_sum3A, %reduce_sum3A_7 [1, 2] : vector<1x1x128xf32> to vector<1xf32>
    %reduce_sum3A_9 = vector.shape_cast %reduce_sum3A_8 : vector<1xf32> to vector<1x1x1xf32>
    %reduce_sum3A_10 = vector.extract %reduce_sum3A_9[0, 0, 0] : f32 from vector<1x1x1xf32>
    %lt3A = arith.constant 0.000000e+00 : f32
    %lt3A_11 = vector.broadcast %lt3A : f32 to vector<1x128xf32>
    %lt3A_12 = arith.cmpf olt, %get3A_1, %lt3A_11 : vector<1x128xf32>
    %jit3A_13 = arith.constant 0.000000e+00 : f32
    %broadcast_in_dim3A_14 = vector.broadcast %jit3A_13 : f32 to vector<1x128xf32>
    %select_n3A_15 = arith.select %lt3A_12, %mul3A, %broadcast_in_dim3A_14 : vector<1x128xi1>, vector<1x128xf32>
    %reduce_sum3A_16 = vector.shape_cast %select_n3A_15 : vector<1x128xf32> to vector<1x1x128xf32>
    %reduce_sum3A_17 = arith.constant dense<0.000000e+00> : vector<1xf32>
    %reduce_sum3A_18 = vector.multi_reduction <add>, %reduce_sum3A_16, %reduce_sum3A_17 [1, 2] : vector<1x1x128xf32> to vector<1xf32>
    %reduce_sum3A_19 = vector.shape_cast %reduce_sum3A_18 : vector<1xf32> to vector<1x1x1xf32>
    %reduce_sum3A_20 = vector.extract %reduce_sum3A_19[0, 0, 0] : f32 from vector<1x1x1xf32>
    %get3A_21 = arith.constant 0 : index
    %get3A_22 = arith.constant 0 : index
    %get3A_23 = vector.load %arg4[%get3A_21, %get3A_22] : memref<1x128xf32, #tpu.memory_space<vmem>>, vector<1x128xf32>
    %get3A_24 = arith.constant 0 : index
    %get3A_25 = arith.constant 0 : index
    %get3A_26 = vector.load %arg5[%get3A_24, %get3A_25] : memref<1x128xf32, #tpu.memory_space<vmem>>, vector<1x128xf32>
    %mul3A_27 = arith.mulf %get3A_23, %get3A_26 : vector<1x128xf32>
    %gt3A_28 = arith.constant 0.000000e+00 : f32
    %gt3A_29 = vector.broadcast %gt3A_28 : f32 to vector<1x128xf32>
    %gt3A_30 = arith.cmpf ogt, %get3A_23, %gt3A_29 : vector<1x128xf32>
    %jit3A_31 = arith.constant 0.000000e+00 : f32
    %broadcast_in_dim3A_32 = vector.broadcast %jit3A_31 : f32 to vector<1x128xf32>
    %select_n3A_33 = arith.select %gt3A_30, %mul3A_27, %broadcast_in_dim3A_32 : vector<1x128xi1>, vector<1x128xf32>
    %reduce_sum3A_34 = vector.shape_cast %select_n3A_33 : vector<1x128xf32> to vector<1x1x128xf32>
    %reduce_sum3A_35 = arith.constant dense<0.000000e+00> : vector<1xf32>
    %reduce_sum3A_36 = vector.multi_reduction <add>, %reduce_sum3A_34, %reduce_sum3A_35 [1, 2] : vector<1x1x128xf32> to vector<1xf32>
    %reduce_sum3A_37 = vector.shape_cast %reduce_sum3A_36 : vector<1xf32> to vector<1x1x1xf32>
    %reduce_sum3A_38 = vector.extract %reduce_sum3A_37[0, 0, 0] : f32 from vector<1x1x1xf32>
    %lt3A_39 = arith.constant 0.000000e+00 : f32
    %lt3A_40 = vector.broadcast %lt3A_39 : f32 to vector<1x128xf32>
    %lt3A_41 = arith.cmpf olt, %get3A_23, %lt3A_40 : vector<1x128xf32>
    %jit3A_42 = arith.constant 0.000000e+00 : f32
    %broadcast_in_dim3A_43 = vector.broadcast %jit3A_42 : f32 to vector<1x128xf32>
    %select_n3A_44 = arith.select %lt3A_41, %mul3A_27, %broadcast_in_dim3A_43 : vector<1x128xi1>, vector<1x128xf32>
    %reduce_sum3A_45 = vector.shape_cast %select_n3A_44 : vector<1x128xf32> to vector<1x1x128xf32>
    %reduce_sum3A_46 = arith.constant dense<0.000000e+00> : vector<1xf32>
    %reduce_sum3A_47 = vector.multi_reduction <add>, %reduce_sum3A_45, %reduce_sum3A_46 [1, 2] : vector<1x1x128xf32> to vector<1xf32>
    %reduce_sum3A_48 = vector.shape_cast %reduce_sum3A_47 : vector<1xf32> to vector<1x1x1xf32>
    %reduce_sum3A_49 = vector.extract %reduce_sum3A_48[0, 0, 0] : f32 from vector<1x1x1xf32>
    %get3A_50 = arith.constant 0 : index
    %get3A_51 = arith.constant 0 : index
    %get3A_52 = vector.load %arg0[%get3A_50, %get3A_51] : memref<784x128xf32, #tpu.memory_space<vmem>>, vector<784x128xf32>
    %max3A = arith.constant 0.000000e+00 : f32
    %max3A_53 = vector.broadcast %max3A : f32 to vector<784x128xf32>
    %max3A_54 = arith.maximumf %get3A_52, %max3A_53 : vector<784x128xf32>
    %min3A = arith.constant 0.000000e+00 : f32
    %min3A_55 = vector.broadcast %min3A : f32 to vector<784x128xf32>
    %min3A_56 = arith.minimumf %get3A_52, %min3A_55 : vector<784x128xf32>
    %mul3A_57 = vector.broadcast %reduce_sum3A_10 : f32 to vector<784x128xf32>
    %mul3A_58 = arith.mulf %mul3A_57, %max3A_54 : vector<784x128xf32>
    %mul3A_59 = vector.broadcast %reduce_sum3A_20 : f32 to vector<784x128xf32>
    %mul3A_60 = arith.mulf %mul3A_59, %min3A_56 : vector<784x128xf32>
    %add3A = arith.addf %mul3A_58, %mul3A_60 : vector<784x128xf32>
    %mul3A_61 = vector.broadcast %reduce_sum3A_38 : f32 to vector<784x128xf32>
    %mul3A_62 = arith.mulf %mul3A_61, %max3A_54 : vector<784x128xf32>
    %mul3A_63 = vector.broadcast %reduce_sum3A_49 : f32 to vector<784x128xf32>
    %mul3A_64 = arith.mulf %mul3A_63, %min3A_56 : vector<784x128xf32>
    %add3A_65 = arith.addf %mul3A_62, %mul3A_64 : vector<784x128xf32>
    %swap3A = arith.constant 0 : index
    %swap3A_66 = arith.constant 0 : index
    %swap3A_67 = vector.load %arg7[%swap3A, %swap3A_66] : memref<784x128xf32, #tpu.memory_space<vmem>>, vector<784x128xf32>
    tpu.vector_store %arg7[%swap3A, %swap3A_66], %add3A_65 {strides = array<i32>} : memref<784x128xf32, #tpu.memory_space<vmem>>, vector<784x128xf32>,
    %bitcast_convert_type3A = tpu.bitcast %add3A : vector<784x128xf32> -> vector<784x128xi32>
    %add3A_68 = arith.constant 2048 : i32
    %add3A_69 = vector.broadcast %add3A_68 : i32 to vector<784x128xi32>
    %add3A_70 = arith.addi %bitcast_convert_type3A, %add3A_69 : vector<784x128xi32>
    %and3A = arith.constant -4096 : i32
    %and3A_71 = vector.broadcast %and3A : i32 to vector<784x128xi32>
    %and3A_72 = arith.andi %add3A_70, %and3A_71 : vector<784x128xi32>
    %get3A_73 = arith.constant 0 : index
    %get3A_74 = arith.constant 0 : index
    %get3A_75 = vector.load %arg1[%get3A_73, %get3A_74] : memref<784x128xi32, #tpu.memory_space<vmem>>, vector<784x128xi32>
    %or3A = arith.ori %and3A_72, %get3A_75 : vector<784x128xi32>
    %swap3A_76 = arith.constant 0 : index
    %swap3A_77 = arith.constant 0 : index
    %swap3A_78 = vector.load %arg6[%swap3A_76, %swap3A_77] : memref<784x128xi32, #tpu.memory_space<vmem>>, vector<784x128xi32>
    tpu.vector_store %arg6[%swap3A_76, %swap3A_77], %or3A {strides = array<i32>} : memref<784x128xi32, #tpu.memory_space<vmem>>, vector<784x128xi32>,
    return
  }
}

module attributes {stable_mosaic.version = 14 : i64} {
  func.func @_prep_body(%arg0: memref<392x128xf32, #tpu.memory_space<vmem>>, %arg1: memref<392x128xi32, #tpu.memory_space<vmem>>, %arg2: memref<1x128xf32, #tpu.memory_space<vmem>>, %arg3: memref<1x128xf32, #tpu.memory_space<vmem>>, %arg4: memref<1x128xf32, #tpu.memory_space<vmem>>, %arg5: memref<1x128xf32, #tpu.memory_space<vmem>>, %arg6: memref<392x128xi32, #tpu.memory_space<vmem>>, %arg7: memref<392x128xf32, #tpu.memory_space<vmem>>) attributes {dimension_semantics = [], scalar_prefetch = 0 : i64, scratch_operands = 0 : i64, tpu.core_type = #tpu.core_type<tc>} {
    %get3A = arith.constant 0 : index
    %get3A_0 = arith.constant 0 : index
    %get3A_1 = vector.load %arg2[%get3A, %get3A_0] : memref<1x128xf32, #tpu.memory_space<vmem>>, vector<1x128xf32>
    %get3A_2 = arith.constant 0 : index
    %get3A_3 = arith.constant 0 : index
    %get3A_4 = vector.load %arg3[%get3A_2, %get3A_3] : memref<1x128xf32, #tpu.memory_space<vmem>>, vector<1x128xf32>
    %mul3A = arith.mulf %get3A_1, %get3A_4 : vector<1x128xf32>
    %gt3A = arith.constant 0.000000e+00 : f32
    %gt3A_5 = vector.broadcast %gt3A : f32 to vector<1x128xf32>
    %gt3A_6 = arith.cmpf ogt, %get3A_1, %gt3A_5 : vector<1x128xf32>
    %jit3A = arith.constant 0.000000e+00 : f32
    %broadcast_in_dim3A = vector.broadcast %jit3A : f32 to vector<1x128xf32>
    %select_n3A = arith.select %gt3A_6, %mul3A, %broadcast_in_dim3A : vector<1x128xi1>, vector<1x128xf32>
    %reduce_sum3A = vector.shape_cast %select_n3A : vector<1x128xf32> to vector<1x1x128xf32>
    %reduce_sum3A_7 = arith.constant dense<0.000000e+00> : vector<1xf32>
    %reduce_sum3A_8 = vector.multi_reduction <add>, %reduce_sum3A, %reduce_sum3A_7 [1, 2] : vector<1x1x128xf32> to vector<1xf32>
    %reduce_sum3A_9 = vector.shape_cast %reduce_sum3A_8 : vector<1xf32> to vector<1x1x1xf32>
    %reduce_sum3A_10 = vector.extract %reduce_sum3A_9[0, 0, 0] : f32 from vector<1x1x1xf32>
    %lt3A = arith.constant 0.000000e+00 : f32
    %lt3A_11 = vector.broadcast %lt3A : f32 to vector<1x128xf32>
    %lt3A_12 = arith.cmpf olt, %get3A_1, %lt3A_11 : vector<1x128xf32>
    %jit3A_13 = arith.constant 0.000000e+00 : f32
    %broadcast_in_dim3A_14 = vector.broadcast %jit3A_13 : f32 to vector<1x128xf32>
    %select_n3A_15 = arith.select %lt3A_12, %mul3A, %broadcast_in_dim3A_14 : vector<1x128xi1>, vector<1x128xf32>
    %reduce_sum3A_16 = vector.shape_cast %select_n3A_15 : vector<1x128xf32> to vector<1x1x128xf32>
    %reduce_sum3A_17 = arith.constant dense<0.000000e+00> : vector<1xf32>
    %reduce_sum3A_18 = vector.multi_reduction <add>, %reduce_sum3A_16, %reduce_sum3A_17 [1, 2] : vector<1x1x128xf32> to vector<1xf32>
    %reduce_sum3A_19 = vector.shape_cast %reduce_sum3A_18 : vector<1xf32> to vector<1x1x1xf32>
    %reduce_sum3A_20 = vector.extract %reduce_sum3A_19[0, 0, 0] : f32 from vector<1x1x1xf32>
    %get3A_21 = arith.constant 0 : index
    %get3A_22 = arith.constant 0 : index
    %get3A_23 = vector.load %arg4[%get3A_21, %get3A_22] : memref<1x128xf32, #tpu.memory_space<vmem>>, vector<1x128xf32>
    %get3A_24 = arith.constant 0 : index
    %get3A_25 = arith.constant 0 : index
    %get3A_26 = vector.load %arg5[%get3A_24, %get3A_25] : memref<1x128xf32, #tpu.memory_space<vmem>>, vector<1x128xf32>
    %mul3A_27 = arith.mulf %get3A_23, %get3A_26 : vector<1x128xf32>
    %gt3A_28 = arith.constant 0.000000e+00 : f32
    %gt3A_29 = vector.broadcast %gt3A_28 : f32 to vector<1x128xf32>
    %gt3A_30 = arith.cmpf ogt, %get3A_23, %gt3A_29 : vector<1x128xf32>
    %jit3A_31 = arith.constant 0.000000e+00 : f32
    %broadcast_in_dim3A_32 = vector.broadcast %jit3A_31 : f32 to vector<1x128xf32>
    %select_n3A_33 = arith.select %gt3A_30, %mul3A_27, %broadcast_in_dim3A_32 : vector<1x128xi1>, vector<1x128xf32>
    %reduce_sum3A_34 = vector.shape_cast %select_n3A_33 : vector<1x128xf32> to vector<1x1x128xf32>
    %reduce_sum3A_35 = arith.constant dense<0.000000e+00> : vector<1xf32>
    %reduce_sum3A_36 = vector.multi_reduction <add>, %reduce_sum3A_34, %reduce_sum3A_35 [1, 2] : vector<1x1x128xf32> to vector<1xf32>
    %reduce_sum3A_37 = vector.shape_cast %reduce_sum3A_36 : vector<1xf32> to vector<1x1x1xf32>
    %reduce_sum3A_38 = vector.extract %reduce_sum3A_37[0, 0, 0] : f32 from vector<1x1x1xf32>
    %lt3A_39 = arith.constant 0.000000e+00 : f32
    %lt3A_40 = vector.broadcast %lt3A_39 : f32 to vector<1x128xf32>
    %lt3A_41 = arith.cmpf olt, %get3A_23, %lt3A_40 : vector<1x128xf32>
    %jit3A_42 = arith.constant 0.000000e+00 : f32
    %broadcast_in_dim3A_43 = vector.broadcast %jit3A_42 : f32 to vector<1x128xf32>
    %select_n3A_44 = arith.select %lt3A_41, %mul3A_27, %broadcast_in_dim3A_43 : vector<1x128xi1>, vector<1x128xf32>
    %reduce_sum3A_45 = vector.shape_cast %select_n3A_44 : vector<1x128xf32> to vector<1x1x128xf32>
    %reduce_sum3A_46 = arith.constant dense<0.000000e+00> : vector<1xf32>
    %reduce_sum3A_47 = vector.multi_reduction <add>, %reduce_sum3A_45, %reduce_sum3A_46 [1, 2] : vector<1x1x128xf32> to vector<1xf32>
    %reduce_sum3A_48 = vector.shape_cast %reduce_sum3A_47 : vector<1xf32> to vector<1x1x1xf32>
    %reduce_sum3A_49 = vector.extract %reduce_sum3A_48[0, 0, 0] : f32 from vector<1x1x1xf32>
    %get3A_50 = arith.constant 0 : index
    %get3A_51 = arith.constant 0 : index
    %get3A_52 = vector.load %arg0[%get3A_50, %get3A_51] : memref<392x128xf32, #tpu.memory_space<vmem>>, vector<392x128xf32>
    %max3A = arith.constant 0.000000e+00 : f32
    %max3A_53 = vector.broadcast %max3A : f32 to vector<392x128xf32>
    %max3A_54 = arith.maximumf %get3A_52, %max3A_53 : vector<392x128xf32>
    %min3A = arith.constant 0.000000e+00 : f32
    %min3A_55 = vector.broadcast %min3A : f32 to vector<392x128xf32>
    %min3A_56 = arith.minimumf %get3A_52, %min3A_55 : vector<392x128xf32>
    %mul3A_57 = vector.broadcast %reduce_sum3A_10 : f32 to vector<392x128xf32>
    %mul3A_58 = arith.mulf %mul3A_57, %max3A_54 : vector<392x128xf32>
    %mul3A_59 = vector.broadcast %reduce_sum3A_20 : f32 to vector<392x128xf32>
    %mul3A_60 = arith.mulf %mul3A_59, %min3A_56 : vector<392x128xf32>
    %add3A = arith.addf %mul3A_58, %mul3A_60 : vector<392x128xf32>
    %mul3A_61 = vector.broadcast %reduce_sum3A_38 : f32 to vector<392x128xf32>
    %mul3A_62 = arith.mulf %mul3A_61, %max3A_54 : vector<392x128xf32>
    %mul3A_63 = vector.broadcast %reduce_sum3A_49 : f32 to vector<392x128xf32>
    %mul3A_64 = arith.mulf %mul3A_63, %min3A_56 : vector<392x128xf32>
    %add3A_65 = arith.addf %mul3A_62, %mul3A_64 : vector<392x128xf32>
    %swap3A = arith.constant 0 : index
    %swap3A_66 = arith.constant 0 : index
    %swap3A_67 = vector.load %arg7[%swap3A, %swap3A_66] : memref<392x128xf32, #tpu.memory_space<vmem>>, vector<392x128xf32>
    tpu.vector_store %arg7[%swap3A, %swap3A_66], %add3A_65 {strides = array<i32>} : memref<392x128xf32, #tpu.memory_space<vmem>>, vector<392x128xf32>,
    %bitcast_convert_type3A = tpu.bitcast %add3A : vector<392x128xf32> -> vector<392x128xi32>
    %add3A_68 = arith.constant 2048 : i32
    %add3A_69 = vector.broadcast %add3A_68 : i32 to vector<392x128xi32>
    %add3A_70 = arith.addi %bitcast_convert_type3A, %add3A_69 : vector<392x128xi32>
    %and3A = arith.constant -4096 : i32
    %and3A_71 = vector.broadcast %and3A : i32 to vector<392x128xi32>
    %and3A_72 = arith.andi %add3A_70, %and3A_71 : vector<392x128xi32>
    %get3A_73 = arith.constant 0 : index
    %get3A_74 = arith.constant 0 : index
    %get3A_75 = vector.load %arg1[%get3A_73, %get3A_74] : memref<392x128xi32, #tpu.memory_space<vmem>>, vector<392x128xi32>
    %or3A = arith.ori %and3A_72, %get3A_75 : vector<392x128xi32>
    %swap3A_76 = arith.constant 0 : index
    %swap3A_77 = arith.constant 0 : index
    %swap3A_78 = vector.load %arg6[%swap3A_76, %swap3A_77] : memref<392x128xi32, #tpu.memory_space<vmem>>, vector<392x128xi32>
    tpu.vector_store %arg6[%swap3A_76, %swap3A_77], %or3A {strides = array<i32>} : memref<392x128xi32, #tpu.memory_space<vmem>>, vector<392x128xi32>,
    return
  }
}

module attributes {stable_mosaic.version = 14 : i64} {
  func.func @_reduce_body(%arg0: memref<32x2048xf32, #tpu.memory_space<vmem>>, %arg1: memref<1x2048xf32, #tpu.memory_space<vmem>>) attributes {dimension_semantics = [], scalar_prefetch = 0 : i64, scratch_operands = 0 : i64, tpu.core_type = #tpu.core_type<tc>} {
    %get3A = arith.constant 0 : index
    %get3A_0 = arith.constant 0 : index
    %get3A_1 = vector.load %arg0[%get3A, %get3A_0] : memref<32x2048xf32, #tpu.memory_space<vmem>>, vector<32x2048xf32>
    %reduce_sum3A = arith.constant dense<0.000000e+00> : vector<2048xf32>
    %reduce_sum3A_2 = vector.multi_reduction <add>, %get3A_1, %reduce_sum3A [0] : vector<32x2048xf32> to vector<2048xf32>
    %broadcast_in_dim3A = vector.shape_cast %reduce_sum3A_2 : vector<2048xf32> to vector<1x2048xf32>
    %swap3A = arith.constant 0 : index
    %swap3A_3 = arith.constant 0 : index
    %swap3A_4 = vector.load %arg1[%swap3A, %swap3A_3] : memref<1x2048xf32, #tpu.memory_space<vmem>>, vector<1x2048xf32>
    tpu.vector_store %arg1[%swap3A, %swap3A_3], %broadcast_in_dim3A {strides = array<i32>} : memref<1x2048xf32, #tpu.memory_space<vmem>>, vector<1x2048xf32>,
    return
  }
}

</mosaic_0001>

<sc_bundles>
// kernel: kernel.6.cloned.1.call-start
scs
__scs_entry_jumppad:
0x0: {  	(pc) =	sbr.rel $0x88, $3  }
0x1: {  	(tag) =	ssettag $0x0;
	lr =	simm.s32 $0x1  }
0x2: {  	[smem:$0x3F97] =	sst lr;
	_ =	strace $0xD0000000  }
0x3: {  	_ = 	snop  }
0x4: {  	_ = 	snop  }
0x5: {  	_ = 	snop  }
0x6: {  	_ = 	snop  }
0x7: {  	_ = 	snop  }
__scs_overlays_trampoline_lowered:
0x8: {  	[smem:$0x3FA6] =	sst s0  }
0x9: {  	[smem:$0x3FA7] =	sst s1  }
0xa: {  	[smem:$0x3FA8] =	sst s2  }
0xb: {  	[smem:$0x3FA9] =	sst s3  }
0xc: {  	[smem:$0x3FAA] =	sst s4  }
0xd: {  	[smem:$0x3FAB] =	sst s5  }
0xe: {  	[smem:$0x3FAC] =	sst s6  }
0xf: {  	[smem:$0x3FAD] =	sst s7  }
0x10: {  	[smem:$0x3FAE] =	sst s8  }
0x11: {  	[smem:$0x3FAF] =	sst s9;
	s0 =	simm.s32 @!p0 $0x0  }
0x12: {  	s1 =	sld [smem:$0x3F95];
	s0 =	simm.s32 @p0 $0x1  }
0x13: {  	[smem:$0x3FB0] =	sst s0;
	s0 =	simm.s32 @!p1 $0x0  }
0x14: {  	s2 =	sld [smem:$0x3F94];
	s0 =	simm.s32 @p1 $0x1  }
0x15: {  	[smem:$0x3FB1] =	sst s0;
	s0 =	simm.s32 @!p2 $0x0  }
0x16: {  	s3 =	sld [smem:$0x3FDB];
	s0 =	simm.s32 @p2 $0x1  }
0x17: {  	s4 =	simm.s32 $0x1BF5;
	[smem:$0x3FB3] =	sst s0  }
0x18: {  	s0 =	sld [smem:$0x3F96];
	_ =	swait.ge [sflag:s4], $0x0  }
0x19: {  	s7 =	sld [smem:$0x3F97]  }
0x1a: {  	s8 =	sadd.s32 $0xFFFFE003, lr  }
0x1b: {  	s9 =	sadd.s32 $0xFFFFFEF7, lr;
	s5 =	simm.s32 $0xFFFFFFFF;
	p2 =	slt.u32 s8, $0xFFFFF086  }
0x1c: {  	p1 =	slt.u32 s9, $0xF7A;
	s5 =	simm.s32 @!p2 $0x0  }
0x1d: {  	s5 =	simm.s32 @p1 $0x1;
	p0 =	seq.s32 s7, s2  }
0x1e: {  	s7 =	smul.u32 @!p0 $0xF7A, s2;
	p2 =	seq.s32 @!p0 s5, $0x0  }
0x1f: {  	s9 =	smul.u32 $0xF7A, s1;
	s8 =	simm.s32 @!p0 $0x1BF5;
	p2 =	por !p2, p0  }
0x20: {  	[sflag:s8] =	ssyncset.s32 @!p0 $0xFFFFF086;
	s6 =	sadd.s32 @!p0 s3, s7;
	s7 =	simm.s32 @!p0 $0x108  }
0x21: {  	s3 =	sadd.s32 s3, s9;
	s6 =	sadd.s32 @!p0 $0x88, s6;
	s7 =	simm.s32 @p2 $0x1082  }
0x22: {  	[simem:s7], [sflag:s8] =	dma.local @!p0 [hbm:s6], $0xF7A  }
0x23: {  	s9 =	sor.u32 $0xD0000000, s2;
	s6 =	simm.s32 $0x108;
	_ =	swait.ge @!p0 [sflag:s8], $0x0  }
0x24: {  	s3 =	sadd.s32 $0x88, s3;
	s6 =	simm.s32 @!p1 $0x1082;
	[sflag:s4] =	ssyncset.s32 $0xFFFFF086  }
0x25: {  	[simem:s6], [sflag:s4] =	dma.local [hbm:s3], $0xF7A  }
0x26: {  	[smem:$0x3F97] =	sst s1;
	(tag) =	ssettag s2;
	_ =	strace s9  }
0x27: {  	s1 =	sld [smem:$0x3FA7]  }
0x28: {  	s2 =	sld [smem:$0x3FA8]  }
0x29: {  	s4 =	sld [smem:$0x3FAA]  }
0x2a: {  	p0 =	seq.s32 s5, $0x0;
	s5 =	sld [smem:$0x3FAB]  }
0x2b: {  	s6 =	sld [smem:$0x3FAC]  }
0x2c: {  	s7 =	sld [smem:$0x3FAD]  }
0x2d: {  	s3 =	simm.s32 $0x108;
	s8 =	sld [smem:$0x3FAE]  }
0x2e: {  	s3 =	simm.s32 @!p0 $0x1082;
	s9 =	sld [smem:$0x3FAF]  }
0x2f: {  	lr =	sadd.s32 s0, s3;
	s0 =	sld [smem:$0x3FA6]  }
0x30: {  	s3 =	sld [smem:$0x3FA9]  }
0x31: {  	[smem:$0x3FB2] =	sst s10  }
0x32: {  	s10 =	sld [smem:$0x3FB0];
	_ =	sdelay $0x3  }
0x33: {  	p0 =	seq.s32 s10, $0x1;
	s10 =	sld [smem:$0x3FB2];
	_ =	sdelay $0x3  }
0x34: {  	[smem:$0x3FB2] =	sst s10  }
0x35: {  	s10 =	sld [smem:$0x3FB1];
	_ =	sdelay $0x3  }
0x36: {  	p1 =	seq.s32 s10, $0x1;
	s10 =	sld [smem:$0x3FB2];
	_ =	sdelay $0x3  }
0x37: {  	[smem:$0x3FB2] =	sst s10  }
0x38: {  	s10 =	sld [smem:$0x3FB3]  }
0x39: {  	_ = 	snop;
	(pc) =	sbr.ind lr, $3  }
0x3a: {  	_ = 	snop  }
0x3b: {  	_ = 	snop  }
0x3c: {  	p2 =	seq.s32 s10, $0x1;
	s10 =	sld [smem:$0x3FB2]  }
0x3d: {  	_ =	shalt  }
0x3e: {  	_ =	shalt  }
0x3f: {  	_ =	shalt  }
0x40: {  	_ =	shalt  }
0x41: {  	_ =	shalt  }
0x42: {  	_ =	shalt  }
0x43: {  	_ =	shalt  }
0x44: {  	_ =	shalt  }
0x45: {  	_ =	shalt  }
0x46: {  	_ =	shalt  }
0x47: {  	_ =	shalt  }
0x48: {  	_ =	shalt  }
0x49: {  	_ =	shalt  }
0x4a: {  	_ =	shalt  }
0x4b: {  	_ =	shalt  }
0x4c: {  	_ =	shalt  }
0x4d: {  	_ =	shalt  }
0x4e: {  	_ =	shalt  }
0x4f: {  	_ =	shalt  }
0x50: {  	_ =	shalt  }
0x51: {  	_ =	shalt  }
0x52: {  	_ =	shalt  }
0x53: {  	_ =	shalt  }
0x54: {  	_ =	shalt  }
0x55: {  	_ =	shalt  }
0x56: {  	_ =	shalt  }
0x57: {  	_ =	shalt  }
0x58: {  	_ =	shalt  }
0x59: {  	_ =	shalt  }
0x5a: {  	_ =	shalt  }
0x5b: {  	_ =	shalt  }
0x5c: {  	_ =	shalt  }
0x5d: {  	_ =	shalt  }
0x5e: {  	_ =	shalt  }
0x5f: {  	_ =	shalt  }
0x60: {  	_ =	shalt  }
0x61: {  	_ =	shalt  }
0x62: {  	_ =	shalt  }
0x63: {  	_ =	shalt  }
0x64: {  	_ =	shalt  }
0x65: {  	_ =	shalt  }
0x66: {  	_ =	shalt  }
0x67: {  	_ =	shalt  }
0x68: {  	_ =	shalt  }
0x69: {  	_ =	shalt  }
0x6a: {  	_ =	shalt  }
0x6b: {  	_ =	shalt  }
0x6c: {  	_ =	shalt  }
0x6d: {  	_ =	shalt  }
0x6e: {  	_ =	shalt  }
0x6f: {  	_ =	shalt  }
0x70: {  	_ =	shalt  }
0x71: {  	_ =	shalt  }
0x72: {  	_ =	shalt  }
0x73: {  	_ =	shalt  }
0x74: {  	_ =	shalt  }
0x75: {  	_ =	shalt  }
0x76: {  	_ =	shalt  }
0x77: {  	_ =	shalt  }
0x78: {  	_ =	shalt  }
0x79: {  	_ =	shalt  }
0x7a: {  	_ =	shalt  }
0x7b: {  	_ =	shalt  }
0x7c: {  	_ =	shalt  }
0x7d: {  	_ =	shalt  }
0x7e: {  	_ =	shalt  }
0x7f: {  	_ =	shalt  }
0x80: {  	_ =	shalt  }
0x81: {  	_ =	shalt  }
0x82: {  	_ =	shalt  }
0x83: {  	_ =	shalt  }
0x84: {  	_ =	shalt  }
0x85: {  	_ =	shalt  }
0x86: {  	_ =	shalt  }
0x87: {  	_ =	shalt  }
.Lfunc_end0:
.L_simem_size_0:
called_computation_lowered:
.L_overlay_start_0:
0x88: {  	s2 =	sld [smem:$0x3FD9]  }
0x89: {  	s3 =	sld [smem:$0x3FFE];
	_ =	sdelay $0x1  }
0x8a: {  	s1 =	srdreg.scid  }
0x8b: {  	s0 =	sand.u32 $0x1, s1  }
0x8c: {  	s17 =	sshll.u32 s0, $0xA;
	s2 =	sadd.s32 s3, s2  }
0x8d: {  	s2 =	sadd.s32 s2, s17  }
0x8e: {  	[smem:$0x3FBE] =	sst s2  }
0x8f: {  	_ = 	snop  }
0x90: {  	s2 =	sld [smem:$0x3FC8]  }
0x91: {  	s18 =	sld [smem:$0x3FC5];
	(tm) =	ssettm $0x1  }
0x92: {  	s4 =	sld [smem:$0x3FFB];
	_ =	sdelay $0x3  }
0x93: {  	_ =	strace s4  }
0x94: {  	s4 =	sld [smem:$0x3FFC];
	_ =	sdelay $0x3  }
0x95: {  	_ =	strace s4  }
0x96: {  	s4 =	sld [smem:$0x3FFD];
	_ =	sdelay $0x3  }
0x97: {  	_ =	strace s4  }
0x98: {  	_ =	strace $0x8FFFFFFF  }
0x99: {  	s19 =	sld [smem:$0x3FDB];
	_ =	sdelay $0x1  }
0x9a: {  	s5 =	simm.s32 $_scs_section_size  }
0x9b: {  	s6 =	simm.s32 $_size__tile_overlayer_lowered;
	s7 =	simm.s32 $_tile_overlayer_lowered  }
0x9c: {  	s22 =	simm.s32 $0x1BFF;
	s21 =	sshll.u32 s7, $0x1;
	s4 =	sadd.s32 s5, s19  }
0x9d: {  	s8 =	simm.s32 $0x0;
	s20 =	sshll.u32 s6, $0x1;
	s6 =	sadd.s32 s21, s4  }
0x9e: {  	[timem:s8], [sflag:s22] =	dma.local [hbm:s6], s20  }
0x9f: {  	_ =	swait.ge [sflag:s22], s20  }
0xa0: {  	s5 =	ssub.s32 $0x0, s20;
	[sflag:s22] =	ssyncset.done $0x0  }
0xa1: {  	[sflag:s22] =	ssyncadd.s32 s5;
	_ =	sdelay $0x1  }
0xa2: {  	s23 =	simm.s32 $0x1B8B  }
0xa3: {  	_ =	swait.ge [sflag:s23], $0x1  }
0xa4: {  	[sflag:s23] =	ssyncset.done $0x0  }
0xa5: {  	s25 =	simm.s32 $0x1B8E;
	s24 =	sld [smem:$0x3FFE];
	[sflag:s23] =	ssyncadd.s32 $0xFFFFFFFF  }
0xa6: {  	s26 =	simm.s32 $execute0_lowered;
	[smem:$0x3FD2] =	sst s25  }
0xa7: {  	s6 =	sshll.u32 s26, $0x1;
	_ =	strace $0x80000046;
	[dreg:$0x1] =	wrdreg $0xFFFFFFFF  }
0xa8: {  	s28 =	simm.s32 $_size_execute0_lowered;
	s4 =	sadd.s32 s4, s6;
	[dreg:$0x0] =	wrdreg $0x0  }
0xa9: {  	s6 =	sshll.u32 s28, $0x1;
	[dreg:$0x2] =	wrdreg s4  }
0xaa: {  	[dreg:$0x3] =	wrdreg s6  }
0xab: {  	[dreg:$0x4] =	wrdreg $0xC0  }
0xac: {  	_ =	task [dreg:s8], $0x5FFFF  }
0xad: {  	[dreg:$0x1] =	wrdreg $0xFFFFFFFF  }
0xae: {  	[dreg:$0x0] =	wrdreg $0x60  }
0xaf: {  	[dreg:$0x2] =	wrdreg s24  }
0xb0: {  	[dreg:$0x3] =	wrdreg s2  }
0xb1: {  	[dreg:$0x4] =	wrdreg s18  }
0xb2: {  	[dreg:$0x5] =	wrdreg $0x9  }
0xb3: {  	_ =	task.clear_ibuf [dreg:s8], $0x6FFFF;
	_ =	strace $0x90000046  }
0xb4: {  	s29 =	simm.s32 $0x9;
	_ =	strace $0x80000048  }
0xb5: {  	_ =	swait.ge [sflag:s29], $0x1  }
0xb6: {  	[sflag:s29] =	ssyncadd.s32 $0xFFFFFFFF  }
0xb7: {  	_ =	strace $0x90000048  }
0xb8: {  	_ =	sfence  }
0xb9: {  	s30 =	sld [smem:$0x0];
	_ =	sdelay $0x2  }
0xba: {  	s31 =	sshll.u32 s1, $0xD;
	s1 =	sshrl.u32 s1, $0x2  }
0xbb: {  	s3 =	sand.u32 $0x4000, s31;
	s1 =	sadd.s32 s1, s30  }
0xbc: {  	s0 =	sor.u32 s3, s0;
	s1 =	sshll.u32 s1, $0x11  }
0xbd: {  	s0 =	sor.u32 s1, s0  }
0xbe: {  	s0 =	sadd.s32 $0x8F2B, s0  }
0xbf: {  	[sflag:s0] =	ssyncadd.remote.s32 $0x1  }
0xc0: {  	_ =	sfence.sel $0xFFFF  }
0xc1: {  	[dreg:$0x0] =	wrdreg $0xFFFFFFFF;
	(pc) =	sbr.abs _section_cstart, $3  }
0xc2: {  	[dreg:$0x1] =	wrdreg $0xFFFFFFFF  }
0xc3: {  	_ =	task.clear_ibuf [dreg:s8], $0x2FFFF;
	_ =	strace $0x9FFFFFFF  }
0xc4: {  	(tm) =	ssettm $0x7FFFFFFF  }
0xc5: {  	_ =	shalt  }
tec
execute0_lowered:
.L_overlay_start_1:
0x0: {  	(tag) =	ssettag $0x1  }
0x1: {  	s0 =	rddreg [dreg:$0x0]  }
0x2: {  	s1 =	rddreg [dreg:$0x1]  }
0x3: {  	s3 =	rddreg [dreg:$0x2]  }
0x4: {  	s2 =	simm.s32 $0x0;
	s4 =	srdreg.scid;
	s7 =	stileid.u32  }
0x5: {  	s29 =	simm.s32 $0x6;
	s31 =	simm.s32 $0x1B000;
	s28 =	simm.s32 $0x2  }
0x6: {  	s30 =	simm.s32 $0x4;
	[smem:$0x7FF] =	sst s2;
	s4 =	sand.u32 $0x1, s4  }
0x7: {  	s5 =	sshll.u32 s7, $0x1;
	s6 =	sadd.s32 $0x6000, s0;
	s8 =	sadd.s32 $0xC400, s0  }
0x8: {  	_ =	strace $0x80000047;
	[dreg:$0x4] =	wrdreg s6;
	s5 =	sor.u32 s4, s5  }
0x9: {  	s7 =	sshll.u32 s7, $0xC;
	[dreg:$0x5] =	wrdreg s8;
	s17 =	smul.u32 $0x188, s5  }
0xa: {  	s4 =	ssub.s32 $0x2, s4;
	s9 =	sshll.u32 s5, $0x7;
	s18 =	smul.u32 $0xC4, s5  }
0xb: {  	s19 =	sshrl.u32 s4, $0x1;
	s20 =	ssub.s32 $0x30F3, s5;
	s26 =	ssub.s32 $0xC54, s5  }
0xc: {  	s7 =	sor.u32 s7, s9;
	s4 =	ssub.s32 s4, s19;
	s8 =	sadd.s32 s1, s9  }
0xd: {  	s22 =	sor.u32 $0x1000, s9;
	s11 =	sor.u32 $0x2000, s9;
	s6 =	sadd.s32 s17, s0  }
0xe: {  	s7 =	sand.u32 $0xC380, s7;
	s10 =	sadd.s32 s18, s0;
	s12 =	sadd.s32 s1, s22  }
0xf: {  	s23 =	sadd.s32 s1, s11;
	s17 =	sshrl.u32 s26, $0x5;
	s18 =	sadd.s32 s3, s9  }
0x10: {  	s19 =	sadd.s32 s3, s22;
	s7 =	sshrl.u32 s7, $0x3;
	[dreg:$0x8] =	wrdreg s12  }
0x11: {  	s21 =	sadd.s32 $0x9200, s6;
	s6 =	sadd.s32 $0x1400, s6;
	[dreg:$0x9] =	wrdreg s23  }
0x12: {  	s25 =	sadd.s32 $0xDE00, s10;
	s16 =	sadd.s32 $0x4600, s10;
	s22 =	sadd.s32 $0xFFFFFFFF, s17  }
0x13: {  	s23 =	sadd.s32 $0xFFFFFFFE, s17;
	s26 =	sadd.s32 $0xFFFFFFFD, s17;
	[dreg:$0x6] =	wrdreg s21  }
0x14: {  	s10 =	simm.s32 $0x0;
	s0 =	sadd.s32 s7, s0;
	[dreg:$0x7] =	wrdreg s6  }
0x15: {  	s7 =	sshrl.u32 s20, $0x5;
	s21 =	sor.u32 $0x3000, s9;
	[dreg:$0xc] =	wrdreg s25  }
0x16: {  	s20 =	sadd.s32 s3, s11;
	s25 =	smax.u32 s4, $0x1;
	s6 =	simm.s32 $0x3  }
0x17: {  	s9 =	simm.s32 $0x80;
	s1 =	sadd.s32 s1, s21;
	s12 =	sadd.s32 $0xFFFFFFFE, s7  }
0x18: {  	s13 =	sadd.s32 $0xFFFFFFFD, s7;
	s24 =	sadd.s32 $0xF800, s0;
	[dreg:$0xa] =	wrdreg s1  }
0x19: {  	v1 =	vlaneseq.u32;
	s21 =	sadd.s32 s3, s21;
	s3 =	simm.s32 $0x400;
	[dreg:$0xb] =	wrdreg s24  }
0x1a: {  	v0 =	vimm.f32 $0.0e+00;
	v1 =	vmul.u32 $0x400, v1;
	s24 =	sadd.s32 $0xFC00, s0;
	s0 =	simm.s32 $0x1;
	s1 =	simm.s32 $0x5  }
.LBB2_1:
0x1b: {  	s4 =	rddreg [dreg:$0x4]  }
0x1c: {  	[tilespmem:s2], [sflag:$0x1] =	stream.linear.gather [hbm4b:s4+s2], $0x186A0, $0x38;
	[tilespmem:$0x1F000] =	vst v63  }
0x1d: {  	s5 =	simm.s32 $0x0;
	s4 =	simm.s32 $0x40  }
.LBB2_2:
0x1e: {  	p0 =	sne.s32 s4, $0xFFC0;
	[tilespmem:s5+$0x1B000] =	vst v0;
	s5 =	smov.u32 s4;
	s4 =	sadd.s32 $0x40, s4  }
.Ltmp0:
0x1f: {  	(pc) =	sbr.rel @p0 .LBB2_2-.Ltmp0, $2  }
0x20: {  	_ =	sdelay $0x2  }
0x21: {  	s5 =	sshra.s32 s5, $0x2  }
0x22: {  	[tilespmem:s5+$0x1B000] =	vst v0;
	s4 =	simm.s32 $0x0;
	s15 =	rddreg [dreg:$0x6];
	s11 =	simm.s32 $0x19700  }
0x23: {  	[tilespmem:s11], [sflag:$0x6] =	stream.linear.gather [hbm4b:s15+s4], $0xC40, $0x38;
	[tilespmem:$0x1F000] =	vst v63  }
0x24: {  	_ =	swait.ge [sflag:s29], $0xC40  }
0x25: {  	[sflag:s29] =	ssyncset.done $0x0  }
0x26: {  	s15 =	simm.s32 $0x1A380;
	s14 =	rddreg [dreg:$0x7];
	[sflag:s29] =	ssyncadd.s32 $0xFFFFF3C0  }
0x27: {  	[tilespmem:s15], [sflag:$0x6] =	stream.linear.gather [hbm4b:s14+s4], $0xC40, $0x38;
	[tilespmem:$0x1F000] =	vst v63  }
0x28: {  	_ =	swait.ge [sflag:s29], $0xC40  }
0x29: {  	[sflag:s29] =	ssyncset.done $0x0  }
0x2a: {  	s5 =	simm.s32 $0x0;
	s4 =	simm.s32 $0x40;
	[sflag:s29] =	ssyncadd.s32 $0xFFFFF3C0  }
.LBB2_4:
0x2b: {  	p0 =	sne.s32 s4, $0x30C0;
	v2 =	vld [tilespmem:s5+$0x1A380];
	_ =	sdelay $0x4  }
0x2c: {  	v3 =	vld [tilespmem:s5+$0x19700];
	v2 =	vadd.s32 v1, v2  }
.Ltmp1:
0x2d: {  	(pc) =	sbr.rel @p0 .LBB2_4-.Ltmp1, $2  }
0x2e: {  	_ =	sdelay $0x2  }
0x2f: {  	s5 =	sshra.s32 s4, $0x2;
	s4 =	sadd.s32 $0x40, s4;
	[tilespmem:v2+s31+$0x0] =	vst.idx.add.f32.msk $0xffff, v3  }
0x30: {  	v2 =	vld [tilespmem:s5+$0x1A380];
	_ =	sdelay $0x4  }
0x31: {  	v3 =	vld [tilespmem:s5+$0x19700];
	v2 =	vadd.s32 v1, v2;
	_ =	sdelay $0x4  }
0x32: {  	[tilespmem:v2+s31+$0x0] =	vst.idx.add.f32.msk $0xffff, v3  }
0x33: {  	_ =	swait.ge [sflag:s0], $0x186A0  }
0x34: {  	[sflag:s0] =	ssyncset.done $0x0  }
0x35: {  	s4 =	simm.s32 $0x0;
	s14 =	simm.s32 $0x18700;
	[sflag:s0] =	ssyncadd.s32 $0xFFFE7960  }
0x36: {  	[tilespmem:s14], [sflag:$0x2] =	stream.linear.gather [hbm4b:s8+s4], $0x400, $0x38;
	[tilespmem:$0x1F000] =	vst v63  }
0x37: {  	s11 =	simm.s32 $0x18B00;
	s15 =	rddreg [dreg:$0x8]  }
0x38: {  	[tilespmem:s11], [sflag:$0x3] =	stream.linear.gather [hbm4b:s15+s4], $0x400, $0x38;
	[tilespmem:$0x1F000] =	vst v63  }
.Ltmp2:
0x39: {  	_ = 	snop;
	(pc) =	sbr.rel .LBB2_6-.Ltmp2, $4  }
0x3a: {  	s14 =	rddreg [dreg:$0x9];
	s15 =	simm.s32 $0x18F00  }
0x3b: {  	[tilespmem:s15], [sflag:$0x4] =	stream.linear.gather [hbm4b:s14+s4], $0x400, $0x38;
	[tilespmem:$0x1F000] =	vst v63  }
0x3c: {  	s14 =	rddreg [dreg:$0xa];
	s15 =	simm.s32 $0x19300  }
0x3d: {  	[tilespmem:s15], [sflag:$0x5] =	stream.linear.gather [hbm4b:s14+s4], $0x400, $0x38;
	[tilespmem:$0x1F000] =	vst v63  }
.LBB2_18:
0x3e: {  	s4 =	sadd.s32 $0x1, s4  }
0x3f: {  	p0 =	sne.s32 s4, $0x62  }
.Ltmp3:
0x40: {  	_ = 	snop;
	(pc) =	sbr.rel @!p0 .LBB2_19-.Ltmp3, $1  }
0x41: {  	_ =	sdelay $0x3  }
.LBB2_6:
0x42: {  	_ =	swait.ge [sflag:s28], $0x400  }
0x43: {  	s5 =	sshll.u32 s4, $0x2;
	[sflag:s28] =	ssyncset.done $0x0  }
0x44: {  	p0 =	por $0x1, $0x1;
	s11 =	simm.s32 $0x0;
	[sflag:s28] =	ssyncadd.s32 $0xFFFFFC00  }
.LBB2_7:
0x45: {  	s11 =	sshra.s32 s11, $0x2  }
0x46: {  	v2 =	vld [tilespmem:s11+$0x18700]  }
0x47: {  	v3 =	vld [tilespmem:s11+$0x18780]  }
0x48: {  	v4 =	vld [tilespmem:s11+$0x18790]  }
0x49: {  	v5 =	vld [tilespmem:s11+$0x187A0]  }
0x4a: {  	v6 =	vld [tilespmem:s11+$0x18710]  }
0x4b: {  	v7 =	vld [tilespmem:s11+$0x187B0]  }
0x4c: {  	v8 =	vld [tilespmem:s11+$0x187C0]  }
0x4d: {  	v9 =	vld [tilespmem:s11+$0x18720]  }
0x4e: {  	v10 =	vld [tilespmem:s11+$0x187D0]  }
0x4f: {  	v11 =	vld [tilespmem:s11+$0x18730]  }
0x50: {  	v12 =	vld [tilespmem:s11+$0x18740]  }
0x51: {  	v13 =	vld [tilespmem:s11+$0x18750]  }
0x52: {  	v45 =	vld [tilespmem:s11+$0x18880]  }
0x53: {  	v46 =	vld [tilespmem:s11+$0x18890]  }
0x54: {  	v47 =	vld [tilespmem:s11+$0x18760]  }
0x55: {  	v48 =	vld [tilespmem:s11+$0x18770]  }
0x56: {  	v49 =	vld [tilespmem:s11+$0x18800]  }
0x57: {  	v50 =	vld [tilespmem:s11+$0x18810]  }
0x58: {  	v3 =	vld.idx.msk [tilespmem:v3+s2+$0x0], $0xffff  }
0x59: {  	v2 =	vld.idx.msk [tilespmem:v2+s2+$0x0], $0xffff  }
0x5a: {  	v4 =	vld.idx.msk [tilespmem:v4+s2+$0x0], $0xffff  }
0x5b: {  	v5 =	vld.idx.msk [tilespmem:v5+s2+$0x0], $0xffff  }
0x5c: {  	v7 =	vld.idx.msk [tilespmem:v7+s2+$0x0], $0xffff  }
0x5d: {  	v8 =	vld.idx.msk [tilespmem:v8+s2+$0x0], $0xffff;
	v3 =	vand.u32 $0xFFF, v3  }
0x5e: {  	v6 =	vld.idx.msk [tilespmem:v6+s2+$0x0], $0xffff;
	v3 =	vadd.s32 v1, v3  }
0x5f: {  	v10 =	vld.idx.msk [tilespmem:v10+s2+$0x0], $0xffff;
	v4 =	vand.u32 $0xFFF, v4  }
0x60: {  	v9 =	vld.idx.msk [tilespmem:v9+s2+$0x0], $0xffff;
	v5 =	vand.u32 $0xFFF, v5;
	v4 =	vadd.s32 v1, v4  }
0x61: {  	v11 =	vld.idx.msk [tilespmem:v11+s2+$0x0], $0xffff;
	v7 =	vand.u32 $0xFFF, v7;
	v5 =	vadd.s32 v1, v5  }
0x62: {  	v12 =	vld.idx.msk [tilespmem:v12+s2+$0x0], $0xffff;
	v2 =	vand.u32 $0xFFFFF000, v2;
	v8 =	vand.u32 $0xFFF, v8;
	v7 =	vadd.s32 v1, v7  }
0x63: {  	[tilespmem:v3+s31+$0x0] =	vst.idx.add.f32.msk $0xffff, v2;
	v2 =	vadd.s32 v1, v8  }
0x64: {  	v42 =	vld.idx.msk [tilespmem:v13+s2+$0x0], $0xffff;
	v43 =	vand.u32 $0xFFF, v10;
	v3 =	vand.u32 $0xFFFFF000, v6  }
0x65: {  	v44 =	vadd.s32 v1, v43;
	[tilespmem:v4+s31+$0x0] =	vst.idx.add.f32.msk $0xffff, v3;
	v3 =	vand.u32 $0xFFFFF000, v9  }
0x66: {  	[tilespmem:v5+s31+$0x0] =	vst.idx.add.f32.msk $0xffff, v3;
	v3 =	vand.u32 $0xFFFFF000, v11  }
0x67: {  	[tilespmem:v7+s31+$0x0] =	vst.idx.add.f32.msk $0xffff, v3;
	v3 =	vand.u32 $0xFFFFF000, v12  }
0x68: {  	[tilespmem:v2+s31+$0x0] =	vst.idx.add.f32.msk $0xffff, v3  }
0x69: {  	v2 =	vand.u32 $0xFFFFF000, v42;
	v3 =	vld [tilespmem:s11+$0x187E0]  }
0x6a: {  	[tilespmem:v44+s31+$0x0] =	vst.idx.add.f32.msk $0xffff, v2  }
0x6b: {  	v2 =	vld [tilespmem:s11+$0x187F0]  }
0x6c: {  	v51 =	vld [tilespmem:s11+$0x18820]  }
0x6d: {  	v52 =	vld [tilespmem:s11+$0x188A0]  }
0x6e: {  	v53 =	vld [tilespmem:s11+$0x188B0]  }
0x6f: {  	v55 =	vld [tilespmem:s11+$0x18830]  }
0x70: {  	v56 =	vld [tilespmem:s11+$0x188D0]  }
0x71: {  	v57 =	vld [tilespmem:s11+$0x188E0]  }
0x72: {  	v3 =	vld.idx.msk [tilespmem:v3+s2+$0x0], $0xffff  }
0x73: {  	v2 =	vld.idx.msk [tilespmem:v2+s2+$0x0], $0xffff  }
0x74: {  	v58 =	vld [tilespmem:s11+$0x188F0]  }
0x75: {  	v59 =	vld [tilespmem:s11+$0x18840]  }
0x76: {  	v60 =	vld [tilespmem:s11+$0x18850]  }
0x77: {  	v6 =	vld.idx.msk [tilespmem:v47+s2+$0x0], $0xffff;
	v3 =	vand.u32 $0xFFF, v3  }
0x78: {  	v7 =	vld.idx.msk [tilespmem:v48+s2+$0x0], $0xffff;
	v3 =	vadd.s32 v1, v3;
	v2 =	vand.u32 $0xFFF, v2  }
0x79: {  	v61 =	vld [tilespmem:s11+$0x18860];
	v2 =	vadd.s32 v1, v2  }
0x7a: {  	v62 =	vld [tilespmem:s11+$0x18870]  }
0x7b: {  	v4 =	vld.idx.msk [tilespmem:v45+s2+$0x0], $0xffff  }
0x7c: {  	v5 =	vld.idx.msk [tilespmem:v46+s2+$0x0], $0xffff;
	v6 =	vand.u32 $0xFFFFF000, v6  }
0x7d: {  	[tilespmem:v3+s31+$0x0] =	vst.idx.add.f32.msk $0xffff, v6;
	v3 =	vand.u32 $0xFFFFF000, v7  }
0x7e: {  	[tilespmem:v2+s31+$0x0] =	vst.idx.add.f32.msk $0xffff, v3  }
0x7f: {  	v3 =	vld [tilespmem:s11+$0x188C0]  }
0x80: {  	v8 =	vld.idx.msk [tilespmem:v49+s2+$0x0], $0xffff;
	v4 =	vand.u32 $0xFFF, v4  }
0x81: {  	v54 =	vld.idx.msk [tilespmem:v52+s2+$0x0], $0xffff;
	v4 =	vadd.s32 v1, v4  }
0x82: {  	v9 =	vld.idx.msk [tilespmem:v50+s2+$0x0], $0xffff  }
0x83: {  	v5 =	vand.u32 $0xFFF, v5;
	v6 =	vld.idx.msk [tilespmem:v53+s2+$0x0], $0xffff  }
0x84: {  	v5 =	vadd.s32 v1, v5;
	v7 =	vld.idx.msk [tilespmem:v56+s2+$0x0], $0xffff  }
0x85: {  	v2 =	vand.u32 $0xFFFFF000, v8;
	v8 =	vld.idx.msk [tilespmem:v57+s2+$0x0], $0xffff  }
0x86: {  	[tilespmem:v4+s31+$0x0] =	vst.idx.add.f32.msk $0xffff, v2  }
0x87: {  	v3 =	vld.idx.msk [tilespmem:v3+s2+$0x0], $0xffff  }
0x88: {  	v2 =	vand.u32 $0xFFFFF000, v9;
	v9 =	vld.idx.msk [tilespmem:v58+s2+$0x0], $0xffff  }
0x89: {  	[tilespmem:v5+s31+$0x0] =	vst.idx.add.f32.msk $0xffff, v2  }
0x8a: {  	v4 =	vand.u32 $0xFFF, v54;
	v2 =	vld.idx.msk [tilespmem:v51+s2+$0x0], $0xffff  }
0x8b: {  	v4 =	vadd.s32 v1, v4;
	v5 =	vld.idx.msk [tilespmem:v55+s2+$0x0], $0xffff;
	v6 =	vand.u32 $0xFFF, v6  }
0x8c: {  	v10 =	vld.idx.msk [tilespmem:v59+s2+$0x0], $0xffff;
	v6 =	vadd.s32 v1, v6;
	v3 =	vand.u32 $0xFFF, v3  }
0x8d: {  	v11 =	vld.idx.msk [tilespmem:v60+s2+$0x0], $0xffff;
	v7 =	vand.u32 $0xFFF, v7;
	v3 =	vadd.s32 v1, v3  }
0x8e: {  	v12 =	vld.idx.msk [tilespmem:v61+s2+$0x0], $0xffff;
	v7 =	vadd.s32 v1, v7;
	v8 =	vand.u32 $0xFFF, v8  }
0x8f: {  	v13 =	vld.idx.msk [tilespmem:v62+s2+$0x0], $0xffff;
	v8 =	vadd.s32 v1, v8;
	v9 =	vand.u32 $0xFFF, v9;
	v2 =	vand.u32 $0xFFFFF000, v2  }
0x90: {  	p1 =	por p0, p0;
	v63 =	vadd.s32 v1, v9;
	[tilespmem:v4+s31+$0x0] =	vst.idx.add.f32.msk $0xffff, v2;
	v2 =	vand.u32 $0xFFFFF000, v5  }
.Ltmp4:
0x91: {  	[tilespmem:v6+s31+$0x0] =	vst.idx.add.f32.msk $0xffff, v2;
	v2 =	vand.u32 $0xFFFFF000, v10;
	(pc) =	sbr.rel @p1 .LBB2_7-.Ltmp4, $4  }
0x92: {  	[tilespmem:v3+s31+$0x0] =	vst.idx.add.f32.msk $0xffff, v2;
	v2 =	vand.u32 $0xFFFFF000, v11  }
0x93: {  	[tilespmem:v7+s31+$0x0] =	vst.idx.add.f32.msk $0xffff, v2;
	v2 =	vand.u32 $0xFFFFF000, v12  }
0x94: {  	[tilespmem:v8+s31+$0x0] =	vst.idx.add.f32.msk $0xffff, v2;
	v2 =	vand.u32 $0xFFFFF000, v13  }
0x95: {  	p0 =	por $0x0, $0x0;
	s11 =	simm.s32 $0x800;
	[tilespmem:v63+s31+$0x0] =	vst.idx.add.f32.msk $0xffff, v2  }
0x96: {  	s11 =	sadd.s32 $0x4, s5  }
0x97: {  	p0 =	sge.u32 s11, s7  }
0x98: {  	s11 =	sshll.u32 @!p0 s11, $0xC  }
0x99: {  	s14 =	simm.s32 @!p0 $0x0;
	s15 =	simm.s32 @!p0 $0x18700;
	s11 =	sadd.s32 @!p0 s11, s8  }
0x9a: {  	[tilespmem:s15], [sflag:$0x2] =	stream.linear.gather @!p0 [hbm4b:s11+s14], $0x400, $0x38;
	[tilespmem:$0x1F000] =	vst v63  }
0x9b: {  	_ =	swait.ge [sflag:s6], $0x400  }
0x9c: {  	[sflag:s6] =	ssyncset.done $0x0  }
0x9d: {  	s11 =	simm.s32 $0x0;
	p0 =	por $0x1, $0x1;
	[sflag:s6] =	ssyncadd.s32 $0xFFFFFC00  }
.LBB2_9:
0x9e: {  	s11 =	sshra.s32 s11, $0x2  }
0x9f: {  	v2 =	vld [tilespmem:s11+$0x18B00]  }
0xa0: {  	v3 =	vld [tilespmem:s11+$0x18B80]  }
0xa1: {  	v4 =	vld [tilespmem:s11+$0x18B90]  }
0xa2: {  	v5 =	vld [tilespmem:s11+$0x18BA0]  }
0xa3: {  	v6 =	vld [tilespmem:s11+$0x18B10]  }
0xa4: {  	v7 =	vld [tilespmem:s11+$0x18BB0]  }
0xa5: {  	v8 =	vld [tilespmem:s11+$0x18BC0]  }
0xa6: {  	v9 =	vld [tilespmem:s11+$0x18B20]  }
0xa7: {  	v10 =	vld [tilespmem:s11+$0x18BD0]  }
0xa8: {  	v11 =	vld [tilespmem:s11+$0x18B30]  }
0xa9: {  	v12 =	vld [tilespmem:s11+$0x18B40]  }
0xaa: {  	v13 =	vld [tilespmem:s11+$0x18B50]  }
0xab: {  	v45 =	vld [tilespmem:s11+$0x18C80]  }
0xac: {  	v46 =	vld [tilespmem:s11+$0x18C90]  }
0xad: {  	v47 =	vld [tilespmem:s11+$0x18B60]  }
0xae: {  	v48 =	vld [tilespmem:s11+$0x18B70]  }
0xaf: {  	v49 =	vld [tilespmem:s11+$0x18C00]  }
0xb0: {  	v50 =	vld [tilespmem:s11+$0x18C10]  }
0xb1: {  	v3 =	vld.idx.msk [tilespmem:v3+s2+$0x0], $0xffff  }
0xb2: {  	v2 =	vld.idx.msk [tilespmem:v2+s2+$0x0], $0xffff  }
0xb3: {  	v4 =	vld.idx.msk [tilespmem:v4+s2+$0x0], $0xffff  }
0xb4: {  	v5 =	vld.idx.msk [tilespmem:v5+s2+$0x0], $0xffff  }
0xb5: {  	v7 =	vld.idx.msk [tilespmem:v7+s2+$0x0], $0xffff  }
0xb6: {  	v8 =	vld.idx.msk [tilespmem:v8+s2+$0x0], $0xffff;
	v3 =	vand.u32 $0xFFF, v3  }
0xb7: {  	v6 =	vld.idx.msk [tilespmem:v6+s2+$0x0], $0xffff;
	v3 =	vadd.s32 v1, v3  }
0xb8: {  	v10 =	vld.idx.msk [tilespmem:v10+s2+$0x0], $0xffff;
	v4 =	vand.u32 $0xFFF, v4  }
0xb9: {  	v9 =	vld.idx.msk [tilespmem:v9+s2+$0x0], $0xffff;
	v5 =	vand.u32 $0xFFF, v5;
	v4 =	vadd.s32 v1, v4  }
0xba: {  	v11 =	vld.idx.msk [tilespmem:v11+s2+$0x0], $0xffff;
	v7 =	vand.u32 $0xFFF, v7;
	v5 =	vadd.s32 v1, v5  }
0xbb: {  	v12 =	vld.idx.msk [tilespmem:v12+s2+$0x0], $0xffff;
	v2 =	vand.u32 $0xFFFFF000, v2;
	v8 =	vand.u32 $0xFFF, v8;
	v7 =	vadd.s32 v1, v7  }
0xbc: {  	[tilespmem:v3+s31+$0x0] =	vst.idx.add.f32.msk $0xffff, v2;
	v2 =	vadd.s32 v1, v8  }
0xbd: {  	v42 =	vld.idx.msk [tilespmem:v13+s2+$0x0], $0xffff;
	v43 =	vand.u32 $0xFFF, v10;
	v3 =	vand.u32 $0xFFFFF000, v6  }
0xbe: {  	v44 =	vadd.s32 v1, v43;
	[tilespmem:v4+s31+$0x0] =	vst.idx.add.f32.msk $0xffff, v3;
	v3 =	vand.u32 $0xFFFFF000, v9  }
0xbf: {  	[tilespmem:v5+s31+$0x0] =	vst.idx.add.f32.msk $0xffff, v3;
	v3 =	vand.u32 $0xFFFFF000, v11  }
0xc0: {  	[tilespmem:v7+s31+$0x0] =	vst.idx.add.f32.msk $0xffff, v3;
	v3 =	vand.u32 $0xFFFFF000, v12  }
0xc1: {  	[tilespmem:v2+s31+$0x0] =	vst.idx.add.f32.msk $0xffff, v3  }
0xc2: {  	v2 =	vand.u32 $0xFFFFF000, v42;
	v3 =	vld [tilespmem:s11+$0x18BE0]  }
0xc3: {  	[tilespmem:v44+s31+$0x0] =	vst.idx.add.f32.msk $0xffff, v2  }
0xc4: {  	v2 =	vld [tilespmem:s11+$0x18BF0]  }
0xc5: {  	v51 =	vld [tilespmem:s11+$0x18C20]  }
0xc6: {  	v52 =	vld [tilespmem:s11+$0x18CA0]  }
0xc7: {  	v53 =	vld [tilespmem:s11+$0x18CB0]  }
0xc8: {  	v55 =	vld [tilespmem:s11+$0x18C30]  }
0xc9: {  	v56 =	vld [tilespmem:s11+$0x18CD0]  }
0xca: {  	v57 =	vld [tilespmem:s11+$0x18CE0]  }
0xcb: {  	v3 =	vld.idx.msk [tilespmem:v3+s2+$0x0], $0xffff  }
0xcc: {  	v2 =	vld.idx.msk [tilespmem:v2+s2+$0x0], $0xffff  }
0xcd: {  	v58 =	vld [tilespmem:s11+$0x18CF0]  }
0xce: {  	v59 =	vld [tilespmem:s11+$0x18C40]  }
0xcf: {  	v60 =	vld [tilespmem:s11+$0x18C50]  }
0xd0: {  	v6 =	vld.idx.msk [tilespmem:v47+s2+$0x0], $0xffff;
	v3 =	vand.u32 $0xFFF, v3  }
0xd1: {  	v7 =	vld.idx.msk [tilespmem:v48+s2+$0x0], $0xffff;
	v3 =	vadd.s32 v1, v3;
	v2 =	vand.u32 $0xFFF, v2  }
0xd2: {  	v61 =	vld [tilespmem:s11+$0x18C60];
	v2 =	vadd.s32 v1, v2  }
0xd3: {  	v62 =	vld [tilespmem:s11+$0x18C70]  }
0xd4: {  	v4 =	vld.idx.msk [tilespmem:v45+s2+$0x0], $0xffff  }
0xd5: {  	v5 =	vld.idx.msk [tilespmem:v46+s2+$0x0], $0xffff;
	v6 =	vand.u32 $0xFFFFF000, v6  }
0xd6: {  	[tilespmem:v3+s31+$0x0] =	vst.idx.add.f32.msk $0xffff, v6;
	v3 =	vand.u32 $0xFFFFF000, v7  }
0xd7: {  	[tilespmem:v2+s31+$0x0] =	vst.idx.add.f32.msk $0xffff, v3  }
0xd8: {  	v3 =	vld [tilespmem:s11+$0x18CC0]  }
0xd9: {  	v8 =	vld.idx.msk [tilespmem:v49+s2+$0x0], $0xffff;
	v4 =	vand.u32 $0xFFF, v4  }
0xda: {  	v54 =	vld.idx.msk [tilespmem:v52+s2+$0x0], $0xffff;
	v4 =	vadd.s32 v1, v4  }
0xdb: {  	v9 =	vld.idx.msk [tilespmem:v50+s2+$0x0], $0xffff  }
0xdc: {  	v5 =	vand.u32 $0xFFF, v5;
	v6 =	vld.idx.msk [tilespmem:v53+s2+$0x0], $0xffff  }
0xdd: {  	v5 =	vadd.s32 v1, v5;
	v7 =	vld.idx.msk [tilespmem:v56+s2+$0x0], $0xffff  }
0xde: {  	v2 =	vand.u32 $0xFFFFF000, v8;
	v8 =	vld.idx.msk [tilespmem:v57+s2+$0x0], $0xffff  }
0xdf: {  	[tilespmem:v4+s31+$0x0] =	vst.idx.add.f32.msk $0xffff, v2  }
0xe0: {  	v3 =	vld.idx.msk [tilespmem:v3+s2+$0x0], $0xffff  }
0xe1: {  	v2 =	vand.u32 $0xFFFFF000, v9;
	v9 =	vld.idx.msk [tilespmem:v58+s2+$0x0], $0xffff  }
0xe2: {  	[tilespmem:v5+s31+$0x0] =	vst.idx.add.f32.msk $0xffff, v2  }
0xe3: {  	v4 =	vand.u32 $0xFFF, v54;
	v2 =	vld.idx.msk [tilespmem:v51+s2+$0x0], $0xffff  }
0xe4: {  	v4 =	vadd.s32 v1, v4;
	v5 =	vld.idx.msk [tilespmem:v55+s2+$0x0], $0xffff;
	v6 =	vand.u32 $0xFFF, v6  }
0xe5: {  	v10 =	vld.idx.msk [tilespmem:v59+s2+$0x0], $0xffff;
	v6 =	vadd.s32 v1, v6;
	v3 =	vand.u32 $0xFFF, v3  }
0xe6: {  	v11 =	vld.idx.msk [tilespmem:v60+s2+$0x0], $0xffff;
	v7 =	vand.u32 $0xFFF, v7;
	v3 =	vadd.s32 v1, v3  }
0xe7: {  	v12 =	vld.idx.msk [tilespmem:v61+s2+$0x0], $0xffff;
	v7 =	vadd.s32 v1, v7;
	v8 =	vand.u32 $0xFFF, v8  }
0xe8: {  	v13 =	vld.idx.msk [tilespmem:v62+s2+$0x0], $0xffff;
	v8 =	vadd.s32 v1, v8;
	v9 =	vand.u32 $0xFFF, v9;
	v2 =	vand.u32 $0xFFFFF000, v2  }
0xe9: {  	p1 =	por p0, p0;
	v63 =	vadd.s32 v1, v9;
	[tilespmem:v4+s31+$0x0] =	vst.idx.add.f32.msk $0xffff, v2;
	v2 =	vand.u32 $0xFFFFF000, v5  }
.Ltmp5:
0xea: {  	[tilespmem:v6+s31+$0x0] =	vst.idx.add.f32.msk $0xffff, v2;
	v2 =	vand.u32 $0xFFFFF000, v10;
	(pc) =	sbr.rel @p1 .LBB2_9-.Ltmp5, $4  }
0xeb: {  	[tilespmem:v3+s31+$0x0] =	vst.idx.add.f32.msk $0xffff, v2;
	v2 =	vand.u32 $0xFFFFF000, v11  }
0xec: {  	[tilespmem:v7+s31+$0x0] =	vst.idx.add.f32.msk $0xffff, v2;
	v2 =	vand.u32 $0xFFFFF000, v12  }
0xed: {  	[tilespmem:v8+s31+$0x0] =	vst.idx.add.f32.msk $0xffff, v2;
	v2 =	vand.u32 $0xFFFFF000, v13  }
0xee: {  	p0 =	por $0x0, $0x0;
	s11 =	simm.s32 $0x800;
	[tilespmem:v63+s31+$0x0] =	vst.idx.add.f32.msk $0xffff, v2  }
0xef: {  	s11 =	sadd.s32 $0x5, s5  }
0xf0: {  	p0 =	sge.u32 s11, s7  }
0xf1: {  	s11 =	sshll.u32 @!p0 s11, $0xC  }
0xf2: {  	s14 =	simm.s32 @!p0 $0x0;
	s15 =	simm.s32 @!p0 $0x18B00;
	s11 =	sadd.s32 @!p0 s11, s8  }
0xf3: {  	[tilespmem:s15], [sflag:$0x3] =	stream.linear.gather @!p0 [hbm4b:s11+s14], $0x400, $0x38;
	[tilespmem:$0x1F000] =	vst v63  }
0xf4: {  	p0 =	sge.u32 s5, s12  }
.Ltmp6:
0xf5: {  	_ = 	snop;
	(pc) =	sbr.rel @p0 .LBB2_14-.Ltmp6, $1  }
0xf6: {  	_ =	sdelay $0x3  }
0xf7: {  	_ =	swait.ge [sflag:s30], $0x400  }
0xf8: {  	[sflag:s30] =	ssyncset.done $0x0  }
0xf9: {  	s11 =	simm.s32 $0x0;
	p0 =	por $0x1, $0x1;
	[sflag:s30] =	ssyncadd.s32 $0xFFFFFC00  }
.LBB2_12:
0xfa: {  	s11 =	sshra.s32 s11, $0x2  }
0xfb: {  	v2 =	vld [tilespmem:s11+$0x18F00]  }
0xfc: {  	v3 =	vld [tilespmem:s11+$0x18F80]  }
0xfd: {  	v4 =	vld [tilespmem:s11+$0x18F90]  }
0xfe: {  	v5 =	vld [tilespmem:s11+$0x18FA0]  }
0xff: {  	v6 =	vld [tilespmem:s11+$0x18F10]  }
0x100: {  	v7 =	vld [tilespmem:s11+$0x18FB0]  }
0x101: {  	v8 =	vld [tilespmem:s11+$0x18FC0]  }
0x102: {  	v9 =	vld [tilespmem:s11+$0x18F20]  }
0x103: {  	v10 =	vld [tilespmem:s11+$0x18FD0]  }
0x104: {  	v11 =	vld [tilespmem:s11+$0x18F30]  }
0x105: {  	v12 =	vld [tilespmem:s11+$0x18F40]  }
0x106: {  	v13 =	vld [tilespmem:s11+$0x18F50]  }
0x107: {  	v45 =	vld [tilespmem:s11+$0x19080]  }
0x108: {  	v46 =	vld [tilespmem:s11+$0x19090]  }
0x109: {  	v47 =	vld [tilespmem:s11+$0x18F60]  }
0x10a: {  	v48 =	vld [tilespmem:s11+$0x18F70]  }
0x10b: {  	v49 =	vld [tilespmem:s11+$0x19000]  }
0x10c: {  	v50 =	vld [tilespmem:s11+$0x19010]  }
0x10d: {  	v3 =	vld.idx.msk [tilespmem:v3+s2+$0x0], $0xffff  }
0x10e: {  	v2 =	vld.idx.msk [tilespmem:v2+s2+$0x0], $0xffff  }
0x10f: {  	v4 =	vld.idx.msk [tilespmem:v4+s2+$0x0], $0xffff  }
0x110: {  	v5 =	vld.idx.msk [tilespmem:v5+s2+$0x0], $0xffff  }
0x111: {  	v7 =	vld.idx.msk [tilespmem:v7+s2+$0x0], $0xffff  }
0x112: {  	v8 =	vld.idx.msk [tilespmem:v8+s2+$0x0], $0xffff;
	v3 =	vand.u32 $0xFFF, v3  }
0x113: {  	v6 =	vld.idx.msk [tilespmem:v6+s2+$0x0], $0xffff;
	v3 =	vadd.s32 v1, v3  }
0x114: {  	v10 =	vld.idx.msk [tilespmem:v10+s2+$0x0], $0xffff;
	v4 =	vand.u32 $0xFFF, v4  }
0x115: {  	v9 =	vld.idx.msk [tilespmem:v9+s2+$0x0], $0xffff;
	v5 =	vand.u32 $0xFFF, v5;
	v4 =	vadd.s32 v1, v4  }
0x116: {  	v11 =	vld.idx.msk [tilespmem:v11+s2+$0x0], $0xffff;
	v7 =	vand.u32 $0xFFF, v7;
	v5 =	vadd.s32 v1, v5  }
0x117: {  	v12 =	vld.idx.msk [tilespmem:v12+s2+$0x0], $0xffff;
	v2 =	vand.u32 $0xFFFFF000, v2;
	v8 =	vand.u32 $0xFFF, v8;
	v7 =	vadd.s32 v1, v7  }
0x118: {  	[tilespmem:v3+s31+$0x0] =	vst.idx.add.f32.msk $0xffff, v2;
	v2 =	vadd.s32 v1, v8  }
0x119: {  	v42 =	vld.idx.msk [tilespmem:v13+s2+$0x0], $0xffff;
	v43 =	vand.u32 $0xFFF, v10;
	v3 =	vand.u32 $0xFFFFF000, v6  }
0x11a: {  	v44 =	vadd.s32 v1, v43;
	[tilespmem:v4+s31+$0x0] =	vst.idx.add.f32.msk $0xffff, v3;
	v3 =	vand.u32 $0xFFFFF000, v9  }
0x11b: {  	[tilespmem:v5+s31+$0x0] =	vst.idx.add.f32.msk $0xffff, v3;
	v3 =	vand.u32 $0xFFFFF000, v11  }
0x11c: {  	[tilespmem:v7+s31+$0x0] =	vst.idx.add.f32.msk $0xffff, v3;
	v3 =	vand.u32 $0xFFFFF000, v12  }
0x11d: {  	[tilespmem:v2+s31+$0x0] =	vst.idx.add.f32.msk $0xffff, v3  }
0x11e: {  	v2 =	vand.u32 $0xFFFFF000, v42;
	v3 =	vld [tilespmem:s11+$0x18FE0]  }
0x11f: {  	[tilespmem:v44+s31+$0x0] =	vst.idx.add.f32.msk $0xffff, v2  }
0x120: {  	v2 =	vld [tilespmem:s11+$0x18FF0]  }
0x121: {  	v51 =	vld [tilespmem:s11+$0x19020]  }
0x122: {  	v52 =	vld [tilespmem:s11+$0x190A0]  }
0x123: {  	v53 =	vld [tilespmem:s11+$0x190B0]  }
0x124: {  	v55 =	vld [tilespmem:s11+$0x19030]  }
0x125: {  	v56 =	vld [tilespmem:s11+$0x190D0]  }
0x126: {  	v57 =	vld [tilespmem:s11+$0x190E0]  }
0x127: {  	v3 =	vld.idx.msk [tilespmem:v3+s2+$0x0], $0xffff  }
0x128: {  	v2 =	vld.idx.msk [tilespmem:v2+s2+$0x0], $0xffff  }
0x129: {  	v58 =	vld [tilespmem:s11+$0x190F0]  }
0x12a: {  	v59 =	vld [tilespmem:s11+$0x19040]  }
0x12b: {  	v60 =	vld [tilespmem:s11+$0x19050]  }
0x12c: {  	v6 =	vld.idx.msk [tilespmem:v47+s2+$0x0], $0xffff;
	v3 =	vand.u32 $0xFFF, v3  }
0x12d: {  	v7 =	vld.idx.msk [tilespmem:v48+s2+$0x0], $0xffff;
	v3 =	vadd.s32 v1, v3;
	v2 =	vand.u32 $0xFFF, v2  }
0x12e: {  	v61 =	vld [tilespmem:s11+$0x19060];
	v2 =	vadd.s32 v1, v2  }
0x12f: {  	v62 =	vld [tilespmem:s11+$0x19070]  }
0x130: {  	v4 =	vld.idx.msk [tilespmem:v45+s2+$0x0], $0xffff  }
0x131: {  	v5 =	vld.idx.msk [tilespmem:v46+s2+$0x0], $0xffff;
	v6 =	vand.u32 $0xFFFFF000, v6  }
0x132: {  	[tilespmem:v3+s31+$0x0] =	vst.idx.add.f32.msk $0xffff, v6;
	v3 =	vand.u32 $0xFFFFF000, v7  }
0x133: {  	[tilespmem:v2+s31+$0x0] =	vst.idx.add.f32.msk $0xffff, v3  }
0x134: {  	v3 =	vld [tilespmem:s11+$0x190C0]  }
0x135: {  	v8 =	vld.idx.msk [tilespmem:v49+s2+$0x0], $0xffff;
	v4 =	vand.u32 $0xFFF, v4  }
0x136: {  	v54 =	vld.idx.msk [tilespmem:v52+s2+$0x0], $0xffff;
	v4 =	vadd.s32 v1, v4  }
0x137: {  	v9 =	vld.idx.msk [tilespmem:v50+s2+$0x0], $0xffff  }
0x138: {  	v5 =	vand.u32 $0xFFF, v5;
	v6 =	vld.idx.msk [tilespmem:v53+s2+$0x0], $0xffff  }
0x139: {  	v5 =	vadd.s32 v1, v5;
	v7 =	vld.idx.msk [tilespmem:v56+s2+$0x0], $0xffff  }
0x13a: {  	v2 =	vand.u32 $0xFFFFF000, v8;
	v8 =	vld.idx.msk [tilespmem:v57+s2+$0x0], $0xffff  }
0x13b: {  	[tilespmem:v4+s31+$0x0] =	vst.idx.add.f32.msk $0xffff, v2  }
0x13c: {  	v3 =	vld.idx.msk [tilespmem:v3+s2+$0x0], $0xffff  }
0x13d: {  	v2 =	vand.u32 $0xFFFFF000, v9;
	v9 =	vld.idx.msk [tilespmem:v58+s2+$0x0], $0xffff  }
0x13e: {  	[tilespmem:v5+s31+$0x0] =	vst.idx.add.f32.msk $0xffff, v2  }
0x13f: {  	v4 =	vand.u32 $0xFFF, v54;
	v2 =	vld.idx.msk [tilespmem:v51+s2+$0x0], $0xffff  }
0x140: {  	v4 =	vadd.s32 v1, v4;
	v5 =	vld.idx.msk [tilespmem:v55+s2+$0x0], $0xffff;
	v6 =	vand.u32 $0xFFF, v6  }
0x141: {  	v10 =	vld.idx.msk [tilespmem:v59+s2+$0x0], $0xffff;
	v6 =	vadd.s32 v1, v6;
	v3 =	vand.u32 $0xFFF, v3  }
0x142: {  	v11 =	vld.idx.msk [tilespmem:v60+s2+$0x0], $0xffff;
	v7 =	vand.u32 $0xFFF, v7;
	v3 =	vadd.s32 v1, v3  }
0x143: {  	v12 =	vld.idx.msk [tilespmem:v61+s2+$0x0], $0xffff;
	v7 =	vadd.s32 v1, v7;
	v8 =	vand.u32 $0xFFF, v8  }
0x144: {  	v13 =	vld.idx.msk [tilespmem:v62+s2+$0x0], $0xffff;
	v8 =	vadd.s32 v1, v8;
	v9 =	vand.u32 $0xFFF, v9;
	v2 =	vand.u32 $0xFFFFF000, v2  }
0x145: {  	p1 =	por p0, p0;
	v63 =	vadd.s32 v1, v9;
	[tilespmem:v4+s31+$0x0] =	vst.idx.add.f32.msk $0xffff, v2;
	v2 =	vand.u32 $0xFFFFF000, v5  }
.Ltmp7:
0x146: {  	[tilespmem:v6+s31+$0x0] =	vst.idx.add.f32.msk $0xffff, v2;
	v2 =	vand.u32 $0xFFFFF000, v10;
	(pc) =	sbr.rel @p1 .LBB2_12-.Ltmp7, $4  }
0x147: {  	[tilespmem:v3+s31+$0x0] =	vst.idx.add.f32.msk $0xffff, v2;
	v2 =	vand.u32 $0xFFFFF000, v11  }
0x148: {  	[tilespmem:v7+s31+$0x0] =	vst.idx.add.f32.msk $0xffff, v2;
	v2 =	vand.u32 $0xFFFFF000, v12  }
0x149: {  	[tilespmem:v8+s31+$0x0] =	vst.idx.add.f32.msk $0xffff, v2;
	v2 =	vand.u32 $0xFFFFF000, v13  }
0x14a: {  	p0 =	por $0x0, $0x0;
	s11 =	simm.s32 $0x800;
	[tilespmem:v63+s31+$0x0] =	vst.idx.add.f32.msk $0xffff, v2  }
0x14b: {  	s11 =	sadd.s32 $0x6, s5  }
0x14c: {  	p0 =	sge.u32 s11, s7  }
0x14d: {  	s11 =	sshll.u32 @!p0 s11, $0xC  }
0x14e: {  	s14 =	simm.s32 @!p0 $0x0;
	s15 =	simm.s32 @!p0 $0x18F00;
	s11 =	sadd.s32 @!p0 s11, s8  }
0x14f: {  	[tilespmem:s15], [sflag:$0x4] =	stream.linear.gather @!p0 [hbm4b:s11+s14], $0x400, $0x38;
	[tilespmem:$0x1F000] =	vst v63  }
.LBB2_14:
0x150: {  	p0 =	sge.u32 s5, s13  }
.Ltmp8:
0x151: {  	_ = 	snop;
	(pc) =	sbr.rel @p0 .LBB2_18-.Ltmp8, $1  }
0x152: {  	_ =	sdelay $0x3  }
0x153: {  	_ =	swait.ge [sflag:s1], $0x400  }
0x154: {  	[sflag:s1] =	ssyncset.done $0x0  }
0x155: {  	s11 =	simm.s32 $0x0;
	p0 =	por $0x1, $0x1;
	[sflag:s1] =	ssyncadd.s32 $0xFFFFFC00  }
.LBB2_16:
0x156: {  	s11 =	sshra.s32 s11, $0x2  }
0x157: {  	v2 =	vld [tilespmem:s11+$0x19300]  }
0x158: {  	v3 =	vld [tilespmem:s11+$0x19380]  }
0x159: {  	v4 =	vld [tilespmem:s11+$0x19390]  }
0x15a: {  	v5 =	vld [tilespmem:s11+$0x193A0]  }
0x15b: {  	v6 =	vld [tilespmem:s11+$0x19310]  }
0x15c: {  	v7 =	vld [tilespmem:s11+$0x193B0]  }
0x15d: {  	v8 =	vld [tilespmem:s11+$0x193C0]  }
0x15e: {  	v9 =	vld [tilespmem:s11+$0x19320]  }
0x15f: {  	v10 =	vld [tilespmem:s11+$0x193D0]  }
0x160: {  	v11 =	vld [tilespmem:s11+$0x19330]  }
0x161: {  	v12 =	vld [tilespmem:s11+$0x19340]  }
0x162: {  	v13 =	vld [tilespmem:s11+$0x19350]  }
0x163: {  	v45 =	vld [tilespmem:s11+$0x19480]  }
0x164: {  	v46 =	vld [tilespmem:s11+$0x19490]  }
0x165: {  	v47 =	vld [tilespmem:s11+$0x19360]  }
0x166: {  	v48 =	vld [tilespmem:s11+$0x19370]  }
0x167: {  	v49 =	vld [tilespmem:s11+$0x19400]  }
0x168: {  	v50 =	vld [tilespmem:s11+$0x19410]  }
0x169: {  	v3 =	vld.idx.msk [tilespmem:v3+s2+$0x0], $0xffff  }
0x16a: {  	v2 =	vld.idx.msk [tilespmem:v2+s2+$0x0], $0xffff  }
0x16b: {  	v4 =	vld.idx.msk [tilespmem:v4+s2+$0x0], $0xffff  }
0x16c: {  	v5 =	vld.idx.msk [tilespmem:v5+s2+$0x0], $0xffff  }
0x16d: {  	v7 =	vld.idx.msk [tilespmem:v7+s2+$0x0], $0xffff  }
0x16e: {  	v8 =	vld.idx.msk [tilespmem:v8+s2+$0x0], $0xffff;
	v3 =	vand.u32 $0xFFF, v3  }
0x16f: {  	v6 =	vld.idx.msk [tilespmem:v6+s2+$0x0], $0xffff;
	v3 =	vadd.s32 v1, v3  }
0x170: {  	v10 =	vld.idx.msk [tilespmem:v10+s2+$0x0], $0xffff;
	v4 =	vand.u32 $0xFFF, v4  }
0x171: {  	v9 =	vld.idx.msk [tilespmem:v9+s2+$0x0], $0xffff;
	v5 =	vand.u32 $0xFFF, v5;
	v4 =	vadd.s32 v1, v4  }
0x172: {  	v11 =	vld.idx.msk [tilespmem:v11+s2+$0x0], $0xffff;
	v7 =	vand.u32 $0xFFF, v7;
	v5 =	vadd.s32 v1, v5  }
0x173: {  	v12 =	vld.idx.msk [tilespmem:v12+s2+$0x0], $0xffff;
	v2 =	vand.u32 $0xFFFFF000, v2;
	v8 =	vand.u32 $0xFFF, v8;
	v7 =	vadd.s32 v1, v7  }
0x174: {  	[tilespmem:v3+s31+$0x0] =	vst.idx.add.f32.msk $0xffff, v2;
	v2 =	vadd.s32 v1, v8  }
0x175: {  	v42 =	vld.idx.msk [tilespmem:v13+s2+$0x0], $0xffff;
	v43 =	vand.u32 $0xFFF, v10;
	v3 =	vand.u32 $0xFFFFF000, v6  }
0x176: {  	v44 =	vadd.s32 v1, v43;
	[tilespmem:v4+s31+$0x0] =	vst.idx.add.f32.msk $0xffff, v3;
	v3 =	vand.u32 $0xFFFFF000, v9  }
0x177: {  	[tilespmem:v5+s31+$0x0] =	vst.idx.add.f32.msk $0xffff, v3;
	v3 =	vand.u32 $0xFFFFF000, v11  }
0x178: {  	[tilespmem:v7+s31+$0x0] =	vst.idx.add.f32.msk $0xffff, v3;
	v3 =	vand.u32 $0xFFFFF000, v12  }
0x179: {  	[tilespmem:v2+s31+$0x0] =	vst.idx.add.f32.msk $0xffff, v3  }
0x17a: {  	v2 =	vand.u32 $0xFFFFF000, v42;
	v3 =	vld [tilespmem:s11+$0x193E0]  }
0x17b: {  	[tilespmem:v44+s31+$0x0] =	vst.idx.add.f32.msk $0xffff, v2  }
0x17c: {  	v2 =	vld [tilespmem:s11+$0x193F0]  }
0x17d: {  	v51 =	vld [tilespmem:s11+$0x19420]  }
0x17e: {  	v52 =	vld [tilespmem:s11+$0x194A0]  }
0x17f: {  	v53 =	vld [tilespmem:s11+$0x194B0]  }
0x180: {  	v55 =	vld [tilespmem:s11+$0x19430]  }
0x181: {  	v56 =	vld [tilespmem:s11+$0x194D0]  }
0x182: {  	v57 =	vld [tilespmem:s11+$0x194E0]  }
0x183: {  	v3 =	vld.idx.msk [tilespmem:v3+s2+$0x0], $0xffff  }
0x184: {  	v2 =	vld.idx.msk [tilespmem:v2+s2+$0x0], $0xffff  }
0x185: {  	v58 =	vld [tilespmem:s11+$0x194F0]  }
0x186: {  	v59 =	vld [tilespmem:s11+$0x19440]  }
0x187: {  	v60 =	vld [tilespmem:s11+$0x19450]  }
0x188: {  	v6 =	vld.idx.msk [tilespmem:v47+s2+$0x0], $0xffff;
	v3 =	vand.u32 $0xFFF, v3  }
0x189: {  	v7 =	vld.idx.msk [tilespmem:v48+s2+$0x0], $0xffff;
	v3 =	vadd.s32 v1, v3;
	v2 =	vand.u32 $0xFFF, v2  }
0x18a: {  	v61 =	vld [tilespmem:s11+$0x19460];
	v2 =	vadd.s32 v1, v2  }
0x18b: {  	v62 =	vld [tilespmem:s11+$0x19470]  }
0x18c: {  	v4 =	vld.idx.msk [tilespmem:v45+s2+$0x0], $0xffff  }
0x18d: {  	v5 =	vld.idx.msk [tilespmem:v46+s2+$0x0], $0xffff;
	v6 =	vand.u32 $0xFFFFF000, v6  }
0x18e: {  	[tilespmem:v3+s31+$0x0] =	vst.idx.add.f32.msk $0xffff, v6;
	v3 =	vand.u32 $0xFFFFF000, v7  }
0x18f: {  	[tilespmem:v2+s31+$0x0] =	vst.idx.add.f32.msk $0xffff, v3  }
0x190: {  	v3 =	vld [tilespmem:s11+$0x194C0]  }
0x191: {  	v8 =	vld.idx.msk [tilespmem:v49+s2+$0x0], $0xffff;
	v4 =	vand.u32 $0xFFF, v4  }
0x192: {  	v54 =	vld.idx.msk [tilespmem:v52+s2+$0x0], $0xffff;
	v4 =	vadd.s32 v1, v4  }
0x193: {  	v9 =	vld.idx.msk [tilespmem:v50+s2+$0x0], $0xffff  }
0x194: {  	v5 =	vand.u32 $0xFFF, v5;
	v6 =	vld.idx.msk [tilespmem:v53+s2+$0x0], $0xffff  }
0x195: {  	v5 =	vadd.s32 v1, v5;
	v7 =	vld.idx.msk [tilespmem:v56+s2+$0x0], $0xffff  }
0x196: {  	v2 =	vand.u32 $0xFFFFF000, v8;
	v8 =	vld.idx.msk [tilespmem:v57+s2+$0x0], $0xffff  }
0x197: {  	[tilespmem:v4+s31+$0x0] =	vst.idx.add.f32.msk $0xffff, v2  }
0x198: {  	v3 =	vld.idx.msk [tilespmem:v3+s2+$0x0], $0xffff  }
0x199: {  	v2 =	vand.u32 $0xFFFFF000, v9;
	v9 =	vld.idx.msk [tilespmem:v58+s2+$0x0], $0xffff  }
0x19a: {  	[tilespmem:v5+s31+$0x0] =	vst.idx.add.f32.msk $0xffff, v2  }
0x19b: {  	v4 =	vand.u32 $0xFFF, v54;
	v2 =	vld.idx.msk [tilespmem:v51+s2+$0x0], $0xffff  }
0x19c: {  	v4 =	vadd.s32 v1, v4;
	v5 =	vld.idx.msk [tilespmem:v55+s2+$0x0], $0xffff;
	v6 =	vand.u32 $0xFFF, v6  }
0x19d: {  	v10 =	vld.idx.msk [tilespmem:v59+s2+$0x0], $0xffff;
	v6 =	vadd.s32 v1, v6;
	v3 =	vand.u32 $0xFFF, v3  }
0x19e: {  	v11 =	vld.idx.msk [tilespmem:v60+s2+$0x0], $0xffff;
	v7 =	vand.u32 $0xFFF, v7;
	v3 =	vadd.s32 v1, v3  }
0x19f: {  	v12 =	vld.idx.msk [tilespmem:v61+s2+$0x0], $0xffff;
	v7 =	vadd.s32 v1, v7;
	v8 =	vand.u32 $0xFFF, v8  }
0x1a0: {  	v13 =	vld.idx.msk [tilespmem:v62+s2+$0x0], $0xffff;
	v8 =	vadd.s32 v1, v8;
	v9 =	vand.u32 $0xFFF, v9;
	v2 =	vand.u32 $0xFFFFF000, v2  }
0x1a1: {  	p1 =	por p0, p0;
	v63 =	vadd.s32 v1, v9;
	[tilespmem:v4+s31+$0x0] =	vst.idx.add.f32.msk $0xffff, v2;
	v2 =	vand.u32 $0xFFFFF000, v5  }
.Ltmp9:
0x1a2: {  	[tilespmem:v6+s31+$0x0] =	vst.idx.add.f32.msk $0xffff, v2;
	v2 =	vand.u32 $0xFFFFF000, v10;
	(pc) =	sbr.rel @p1 .LBB2_16-.Ltmp9, $4  }
0x1a3: {  	[tilespmem:v3+s31+$0x0] =	vst.idx.add.f32.msk $0xffff, v2;
	v2 =	vand.u32 $0xFFFFF000, v11  }
0x1a4: {  	[tilespmem:v7+s31+$0x0] =	vst.idx.add.f32.msk $0xffff, v2;
	v2 =	vand.u32 $0xFFFFF000, v12  }
0x1a5: {  	[tilespmem:v8+s31+$0x0] =	vst.idx.add.f32.msk $0xffff, v2;
	v2 =	vand.u32 $0xFFFFF000, v13  }
0x1a6: {  	p0 =	por $0x0, $0x0;
	s11 =	simm.s32 $0x800;
	[tilespmem:v63+s31+$0x0] =	vst.idx.add.f32.msk $0xffff, v2  }
.Ltmp10:
0x1a7: {  	s5 =	sadd.s32 $0x7, s5;
	(pc) =	sbr.rel .LBB2_18-.Ltmp10, $4  }
0x1a8: {  	p0 =	sge.u32 s5, s7  }
0x1a9: {  	s5 =	sshll.u32 @!p0 s5, $0xC  }
0x1aa: {  	s11 =	simm.s32 @!p0 $0x0;
	s14 =	simm.s32 @!p0 $0x19300;
	s5 =	sadd.s32 @!p0 s5, s8  }
0x1ab: {  	[tilespmem:s14], [sflag:$0x5] =	stream.linear.gather @!p0 [hbm4b:s5+s11], $0x400, $0x38;
	[tilespmem:$0x1F000] =	vst v63  }
.LBB2_19:
0x1ac: {  	s4 =	simm.s32 $0x0;
	s5 =	rddreg [dreg:$0x5]  }
0x1ad: {  	[tilespmem:s4], [sflag:$0x1] =	stream.linear.gather [hbm4b:s5+s4], $0xC350, $0x38;
	[tilespmem:$0x1F000] =	vst v63  }
0x1ae: {  	s5 =	sand.u32 $0x3F0, s4  }
0x1af: {  	s11 =	simm.s32 $0x10;
	s4 =	simm.s32 $0x1B000;
	v2 =	vld [tilespmem:s5+$0x1B400]  }
.LBB2_20:
0x1b0: {  	p0 =	sne.s32 s11, $0x3F0;
	v3 =	vld [tilespmem:s4+$0x0];
	_ =	sdelay $0x1  }
0x1b1: {  	v4 =	vld [tilespmem:s5+$0x1B800];
	_ =	sdelay $0x1  }
0x1b2: {  	v5 =	vld [tilespmem:s5+$0x1BC00]  }
0x1b3: {  	v2 =	vadd.f32 v2, v3  }
0x1b4: {  	v3 =	vld [tilespmem:s5+$0x1C000]  }
0x1b5: {  	v2 =	vadd.f32 v4, v2  }
0x1b6: {  	v4 =	vld [tilespmem:s5+$0x1C400]  }
0x1b7: {  	v2 =	vadd.f32 v5, v2  }
0x1b8: {  	v5 =	vld [tilespmem:s5+$0x1C800]  }
0x1b9: {  	v2 =	vadd.f32 v3, v2  }
0x1ba: {  	v3 =	vld [tilespmem:s5+$0x1CC00]  }
0x1bb: {  	v2 =	vadd.f32 v4, v2  }
0x1bc: {  	v4 =	vld [tilespmem:s5+$0x1D000]  }
0x1bd: {  	v2 =	vadd.f32 v5, v2  }
0x1be: {  	v5 =	vld [tilespmem:s5+$0x1D400]  }
0x1bf: {  	v2 =	vadd.f32 v3, v2  }
0x1c0: {  	v3 =	vld [tilespmem:s5+$0x1D800]  }
0x1c1: {  	v2 =	vadd.f32 v4, v2  }
0x1c2: {  	v4 =	vld [tilespmem:s5+$0x1DC00]  }
0x1c3: {  	v2 =	vadd.f32 v5, v2  }
0x1c4: {  	v5 =	vld [tilespmem:s5+$0x1E000]  }
0x1c5: {  	v2 =	vadd.f32 v3, v2  }
0x1c6: {  	v3 =	vld [tilespmem:s5+$0x1E400]  }
0x1c7: {  	v2 =	vadd.f32 v4, v2  }
0x1c8: {  	v4 =	vld [tilespmem:s5+$0x1E800]  }
0x1c9: {  	v2 =	vadd.f32 v5, v2  }
0x1ca: {  	v5 =	vld [tilespmem:s5+$0x1EC00]  }
0x1cb: {  	v2 =	vadd.f32 v3, v2;
	_ =	sdelay $0x1  }
0x1cc: {  	v2 =	vadd.f32 v4, v2  }
.Ltmp11:
0x1cd: {  	(pc) =	sbr.rel @p0 .LBB2_20-.Ltmp11, $3  }
0x1ce: {  	v2 =	vadd.f32 v5, v2;
	_ =	sdelay $0x1  }
0x1cf: {  	s5 =	sand.u32 $0x3F0, s11;
	[tilespmem:s4+$0x0] =	vst v2  }
0x1d0: {  	s11 =	sadd.s32 $0x10, s11;
	s4 =	sadd.s32 $0x10, s4;
	v2 =	vld [tilespmem:s5+$0x1B400]  }
0x1d1: {  	v3 =	vld [tilespmem:s4+$0x0];
	_ =	sdelay $0x1  }
0x1d2: {  	v4 =	vld [tilespmem:s5+$0x1B800];
	_ =	sdelay $0x1  }
0x1d3: {  	v5 =	vld [tilespmem:s5+$0x1BC00]  }
0x1d4: {  	v2 =	vadd.f32 v2, v3  }
0x1d5: {  	v3 =	vld [tilespmem:s5+$0x1C000]  }
0x1d6: {  	v2 =	vadd.f32 v4, v2  }
0x1d7: {  	v56 =	vld [tilespmem:s5+$0x1C400]  }
0x1d8: {  	v2 =	vadd.f32 v5, v2  }
0x1d9: {  	v57 =	vld [tilespmem:s5+$0x1C800]  }
0x1da: {  	v2 =	vadd.f32 v3, v2  }
0x1db: {  	v3 =	vld [tilespmem:s5+$0x1CC00]  }
0x1dc: {  	v2 =	vadd.f32 v56, v2  }
0x1dd: {  	v58 =	vld [tilespmem:s5+$0x1D000]  }
0x1de: {  	v2 =	vadd.f32 v57, v2  }
0x1df: {  	v59 =	vld [tilespmem:s5+$0x1D400]  }
0x1e0: {  	v2 =	vadd.f32 v3, v2  }
0x1e1: {  	v3 =	vld [tilespmem:s5+$0x1D800]  }
0x1e2: {  	v2 =	vadd.f32 v58, v2  }
0x1e3: {  	v60 =	vld [tilespmem:s5+$0x1DC00]  }
0x1e4: {  	v2 =	vadd.f32 v59, v2  }
0x1e5: {  	v61 =	vld [tilespmem:s5+$0x1E000]  }
0x1e6: {  	v2 =	vadd.f32 v3, v2  }
0x1e7: {  	v3 =	vld [tilespmem:s5+$0x1E400]  }
0x1e8: {  	v2 =	vadd.f32 v60, v2  }
0x1e9: {  	v62 =	vld [tilespmem:s5+$0x1E800]  }
0x1ea: {  	v2 =	vadd.f32 v61, v2  }
0x1eb: {  	v63 =	vld [tilespmem:s5+$0x1EC00]  }
0x1ec: {  	v2 =	vadd.f32 v3, v2;
	_ =	sdelay $0x1  }
0x1ed: {  	v2 =	vadd.f32 v62, v2;
	_ =	sdelay $0x1  }
0x1ee: {  	v2 =	vadd.f32 v63, v2;
	_ =	sdelay $0x1  }
0x1ef: {  	s15 =	rddreg [dreg:$0xb];
	[tilespmem:s4+$0x0] =	vst v2  }
0x1f0: {  	[hbm4b:s15+s9] =	stream.strided.scatter [tilespmem:s31], [sflag:$0x6], $0x400, s3, s9, $0x38;
	[tilespmem:$0x1F000] =	vst v63  }
0x1f1: {  	_ =	swait.ge [sflag:s29], $0x400  }
0x1f2: {  	[sflag:s29] =	ssyncset.done $0x0  }
0x1f3: {  	s5 =	simm.s32 $0x0;
	s4 =	simm.s32 $0x40;
	[sflag:s29] =	ssyncadd.s32 $0xFFFFFC00  }
.LBB2_22:
0x1f4: {  	p0 =	sne.s32 s4, $0xFFC0;
	[tilespmem:s5+$0x1B000] =	vst v0;
	s5 =	smov.u32 s4;
	s4 =	sadd.s32 $0x40, s4  }
.Ltmp12:
0x1f5: {  	(pc) =	sbr.rel @p0 .LBB2_22-.Ltmp12, $2  }
0x1f6: {  	_ =	sdelay $0x2  }
0x1f7: {  	s5 =	sshra.s32 s5, $0x2  }
0x1f8: {  	[tilespmem:s5+$0x1B000] =	vst v0;
	s4 =	simm.s32 $0x0;
	s14 =	rddreg [dreg:$0xc];
	s11 =	simm.s32 $0x19700  }
0x1f9: {  	[tilespmem:s11], [sflag:$0x6] =	stream.linear.gather [hbm4b:s14+s4], $0x620, $0x38;
	[tilespmem:$0x1F000] =	vst v63  }
0x1fa: {  	_ =	swait.ge [sflag:s29], $0x620  }
0x1fb: {  	[sflag:s29] =	ssyncset.done $0x0  }
0x1fc: {  	s15 =	simm.s32 $0x1A380;
	[sflag:s29] =	ssyncadd.s32 $0xFFFFF9E0  }
0x1fd: {  	[tilespmem:s15], [sflag:$0x6] =	stream.linear.gather [hbm4b:s16+s4], $0x620, $0x38;
	[tilespmem:$0x1F000] =	vst v63  }
0x1fe: {  	_ =	swait.ge [sflag:s29], $0x620  }
0x1ff: {  	[sflag:s29] =	ssyncset.done $0x0  }
0x200: {  	s5 =	simm.s32 $0x0;
	s4 =	simm.s32 $0x40;
	[sflag:s29] =	ssyncadd.s32 $0xFFFFF9E0  }
.LBB2_24:
0x201: {  	p0 =	sne.s32 s4, $0x1840;
	v2 =	vld [tilespmem:s5+$0x1A380];
	_ =	sdelay $0x4  }
0x202: {  	v3 =	vld [tilespmem:s5+$0x19700];
	v2 =	vadd.s32 v1, v2  }
.Ltmp13:
0x203: {  	(pc) =	sbr.rel @p0 .LBB2_24-.Ltmp13, $2  }
0x204: {  	_ =	sdelay $0x2  }
0x205: {  	s5 =	sshra.s32 s4, $0x2;
	s4 =	sadd.s32 $0x40, s4;
	[tilespmem:v2+s31+$0x0] =	vst.idx.add.f32.msk $0xffff, v3  }
0x206: {  	v2 =	vld [tilespmem:s5+$0x1A380];
	_ =	sdelay $0x4  }
0x207: {  	v3 =	vld [tilespmem:s5+$0x19700];
	v2 =	vadd.s32 v1, v2;
	_ =	sdelay $0x4  }
0x208: {  	[tilespmem:v2+s31+$0x0] =	vst.idx.add.f32.msk $0xffff, v3  }
0x209: {  	_ =	swait.ge [sflag:s0], $0xC350  }
0x20a: {  	[sflag:s0] =	ssyncset.done $0x0  }
0x20b: {  	s4 =	simm.s32 $0x0;
	s15 =	simm.s32 $0x18700;
	[sflag:s0] =	ssyncadd.s32 $0xFFFF3CB0  }
0x20c: {  	[tilespmem:s15], [sflag:$0x2] =	stream.linear.gather [hbm4b:s18+s4], $0x400, $0x38;
	[tilespmem:$0x1F000] =	vst v63  }
0x20d: {  	s11 =	simm.s32 $0x18B00  }
0x20e: {  	[tilespmem:s11], [sflag:$0x3] =	stream.linear.gather [hbm4b:s19+s4], $0x400, $0x38;
	[tilespmem:$0x1F000] =	vst v63  }
.Ltmp14:
0x20f: {  	_ = 	snop;
	(pc) =	sbr.rel .LBB2_26-.Ltmp14, $4  }
0x210: {  	s14 =	simm.s32 $0x18F00  }
0x211: {  	[tilespmem:s14], [sflag:$0x4] =	stream.linear.gather [hbm4b:s20+s4], $0x400, $0x38;
	[tilespmem:$0x1F000] =	vst v63  }
0x212: {  	s15 =	simm.s32 $0x19300  }
0x213: {  	[tilespmem:s15], [sflag:$0x5] =	stream.linear.gather [hbm4b:s21+s4], $0x400, $0x38;
	[tilespmem:$0x1F000] =	vst v63  }
.LBB2_40:
0x214: {  	s4 =	sadd.s32 $0x1, s4  }
0x215: {  	p0 =	sne.s32 s4, $0x19  }
.Ltmp15:
0x216: {  	_ = 	snop;
	(pc) =	sbr.rel @!p0 .LBB2_41-.Ltmp15, $1  }
0x217: {  	_ =	sdelay $0x3  }
.LBB2_26:
0x218: {  	_ =	swait.ge [sflag:s28], $0x400  }
0x219: {  	s5 =	sshll.u32 s4, $0x2;
	[sflag:s28] =	ssyncset.done $0x0  }
0x21a: {  	p0 =	por $0x1, $0x1;
	s11 =	simm.s32 $0x0;
	[sflag:s28] =	ssyncadd.s32 $0xFFFFFC00  }
.LBB2_27:
0x21b: {  	s11 =	sshra.s32 s11, $0x2  }
0x21c: {  	v2 =	vld [tilespmem:s11+$0x18700]  }
0x21d: {  	v3 =	vld [tilespmem:s11+$0x18780]  }
0x21e: {  	v4 =	vld [tilespmem:s11+$0x18790]  }
0x21f: {  	v5 =	vld [tilespmem:s11+$0x187A0]  }
0x220: {  	v6 =	vld [tilespmem:s11+$0x18710]  }
0x221: {  	v7 =	vld [tilespmem:s11+$0x187B0]  }
0x222: {  	v8 =	vld [tilespmem:s11+$0x187C0]  }
0x223: {  	v9 =	vld [tilespmem:s11+$0x18720]  }
0x224: {  	v10 =	vld [tilespmem:s11+$0x187D0]  }
0x225: {  	v11 =	vld [tilespmem:s11+$0x18730]  }
0x226: {  	v12 =	vld [tilespmem:s11+$0x18740]  }
0x227: {  	v13 =	vld [tilespmem:s11+$0x18750]  }
0x228: {  	v45 =	vld [tilespmem:s11+$0x18880]  }
0x229: {  	v46 =	vld [tilespmem:s11+$0x18890]  }
0x22a: {  	v47 =	vld [tilespmem:s11+$0x18760]  }
0x22b: {  	v48 =	vld [tilespmem:s11+$0x18770]  }
0x22c: {  	v49 =	vld [tilespmem:s11+$0x18800]  }
0x22d: {  	v50 =	vld [tilespmem:s11+$0x18810]  }
0x22e: {  	v3 =	vld.idx.msk [tilespmem:v3+s2+$0x0], $0xffff  }
0x22f: {  	v2 =	vld.idx.msk [tilespmem:v2+s2+$0x0], $0xffff  }
0x230: {  	v4 =	vld.idx.msk [tilespmem:v4+s2+$0x0], $0xffff  }
0x231: {  	v5 =	vld.idx.msk [tilespmem:v5+s2+$0x0], $0xffff  }
0x232: {  	v7 =	vld.idx.msk [tilespmem:v7+s2+$0x0], $0xffff  }
0x233: {  	v8 =	vld.idx.msk [tilespmem:v8+s2+$0x0], $0xffff;
	v3 =	vand.u32 $0xFFF, v3  }
0x234: {  	v6 =	vld.idx.msk [tilespmem:v6+s2+$0x0], $0xffff;
	v3 =	vadd.s32 v1, v3  }
0x235: {  	v10 =	vld.idx.msk [tilespmem:v10+s2+$0x0], $0xffff;
	v4 =	vand.u32 $0xFFF, v4  }
0x236: {  	v9 =	vld.idx.msk [tilespmem:v9+s2+$0x0], $0xffff;
	v5 =	vand.u32 $0xFFF, v5;
	v4 =	vadd.s32 v1, v4  }
0x237: {  	v11 =	vld.idx.msk [tilespmem:v11+s2+$0x0], $0xffff;
	v7 =	vand.u32 $0xFFF, v7;
	v5 =	vadd.s32 v1, v5  }
0x238: {  	v12 =	vld.idx.msk [tilespmem:v12+s2+$0x0], $0xffff;
	v2 =	vand.u32 $0xFFFFF000, v2;
	v8 =	vand.u32 $0xFFF, v8;
	v7 =	vadd.s32 v1, v7  }
0x239: {  	[tilespmem:v3+s31+$0x0] =	vst.idx.add.f32.msk $0xffff, v2;
	v2 =	vadd.s32 v1, v8  }
0x23a: {  	v42 =	vld.idx.msk [tilespmem:v13+s2+$0x0], $0xffff;
	v43 =	vand.u32 $0xFFF, v10;
	v3 =	vand.u32 $0xFFFFF000, v6  }
0x23b: {  	v44 =	vadd.s32 v1, v43;
	[tilespmem:v4+s31+$0x0] =	vst.idx.add.f32.msk $0xffff, v3;
	v3 =	vand.u32 $0xFFFFF000, v9  }
0x23c: {  	[tilespmem:v5+s31+$0x0] =	vst.idx.add.f32.msk $0xffff, v3;
	v3 =	vand.u32 $0xFFFFF000, v11  }
0x23d: {  	[tilespmem:v7+s31+$0x0] =	vst.idx.add.f32.msk $0xffff, v3;
	v3 =	vand.u32 $0xFFFFF000, v12  }
0x23e: {  	[tilespmem:v2+s31+$0x0] =	vst.idx.add.f32.msk $0xffff, v3  }
0x23f: {  	v2 =	vand.u32 $0xFFFFF000, v42;
	v3 =	vld [tilespmem:s11+$0x187E0]  }
0x240: {  	[tilespmem:v44+s31+$0x0] =	vst.idx.add.f32.msk $0xffff, v2  }
0x241: {  	v2 =	vld [tilespmem:s11+$0x187F0]  }
0x242: {  	v51 =	vld [tilespmem:s11+$0x18820]  }
0x243: {  	v52 =	vld [tilespmem:s11+$0x188A0]  }
0x244: {  	v53 =	vld [tilespmem:s11+$0x188B0]  }
0x245: {  	v55 =	vld [tilespmem:s11+$0x18830]  }
0x246: {  	v56 =	vld [tilespmem:s11+$0x188D0]  }
0x247: {  	v57 =	vld [tilespmem:s11+$0x188E0]  }
0x248: {  	v3 =	vld.idx.msk [tilespmem:v3+s2+$0x0], $0xffff  }
0x249: {  	v2 =	vld.idx.msk [tilespmem:v2+s2+$0x0], $0xffff  }
0x24a: {  	v58 =	vld [tilespmem:s11+$0x188F0]  }
0x24b: {  	v59 =	vld [tilespmem:s11+$0x18840]  }
0x24c: {  	v60 =	vld [tilespmem:s11+$0x18850]  }
0x24d: {  	v6 =	vld.idx.msk [tilespmem:v47+s2+$0x0], $0xffff;
	v3 =	vand.u32 $0xFFF, v3  }
0x24e: {  	v7 =	vld.idx.msk [tilespmem:v48+s2+$0x0], $0xffff;
	v3 =	vadd.s32 v1, v3;
	v2 =	vand.u32 $0xFFF, v2  }
0x24f: {  	v61 =	vld [tilespmem:s11+$0x18860];
	v2 =	vadd.s32 v1, v2  }
0x250: {  	v62 =	vld [tilespmem:s11+$0x18870]  }
0x251: {  	v4 =	vld.idx.msk [tilespmem:v45+s2+$0x0], $0xffff  }
0x252: {  	v5 =	vld.idx.msk [tilespmem:v46+s2+$0x0], $0xffff;
	v6 =	vand.u32 $0xFFFFF000, v6  }
0x253: {  	[tilespmem:v3+s31+$0x0] =	vst.idx.add.f32.msk $0xffff, v6;
	v3 =	vand.u32 $0xFFFFF000, v7  }
0x254: {  	[tilespmem:v2+s31+$0x0] =	vst.idx.add.f32.msk $0xffff, v3  }
0x255: {  	v3 =	vld [tilespmem:s11+$0x188C0]  }
0x256: {  	v8 =	vld.idx.msk [tilespmem:v49+s2+$0x0], $0xffff;
	v4 =	vand.u32 $0xFFF, v4  }
0x257: {  	v54 =	vld.idx.msk [tilespmem:v52+s2+$0x0], $0xffff;
	v4 =	vadd.s32 v1, v4  }
0x258: {  	v9 =	vld.idx.msk [tilespmem:v50+s2+$0x0], $0xffff  }
0x259: {  	v5 =	vand.u32 $0xFFF, v5;
	v6 =	vld.idx.msk [tilespmem:v53+s2+$0x0], $0xffff  }
0x25a: {  	v5 =	vadd.s32 v1, v5;
	v7 =	vld.idx.msk [tilespmem:v56+s2+$0x0], $0xffff  }
0x25b: {  	v2 =	vand.u32 $0xFFFFF000, v8;
	v8 =	vld.idx.msk [tilespmem:v57+s2+$0x0], $0xffff  }
0x25c: {  	[tilespmem:v4+s31+$0x0] =	vst.idx.add.f32.msk $0xffff, v2  }
0x25d: {  	v3 =	vld.idx.msk [tilespmem:v3+s2+$0x0], $0xffff  }
0x25e: {  	v2 =	vand.u32 $0xFFFFF000, v9;
	v9 =	vld.idx.msk [tilespmem:v58+s2+$0x0], $0xffff  }
0x25f: {  	[tilespmem:v5+s31+$0x0] =	vst.idx.add.f32.msk $0xffff, v2  }
0x260: {  	v4 =	vand.u32 $0xFFF, v54;
	v2 =	vld.idx.msk [tilespmem:v51+s2+$0x0], $0xffff  }
0x261: {  	v4 =	vadd.s32 v1, v4;
	v5 =	vld.idx.msk [tilespmem:v55+s2+$0x0], $0xffff;
	v6 =	vand.u32 $0xFFF, v6  }
0x262: {  	v10 =	vld.idx.msk [tilespmem:v59+s2+$0x0], $0xffff;
	v6 =	vadd.s32 v1, v6;
	v3 =	vand.u32 $0xFFF, v3  }
0x263: {  	v11 =	vld.idx.msk [tilespmem:v60+s2+$0x0], $0xffff;
	v7 =	vand.u32 $0xFFF, v7;
	v3 =	vadd.s32 v1, v3  }
0x264: {  	v12 =	vld.idx.msk [tilespmem:v61+s2+$0x0], $0xffff;
	v7 =	vadd.s32 v1, v7;
	v8 =	vand.u32 $0xFFF, v8  }
0x265: {  	v13 =	vld.idx.msk [tilespmem:v62+s2+$0x0], $0xffff;
	v8 =	vadd.s32 v1, v8;
	v9 =	vand.u32 $0xFFF, v9;
	v2 =	vand.u32 $0xFFFFF000, v2  }
0x266: {  	p1 =	por p0, p0;
	v63 =	vadd.s32 v1, v9;
	[tilespmem:v4+s31+$0x0] =	vst.idx.add.f32.msk $0xffff, v2;
	v2 =	vand.u32 $0xFFFFF000, v5  }
.Ltmp16:
0x267: {  	[tilespmem:v6+s31+$0x0] =	vst.idx.add.f32.msk $0xffff, v2;
	v2 =	vand.u32 $0xFFFFF000, v10;
	(pc) =	sbr.rel @p1 .LBB2_27-.Ltmp16, $4  }
0x268: {  	[tilespmem:v3+s31+$0x0] =	vst.idx.add.f32.msk $0xffff, v2;
	v2 =	vand.u32 $0xFFFFF000, v11  }
0x269: {  	[tilespmem:v7+s31+$0x0] =	vst.idx.add.f32.msk $0xffff, v2;
	v2 =	vand.u32 $0xFFFFF000, v12  }
0x26a: {  	[tilespmem:v8+s31+$0x0] =	vst.idx.add.f32.msk $0xffff, v2;
	v2 =	vand.u32 $0xFFFFF000, v13  }
0x26b: {  	p0 =	por $0x0, $0x0;
	s11 =	simm.s32 $0x800;
	[tilespmem:v63+s31+$0x0] =	vst.idx.add.f32.msk $0xffff, v2  }
0x26c: {  	s11 =	sadd.s32 $0x4, s5  }
0x26d: {  	p0 =	sge.u32 s11, s17  }
0x26e: {  	s11 =	sshll.u32 @!p0 s11, $0xC  }
0x26f: {  	s14 =	simm.s32 @!p0 $0x0;
	s15 =	simm.s32 @!p0 $0x18700;
	s11 =	sadd.s32 @!p0 s11, s18  }
0x270: {  	[tilespmem:s15], [sflag:$0x2] =	stream.linear.gather @!p0 [hbm4b:s11+s14], $0x400, $0x38;
	[tilespmem:$0x1F000] =	vst v63  }
0x271: {  	p0 =	sge.u32 s5, s22  }
.Ltmp17:
0x272: {  	_ = 	snop;
	(pc) =	sbr.rel @p0 .LBB2_32-.Ltmp17, $1  }
0x273: {  	_ =	sdelay $0x3  }
0x274: {  	_ =	swait.ge [sflag:s6], $0x400  }
0x275: {  	[sflag:s6] =	ssyncset.done $0x0  }
0x276: {  	s11 =	simm.s32 $0x0;
	p0 =	por $0x1, $0x1;
	[sflag:s6] =	ssyncadd.s32 $0xFFFFFC00  }
.LBB2_30:
0x277: {  	s11 =	sshra.s32 s11, $0x2  }
0x278: {  	v2 =	vld [tilespmem:s11+$0x18B00]  }
0x279: {  	v3 =	vld [tilespmem:s11+$0x18B80]  }
0x27a: {  	v4 =	vld [tilespmem:s11+$0x18B90]  }
0x27b: {  	v5 =	vld [tilespmem:s11+$0x18BA0]  }
0x27c: {  	v6 =	vld [tilespmem:s11+$0x18B10]  }
0x27d: {  	v7 =	vld [tilespmem:s11+$0x18BB0]  }
0x27e: {  	v8 =	vld [tilespmem:s11+$0x18BC0]  }
0x27f: {  	v9 =	vld [tilespmem:s11+$0x18B20]  }
0x280: {  	v10 =	vld [tilespmem:s11+$0x18BD0]  }
0x281: {  	v11 =	vld [tilespmem:s11+$0x18B30]  }
0x282: {  	v12 =	vld [tilespmem:s11+$0x18B40]  }
0x283: {  	v13 =	vld [tilespmem:s11+$0x18B50]  }
0x284: {  	v45 =	vld [tilespmem:s11+$0x18C80]  }
0x285: {  	v46 =	vld [tilespmem:s11+$0x18C90]  }
0x286: {  	v47 =	vld [tilespmem:s11+$0x18B60]  }
0x287: {  	v48 =	vld [tilespmem:s11+$0x18B70]  }
0x288: {  	v49 =	vld [tilespmem:s11+$0x18C00]  }
0x289: {  	v50 =	vld [tilespmem:s11+$0x18C10]  }
0x28a: {  	v3 =	vld.idx.msk [tilespmem:v3+s2+$0x0], $0xffff  }
0x28b: {  	v2 =	vld.idx.msk [tilespmem:v2+s2+$0x0], $0xffff  }
0x28c: {  	v4 =	vld.idx.msk [tilespmem:v4+s2+$0x0], $0xffff  }
0x28d: {  	v5 =	vld.idx.msk [tilespmem:v5+s2+$0x0], $0xffff  }
0x28e: {  	v7 =	vld.idx.msk [tilespmem:v7+s2+$0x0], $0xffff  }
0x28f: {  	v8 =	vld.idx.msk [tilespmem:v8+s2+$0x0], $0xffff;
	v3 =	vand.u32 $0xFFF, v3  }
0x290: {  	v6 =	vld.idx.msk [tilespmem:v6+s2+$0x0], $0xffff;
	v3 =	vadd.s32 v1, v3  }
0x291: {  	v10 =	vld.idx.msk [tilespmem:v10+s2+$0x0], $0xffff;
	v4 =	vand.u32 $0xFFF, v4  }
0x292: {  	v9 =	vld.idx.msk [tilespmem:v9+s2+$0x0], $0xffff;
	v5 =	vand.u32 $0xFFF, v5;
	v4 =	vadd.s32 v1, v4  }
0x293: {  	v11 =	vld.idx.msk [tilespmem:v11+s2+$0x0], $0xffff;
	v7 =	vand.u32 $0xFFF, v7;
	v5 =	vadd.s32 v1, v5  }
0x294: {  	v12 =	vld.idx.msk [tilespmem:v12+s2+$0x0], $0xffff;
	v2 =	vand.u32 $0xFFFFF000, v2;
	v8 =	vand.u32 $0xFFF, v8;
	v7 =	vadd.s32 v1, v7  }
0x295: {  	[tilespmem:v3+s31+$0x0] =	vst.idx.add.f32.msk $0xffff, v2;
	v2 =	vadd.s32 v1, v8  }
0x296: {  	v42 =	vld.idx.msk [tilespmem:v13+s2+$0x0], $0xffff;
	v43 =	vand.u32 $0xFFF, v10;
	v3 =	vand.u32 $0xFFFFF000, v6  }
0x297: {  	v44 =	vadd.s32 v1, v43;
	[tilespmem:v4+s31+$0x0] =	vst.idx.add.f32.msk $0xffff, v3;
	v3 =	vand.u32 $0xFFFFF000, v9  }
0x298: {  	[tilespmem:v5+s31+$0x0] =	vst.idx.add.f32.msk $0xffff, v3;
	v3 =	vand.u32 $0xFFFFF000, v11  }
0x299: {  	[tilespmem:v7+s31+$0x0] =	vst.idx.add.f32.msk $0xffff, v3;
	v3 =	vand.u32 $0xFFFFF000, v12  }
0x29a: {  	[tilespmem:v2+s31+$0x0] =	vst.idx.add.f32.msk $0xffff, v3  }
0x29b: {  	v2 =	vand.u32 $0xFFFFF000, v42;
	v3 =	vld [tilespmem:s11+$0x18BE0]  }
0x29c: {  	[tilespmem:v44+s31+$0x0] =	vst.idx.add.f32.msk $0xffff, v2  }
0x29d: {  	v2 =	vld [tilespmem:s11+$0x18BF0]  }
0x29e: {  	v51 =	vld [tilespmem:s11+$0x18C20]  }
0x29f: {  	v52 =	vld [tilespmem:s11+$0x18CA0]  }
0x2a0: {  	v53 =	vld [tilespmem:s11+$0x18CB0]  }
0x2a1: {  	v55 =	vld [tilespmem:s11+$0x18C30]  }
0x2a2: {  	v56 =	vld [tilespmem:s11+$0x18CD0]  }
0x2a3: {  	v57 =	vld [tilespmem:s11+$0x18CE0]  }
0x2a4: {  	v3 =	vld.idx.msk [tilespmem:v3+s2+$0x0], $0xffff  }
0x2a5: {  	v2 =	vld.idx.msk [tilespmem:v2+s2+$0x0], $0xffff  }
0x2a6: {  	v58 =	vld [tilespmem:s11+$0x18CF0]  }
0x2a7: {  	v59 =	vld [tilespmem:s11+$0x18C40]  }
0x2a8: {  	v60 =	vld [tilespmem:s11+$0x18C50]  }
0x2a9: {  	v6 =	vld.idx.msk [tilespmem:v47+s2+$0x0], $0xffff;
	v3 =	vand.u32 $0xFFF, v3  }
0x2aa: {  	v7 =	vld.idx.msk [tilespmem:v48+s2+$0x0], $0xffff;
	v3 =	vadd.s32 v1, v3;
	v2 =	vand.u32 $0xFFF, v2  }
0x2ab: {  	v61 =	vld [tilespmem:s11+$0x18C60];
	v2 =	vadd.s32 v1, v2  }
0x2ac: {  	v62 =	vld [tilespmem:s11+$0x18C70]  }
0x2ad: {  	v4 =	vld.idx.msk [tilespmem:v45+s2+$0x0], $0xffff  }
0x2ae: {  	v5 =	vld.idx.msk [tilespmem:v46+s2+$0x0], $0xffff;
	v6 =	vand.u32 $0xFFFFF000, v6  }
0x2af: {  	[tilespmem:v3+s31+$0x0] =	vst.idx.add.f32.msk $0xffff, v6;
	v3 =	vand.u32 $0xFFFFF000, v7  }
0x2b0: {  	[tilespmem:v2+s31+$0x0] =	vst.idx.add.f32.msk $0xffff, v3  }
0x2b1: {  	v3 =	vld [tilespmem:s11+$0x18CC0]  }
0x2b2: {  	v8 =	vld.idx.msk [tilespmem:v49+s2+$0x0], $0xffff;
	v4 =	vand.u32 $0xFFF, v4  }
0x2b3: {  	v54 =	vld.idx.msk [tilespmem:v52+s2+$0x0], $0xffff;
	v4 =	vadd.s32 v1, v4  }
0x2b4: {  	v9 =	vld.idx.msk [tilespmem:v50+s2+$0x0], $0xffff  }
0x2b5: {  	v5 =	vand.u32 $0xFFF, v5;
	v6 =	vld.idx.msk [tilespmem:v53+s2+$0x0], $0xffff  }
0x2b6: {  	v5 =	vadd.s32 v1, v5;
	v7 =	vld.idx.msk [tilespmem:v56+s2+$0x0], $0xffff  }
0x2b7: {  	v2 =	vand.u32 $0xFFFFF000, v8;
	v8 =	vld.idx.msk [tilespmem:v57+s2+$0x0], $0xffff  }
0x2b8: {  	[tilespmem:v4+s31+$0x0] =	vst.idx.add.f32.msk $0xffff, v2  }
0x2b9: {  	v3 =	vld.idx.msk [tilespmem:v3+s2+$0x0], $0xffff  }
0x2ba: {  	v2 =	vand.u32 $0xFFFFF000, v9;
	v9 =	vld.idx.msk [tilespmem:v58+s2+$0x0], $0xffff  }
0x2bb: {  	[tilespmem:v5+s31+$0x0] =	vst.idx.add.f32.msk $0xffff, v2  }
0x2bc: {  	v4 =	vand.u32 $0xFFF, v54;
	v2 =	vld.idx.msk [tilespmem:v51+s2+$0x0], $0xffff  }
0x2bd: {  	v4 =	vadd.s32 v1, v4;
	v5 =	vld.idx.msk [tilespmem:v55+s2+$0x0], $0xffff;
	v6 =	vand.u32 $0xFFF, v6  }
0x2be: {  	v10 =	vld.idx.msk [tilespmem:v59+s2+$0x0], $0xffff;
	v6 =	vadd.s32 v1, v6;
	v3 =	vand.u32 $0xFFF, v3  }
0x2bf: {  	v11 =	vld.idx.msk [tilespmem:v60+s2+$0x0], $0xffff;
	v7 =	vand.u32 $0xFFF, v7;
	v3 =	vadd.s32 v1, v3  }
0x2c0: {  	v12 =	vld.idx.msk [tilespmem:v61+s2+$0x0], $0xffff;
	v7 =	vadd.s32 v1, v7;
	v8 =	vand.u32 $0xFFF, v8  }
0x2c1: {  	v13 =	vld.idx.msk [tilespmem:v62+s2+$0x0], $0xffff;
	v8 =	vadd.s32 v1, v8;
	v9 =	vand.u32 $0xFFF, v9;
	v2 =	vand.u32 $0xFFFFF000, v2  }
0x2c2: {  	p1 =	por p0, p0;
	v63 =	vadd.s32 v1, v9;
	[tilespmem:v4+s31+$0x0] =	vst.idx.add.f32.msk $0xffff, v2;
	v2 =	vand.u32 $0xFFFFF000, v5  }
.Ltmp18:
0x2c3: {  	[tilespmem:v6+s31+$0x0] =	vst.idx.add.f32.msk $0xffff, v2;
	v2 =	vand.u32 $0xFFFFF000, v10;
	(pc) =	sbr.rel @p1 .LBB2_30-.Ltmp18, $4  }
0x2c4: {  	[tilespmem:v3+s31+$0x0] =	vst.idx.add.f32.msk $0xffff, v2;
	v2 =	vand.u32 $0xFFFFF000, v11  }
0x2c5: {  	[tilespmem:v7+s31+$0x0] =	vst.idx.add.f32.msk $0xffff, v2;
	v2 =	vand.u32 $0xFFFFF000, v12  }
0x2c6: {  	[tilespmem:v8+s31+$0x0] =	vst.idx.add.f32.msk $0xffff, v2;
	v2 =	vand.u32 $0xFFFFF000, v13  }
0x2c7: {  	p0 =	por $0x0, $0x0;
	s11 =	simm.s32 $0x800;
	[tilespmem:v63+s31+$0x0] =	vst.idx.add.f32.msk $0xffff, v2  }
0x2c8: {  	s11 =	sadd.s32 $0x5, s5  }
0x2c9: {  	p0 =	sge.u32 s11, s17  }
0x2ca: {  	s11 =	sshll.u32 @!p0 s11, $0xC  }
0x2cb: {  	s14 =	simm.s32 @!p0 $0x0;
	s15 =	simm.s32 @!p0 $0x18B00;
	s11 =	sadd.s32 @!p0 s11, s18  }
0x2cc: {  	[tilespmem:s15], [sflag:$0x3] =	stream.linear.gather @!p0 [hbm4b:s11+s14], $0x400, $0x38;
	[tilespmem:$0x1F000] =	vst v63  }
.LBB2_32:
0x2cd: {  	p0 =	sge.u32 s5, s23  }
.Ltmp19:
0x2ce: {  	_ = 	snop;
	(pc) =	sbr.rel @p0 .LBB2_36-.Ltmp19, $1  }
0x2cf: {  	_ =	sdelay $0x3  }
0x2d0: {  	_ =	swait.ge [sflag:s30], $0x400  }
0x2d1: {  	[sflag:s30] =	ssyncset.done $0x0  }
0x2d2: {  	s11 =	simm.s32 $0x0;
	p0 =	por $0x1, $0x1;
	[sflag:s30] =	ssyncadd.s32 $0xFFFFFC00  }
.LBB2_34:
0x2d3: {  	s11 =	sshra.s32 s11, $0x2  }
0x2d4: {  	v2 =	vld [tilespmem:s11+$0x18F00]  }
0x2d5: {  	v3 =	vld [tilespmem:s11+$0x18F80]  }
0x2d6: {  	v4 =	vld [tilespmem:s11+$0x18F90]  }
0x2d7: {  	v5 =	vld [tilespmem:s11+$0x18FA0]  }
0x2d8: {  	v6 =	vld [tilespmem:s11+$0x18F10]  }
0x2d9: {  	v7 =	vld [tilespmem:s11+$0x18FB0]  }
0x2da: {  	v8 =	vld [tilespmem:s11+$0x18FC0]  }
0x2db: {  	v9 =	vld [tilespmem:s11+$0x18F20]  }
0x2dc: {  	v10 =	vld [tilespmem:s11+$0x18FD0]  }
0x2dd: {  	v11 =	vld [tilespmem:s11+$0x18F30]  }
0x2de: {  	v12 =	vld [tilespmem:s11+$0x18F40]  }
0x2df: {  	v13 =	vld [tilespmem:s11+$0x18F50]  }
0x2e0: {  	v45 =	vld [tilespmem:s11+$0x19080]  }
0x2e1: {  	v46 =	vld [tilespmem:s11+$0x19090]  }
0x2e2: {  	v47 =	vld [tilespmem:s11+$0x18F60]  }
0x2e3: {  	v48 =	vld [tilespmem:s11+$0x18F70]  }
0x2e4: {  	v49 =	vld [tilespmem:s11+$0x19000]  }
0x2e5: {  	v50 =	vld [tilespmem:s11+$0x19010]  }
0x2e6: {  	v3 =	vld.idx.msk [tilespmem:v3+s2+$0x0], $0xffff  }
0x2e7: {  	v2 =	vld.idx.msk [tilespmem:v2+s2+$0x0], $0xffff  }
0x2e8: {  	v4 =	vld.idx.msk [tilespmem:v4+s2+$0x0], $0xffff  }
0x2e9: {  	v5 =	vld.idx.msk [tilespmem:v5+s2+$0x0], $0xffff  }
0x2ea: {  	v7 =	vld.idx.msk [tilespmem:v7+s2+$0x0], $0xffff  }
0x2eb: {  	v8 =	vld.idx.msk [tilespmem:v8+s2+$0x0], $0xffff;
	v3 =	vand.u32 $0xFFF, v3  }
0x2ec: {  	v6 =	vld.idx.msk [tilespmem:v6+s2+$0x0], $0xffff;
	v3 =	vadd.s32 v1, v3  }
0x2ed: {  	v10 =	vld.idx.msk [tilespmem:v10+s2+$0x0], $0xffff;
	v4 =	vand.u32 $0xFFF, v4  }
0x2ee: {  	v9 =	vld.idx.msk [tilespmem:v9+s2+$0x0], $0xffff;
	v5 =	vand.u32 $0xFFF, v5;
	v4 =	vadd.s32 v1, v4  }
0x2ef: {  	v11 =	vld.idx.msk [tilespmem:v11+s2+$0x0], $0xffff;
	v7 =	vand.u32 $0xFFF, v7;
	v5 =	vadd.s32 v1, v5  }
0x2f0: {  	v12 =	vld.idx.msk [tilespmem:v12+s2+$0x0], $0xffff;
	v2 =	vand.u32 $0xFFFFF000, v2;
	v8 =	vand.u32 $0xFFF, v8;
	v7 =	vadd.s32 v1, v7  }
0x2f1: {  	[tilespmem:v3+s31+$0x0] =	vst.idx.add.f32.msk $0xffff, v2;
	v2 =	vadd.s32 v1, v8  }
0x2f2: {  	v42 =	vld.idx.msk [tilespmem:v13+s2+$0x0], $0xffff;
	v43 =	vand.u32 $0xFFF, v10;
	v3 =	vand.u32 $0xFFFFF000, v6  }
0x2f3: {  	v44 =	vadd.s32 v1, v43;
	[tilespmem:v4+s31+$0x0] =	vst.idx.add.f32.msk $0xffff, v3;
	v3 =	vand.u32 $0xFFFFF000, v9  }
0x2f4: {  	[tilespmem:v5+s31+$0x0] =	vst.idx.add.f32.msk $0xffff, v3;
	v3 =	vand.u32 $0xFFFFF000, v11  }
0x2f5: {  	[tilespmem:v7+s31+$0x0] =	vst.idx.add.f32.msk $0xffff, v3;
	v3 =	vand.u32 $0xFFFFF000, v12  }
0x2f6: {  	[tilespmem:v2+s31+$0x0] =	vst.idx.add.f32.msk $0xffff, v3  }
0x2f7: {  	v2 =	vand.u32 $0xFFFFF000, v42;
	v3 =	vld [tilespmem:s11+$0x18FE0]  }
0x2f8: {  	[tilespmem:v44+s31+$0x0] =	vst.idx.add.f32.msk $0xffff, v2  }
0x2f9: {  	v2 =	vld [tilespmem:s11+$0x18FF0]  }
0x2fa: {  	v51 =	vld [tilespmem:s11+$0x19020]  }
0x2fb: {  	v52 =	vld [tilespmem:s11+$0x190A0]  }
0x2fc: {  	v53 =	vld [tilespmem:s11+$0x190B0]  }
0x2fd: {  	v55 =	vld [tilespmem:s11+$0x19030]  }
0x2fe: {  	v56 =	vld [tilespmem:s11+$0x190D0]  }
0x2ff: {  	v57 =	vld [tilespmem:s11+$0x190E0]  }
0x300: {  	v3 =	vld.idx.msk [tilespmem:v3+s2+$0x0], $0xffff  }
0x301: {  	v2 =	vld.idx.msk [tilespmem:v2+s2+$0x0], $0xffff  }
0x302: {  	v58 =	vld [tilespmem:s11+$0x190F0]  }
0x303: {  	v59 =	vld [tilespmem:s11+$0x19040]  }
0x304: {  	v60 =	vld [tilespmem:s11+$0x19050]  }
0x305: {  	v6 =	vld.idx.msk [tilespmem:v47+s2+$0x0], $0xffff;
	v3 =	vand.u32 $0xFFF, v3  }
0x306: {  	v7 =	vld.idx.msk [tilespmem:v48+s2+$0x0], $0xffff;
	v3 =	vadd.s32 v1, v3;
	v2 =	vand.u32 $0xFFF, v2  }
0x307: {  	v61 =	vld [tilespmem:s11+$0x19060];
	v2 =	vadd.s32 v1, v2  }
0x308: {  	v62 =	vld [tilespmem:s11+$0x19070]  }
0x309: {  	v4 =	vld.idx.msk [tilespmem:v45+s2+$0x0], $0xffff  }
0x30a: {  	v5 =	vld.idx.msk [tilespmem:v46+s2+$0x0], $0xffff;
	v6 =	vand.u32 $0xFFFFF000, v6  }
0x30b: {  	[tilespmem:v3+s31+$0x0] =	vst.idx.add.f32.msk $0xffff, v6;
	v3 =	vand.u32 $0xFFFFF000, v7  }
0x30c: {  	[tilespmem:v2+s31+$0x0] =	vst.idx.add.f32.msk $0xffff, v3  }
0x30d: {  	v3 =	vld [tilespmem:s11+$0x190C0]  }
0x30e: {  	v8 =	vld.idx.msk [tilespmem:v49+s2+$0x0], $0xffff;
	v4 =	vand.u32 $0xFFF, v4  }
0x30f: {  	v54 =	vld.idx.msk [tilespmem:v52+s2+$0x0], $0xffff;
	v4 =	vadd.s32 v1, v4  }
0x310: {  	v9 =	vld.idx.msk [tilespmem:v50+s2+$0x0], $0xffff  }
0x311: {  	v5 =	vand.u32 $0xFFF, v5;
	v6 =	vld.idx.msk [tilespmem:v53+s2+$0x0], $0xffff  }
0x312: {  	v5 =	vadd.s32 v1, v5;
	v7 =	vld.idx.msk [tilespmem:v56+s2+$0x0], $0xffff  }
0x313: {  	v2 =	vand.u32 $0xFFFFF000, v8;
	v8 =	vld.idx.msk [tilespmem:v57+s2+$0x0], $0xffff  }
0x314: {  	[tilespmem:v4+s31+$0x0] =	vst.idx.add.f32.msk $0xffff, v2  }
0x315: {  	v3 =	vld.idx.msk [tilespmem:v3+s2+$0x0], $0xffff  }
0x316: {  	v2 =	vand.u32 $0xFFFFF000, v9;
	v9 =	vld.idx.msk [tilespmem:v58+s2+$0x0], $0xffff  }
0x317: {  	[tilespmem:v5+s31+$0x0] =	vst.idx.add.f32.msk $0xffff, v2  }
0x318: {  	v4 =	vand.u32 $0xFFF, v54;
	v2 =	vld.idx.msk [tilespmem:v51+s2+$0x0], $0xffff  }
0x319: {  	v4 =	vadd.s32 v1, v4;
	v5 =	vld.idx.msk [tilespmem:v55+s2+$0x0], $0xffff;
	v6 =	vand.u32 $0xFFF, v6  }
0x31a: {  	v10 =	vld.idx.msk [tilespmem:v59+s2+$0x0], $0xffff;
	v6 =	vadd.s32 v1, v6;
	v3 =	vand.u32 $0xFFF, v3  }
0x31b: {  	v11 =	vld.idx.msk [tilespmem:v60+s2+$0x0], $0xffff;
	v7 =	vand.u32 $0xFFF, v7;
	v3 =	vadd.s32 v1, v3  }
0x31c: {  	v12 =	vld.idx.msk [tilespmem:v61+s2+$0x0], $0xffff;
	v7 =	vadd.s32 v1, v7;
	v8 =	vand.u32 $0xFFF, v8  }
0x31d: {  	v13 =	vld.idx.msk [tilespmem:v62+s2+$0x0], $0xffff;
	v8 =	vadd.s32 v1, v8;
	v9 =	vand.u32 $0xFFF, v9;
	v2 =	vand.u32 $0xFFFFF000, v2  }
0x31e: {  	p1 =	por p0, p0;
	v63 =	vadd.s32 v1, v9;
	[tilespmem:v4+s31+$0x0] =	vst.idx.add.f32.msk $0xffff, v2;
	v2 =	vand.u32 $0xFFFFF000, v5  }
.Ltmp20:
0x31f: {  	[tilespmem:v6+s31+$0x0] =	vst.idx.add.f32.msk $0xffff, v2;
	v2 =	vand.u32 $0xFFFFF000, v10;
	(pc) =	sbr.rel @p1 .LBB2_34-.Ltmp20, $4  }
0x320: {  	[tilespmem:v3+s31+$0x0] =	vst.idx.add.f32.msk $0xffff, v2;
	v2 =	vand.u32 $0xFFFFF000, v11  }
0x321: {  	[tilespmem:v7+s31+$0x0] =	vst.idx.add.f32.msk $0xffff, v2;
	v2 =	vand.u32 $0xFFFFF000, v12  }
0x322: {  	[tilespmem:v8+s31+$0x0] =	vst.idx.add.f32.msk $0xffff, v2;
	v2 =	vand.u32 $0xFFFFF000, v13  }
0x323: {  	p0 =	por $0x0, $0x0;
	s11 =	simm.s32 $0x800;
	[tilespmem:v63+s31+$0x0] =	vst.idx.add.f32.msk $0xffff, v2  }
0x324: {  	s11 =	sadd.s32 $0x6, s5  }
0x325: {  	p0 =	sge.u32 s11, s17  }
0x326: {  	s11 =	sshll.u32 @!p0 s11, $0xC  }
0x327: {  	s14 =	simm.s32 @!p0 $0x0;
	s15 =	simm.s32 @!p0 $0x18F00;
	s11 =	sadd.s32 @!p0 s11, s18  }
0x328: {  	[tilespmem:s15], [sflag:$0x4] =	stream.linear.gather @!p0 [hbm4b:s11+s14], $0x400, $0x38;
	[tilespmem:$0x1F000] =	vst v63  }
.LBB2_36:
0x329: {  	p0 =	sge.u32 s5, s26  }
.Ltmp21:
0x32a: {  	_ = 	snop;
	(pc) =	sbr.rel @p0 .LBB2_40-.Ltmp21, $1  }
0x32b: {  	_ =	sdelay $0x3  }
0x32c: {  	_ =	swait.ge [sflag:s1], $0x400  }
0x32d: {  	[sflag:s1] =	ssyncset.done $0x0  }
0x32e: {  	s11 =	simm.s32 $0x0;
	p0 =	por $0x1, $0x1;
	[sflag:s1] =	ssyncadd.s32 $0xFFFFFC00  }
.LBB2_38:
0x32f: {  	s11 =	sshra.s32 s11, $0x2  }
0x330: {  	v2 =	vld [tilespmem:s11+$0x19300]  }
0x331: {  	v3 =	vld [tilespmem:s11+$0x19380]  }
0x332: {  	v4 =	vld [tilespmem:s11+$0x19390]  }
0x333: {  	v5 =	vld [tilespmem:s11+$0x193A0]  }
0x334: {  	v6 =	vld [tilespmem:s11+$0x19310]  }
0x335: {  	v7 =	vld [tilespmem:s11+$0x193B0]  }
0x336: {  	v8 =	vld [tilespmem:s11+$0x193C0]  }
0x337: {  	v9 =	vld [tilespmem:s11+$0x19320]  }
0x338: {  	v10 =	vld [tilespmem:s11+$0x193D0]  }
0x339: {  	v11 =	vld [tilespmem:s11+$0x19330]  }
0x33a: {  	v12 =	vld [tilespmem:s11+$0x19340]  }
0x33b: {  	v13 =	vld [tilespmem:s11+$0x19350]  }
0x33c: {  	v45 =	vld [tilespmem:s11+$0x19480]  }
0x33d: {  	v46 =	vld [tilespmem:s11+$0x19490]  }
0x33e: {  	v47 =	vld [tilespmem:s11+$0x19360]  }
0x33f: {  	v48 =	vld [tilespmem:s11+$0x19370]  }
0x340: {  	v49 =	vld [tilespmem:s11+$0x19400]  }
0x341: {  	v50 =	vld [tilespmem:s11+$0x19410]  }
0x342: {  	v3 =	vld.idx.msk [tilespmem:v3+s2+$0x0], $0xffff  }
0x343: {  	v2 =	vld.idx.msk [tilespmem:v2+s2+$0x0], $0xffff  }
0x344: {  	v4 =	vld.idx.msk [tilespmem:v4+s2+$0x0], $0xffff  }
0x345: {  	v5 =	vld.idx.msk [tilespmem:v5+s2+$0x0], $0xffff  }
0x346: {  	v7 =	vld.idx.msk [tilespmem:v7+s2+$0x0], $0xffff  }
0x347: {  	v8 =	vld.idx.msk [tilespmem:v8+s2+$0x0], $0xffff;
	v3 =	vand.u32 $0xFFF, v3  }
0x348: {  	v6 =	vld.idx.msk [tilespmem:v6+s2+$0x0], $0xffff;
	v3 =	vadd.s32 v1, v3  }
0x349: {  	v10 =	vld.idx.msk [tilespmem:v10+s2+$0x0], $0xffff;
	v4 =	vand.u32 $0xFFF, v4  }
0x34a: {  	v9 =	vld.idx.msk [tilespmem:v9+s2+$0x0], $0xffff;
	v5 =	vand.u32 $0xFFF, v5;
	v4 =	vadd.s32 v1, v4  }
0x34b: {  	v11 =	vld.idx.msk [tilespmem:v11+s2+$0x0], $0xffff;
	v7 =	vand.u32 $0xFFF, v7;
	v5 =	vadd.s32 v1, v5  }
0x34c: {  	v12 =	vld.idx.msk [tilespmem:v12+s2+$0x0], $0xffff;
	v2 =	vand.u32 $0xFFFFF000, v2;
	v8 =	vand.u32 $0xFFF, v8;
	v7 =	vadd.s32 v1, v7  }
0x34d: {  	[tilespmem:v3+s31+$0x0] =	vst.idx.add.f32.msk $0xffff, v2;
	v2 =	vadd.s32 v1, v8  }
0x34e: {  	v42 =	vld.idx.msk [tilespmem:v13+s2+$0x0], $0xffff;
	v43 =	vand.u32 $0xFFF, v10;
	v3 =	vand.u32 $0xFFFFF000, v6  }
0x34f: {  	v44 =	vadd.s32 v1, v43;
	[tilespmem:v4+s31+$0x0] =	vst.idx.add.f32.msk $0xffff, v3;
	v3 =	vand.u32 $0xFFFFF000, v9  }
0x350: {  	[tilespmem:v5+s31+$0x0] =	vst.idx.add.f32.msk $0xffff, v3;
	v3 =	vand.u32 $0xFFFFF000, v11  }
0x351: {  	[tilespmem:v7+s31+$0x0] =	vst.idx.add.f32.msk $0xffff, v3;
	v3 =	vand.u32 $0xFFFFF000, v12  }
0x352: {  	[tilespmem:v2+s31+$0x0] =	vst.idx.add.f32.msk $0xffff, v3  }
0x353: {  	v2 =	vand.u32 $0xFFFFF000, v42;
	v3 =	vld [tilespmem:s11+$0x193E0]  }
0x354: {  	[tilespmem:v44+s31+$0x0] =	vst.idx.add.f32.msk $0xffff, v2  }
0x355: {  	v2 =	vld [tilespmem:s11+$0x193F0]  }
0x356: {  	v51 =	vld [tilespmem:s11+$0x19420]  }
0x357: {  	v52 =	vld [tilespmem:s11+$0x194A0]  }
0x358: {  	v53 =	vld [tilespmem:s11+$0x194B0]  }
0x359: {  	v55 =	vld [tilespmem:s11+$0x19430]  }
0x35a: {  	v56 =	vld [tilespmem:s11+$0x194D0]  }
0x35b: {  	v57 =	vld [tilespmem:s11+$0x194E0]  }
0x35c: {  	v3 =	vld.idx.msk [tilespmem:v3+s2+$0x0], $0xffff  }
0x35d: {  	v2 =	vld.idx.msk [tilespmem:v2+s2+$0x0], $0xffff  }
0x35e: {  	v58 =	vld [tilespmem:s11+$0x194F0]  }
0x35f: {  	v59 =	vld [tilespmem:s11+$0x19440]  }
0x360: {  	v60 =	vld [tilespmem:s11+$0x19450]  }
0x361: {  	v6 =	vld.idx.msk [tilespmem:v47+s2+$0x0], $0xffff;
	v3 =	vand.u32 $0xFFF, v3  }
0x362: {  	v7 =	vld.idx.msk [tilespmem:v48+s2+$0x0], $0xffff;
	v3 =	vadd.s32 v1, v3;
	v2 =	vand.u32 $0xFFF, v2  }
0x363: {  	v61 =	vld [tilespmem:s11+$0x19460];
	v2 =	vadd.s32 v1, v2  }
0x364: {  	v62 =	vld [tilespmem:s11+$0x19470]  }
0x365: {  	v4 =	vld.idx.msk [tilespmem:v45+s2+$0x0], $0xffff  }
0x366: {  	v5 =	vld.idx.msk [tilespmem:v46+s2+$0x0], $0xffff;
	v6 =	vand.u32 $0xFFFFF000, v6  }
0x367: {  	[tilespmem:v3+s31+$0x0] =	vst.idx.add.f32.msk $0xffff, v6;
	v3 =	vand.u32 $0xFFFFF000, v7  }
0x368: {  	[tilespmem:v2+s31+$0x0] =	vst.idx.add.f32.msk $0xffff, v3  }
0x369: {  	v3 =	vld [tilespmem:s11+$0x194C0]  }
0x36a: {  	v8 =	vld.idx.msk [tilespmem:v49+s2+$0x0], $0xffff;
	v4 =	vand.u32 $0xFFF, v4  }
0x36b: {  	v54 =	vld.idx.msk [tilespmem:v52+s2+$0x0], $0xffff;
	v4 =	vadd.s32 v1, v4  }
0x36c: {  	v9 =	vld.idx.msk [tilespmem:v50+s2+$0x0], $0xffff  }
0x36d: {  	v5 =	vand.u32 $0xFFF, v5;
	v6 =	vld.idx.msk [tilespmem:v53+s2+$0x0], $0xffff  }
0x36e: {  	v5 =	vadd.s32 v1, v5;
	v7 =	vld.idx.msk [tilespmem:v56+s2+$0x0], $0xffff  }
0x36f: {  	v2 =	vand.u32 $0xFFFFF000, v8;
	v8 =	vld.idx.msk [tilespmem:v57+s2+$0x0], $0xffff  }
0x370: {  	[tilespmem:v4+s31+$0x0] =	vst.idx.add.f32.msk $0xffff, v2  }
0x371: {  	v3 =	vld.idx.msk [tilespmem:v3+s2+$0x0], $0xffff  }
0x372: {  	v2 =	vand.u32 $0xFFFFF000, v9;
	v9 =	vld.idx.msk [tilespmem:v58+s2+$0x0], $0xffff  }
0x373: {  	[tilespmem:v5+s31+$0x0] =	vst.idx.add.f32.msk $0xffff, v2  }
0x374: {  	v4 =	vand.u32 $0xFFF, v54;
	v2 =	vld.idx.msk [tilespmem:v51+s2+$0x0], $0xffff  }
0x375: {  	v4 =	vadd.s32 v1, v4;
	v5 =	vld.idx.msk [tilespmem:v55+s2+$0x0], $0xffff;
	v6 =	vand.u32 $0xFFF, v6  }
0x376: {  	v10 =	vld.idx.msk [tilespmem:v59+s2+$0x0], $0xffff;
	v6 =	vadd.s32 v1, v6;
	v3 =	vand.u32 $0xFFF, v3  }
0x377: {  	v11 =	vld.idx.msk [tilespmem:v60+s2+$0x0], $0xffff;
	v7 =	vand.u32 $0xFFF, v7;
	v3 =	vadd.s32 v1, v3  }
0x378: {  	v12 =	vld.idx.msk [tilespmem:v61+s2+$0x0], $0xffff;
	v7 =	vadd.s32 v1, v7;
	v8 =	vand.u32 $0xFFF, v8  }
0x379: {  	v13 =	vld.idx.msk [tilespmem:v62+s2+$0x0], $0xffff;
	v8 =	vadd.s32 v1, v8;
	v9 =	vand.u32 $0xFFF, v9;
	v2 =	vand.u32 $0xFFFFF000, v2  }
0x37a: {  	p1 =	por p0, p0;
	v63 =	vadd.s32 v1, v9;
	[tilespmem:v4+s31+$0x0] =	vst.idx.add.f32.msk $0xffff, v2;
	v2 =	vand.u32 $0xFFFFF000, v5  }
.Ltmp22:
0x37b: {  	[tilespmem:v6+s31+$0x0] =	vst.idx.add.f32.msk $0xffff, v2;
	v2 =	vand.u32 $0xFFFFF000, v10;
	(pc) =	sbr.rel @p1 .LBB2_38-.Ltmp22, $4  }
0x37c: {  	[tilespmem:v3+s31+$0x0] =	vst.idx.add.f32.msk $0xffff, v2;
	v2 =	vand.u32 $0xFFFFF000, v11  }
0x37d: {  	[tilespmem:v7+s31+$0x0] =	vst.idx.add.f32.msk $0xffff, v2;
	v2 =	vand.u32 $0xFFFFF000, v12  }
0x37e: {  	[tilespmem:v8+s31+$0x0] =	vst.idx.add.f32.msk $0xffff, v2;
	v2 =	vand.u32 $0xFFFFF000, v13  }
0x37f: {  	p0 =	por $0x0, $0x0;
	s11 =	simm.s32 $0x800;
	[tilespmem:v63+s31+$0x0] =	vst.idx.add.f32.msk $0xffff, v2  }
.Ltmp23:
0x380: {  	s5 =	sadd.s32 $0x7, s5;
	(pc) =	sbr.rel .LBB2_40-.Ltmp23, $4  }
0x381: {  	p0 =	sge.u32 s5, s17  }
0x382: {  	s5 =	sshll.u32 @!p0 s5, $0xC  }
0x383: {  	s11 =	simm.s32 @!p0 $0x0;
	s14 =	simm.s32 @!p0 $0x19300;
	s5 =	sadd.s32 @!p0 s5, s18  }
0x384: {  	[tilespmem:s14], [sflag:$0x5] =	stream.linear.gather @!p0 [hbm4b:s5+s11], $0x400, $0x38;
	[tilespmem:$0x1F000] =	vst v63  }
.LBB2_41:
0x385: {  	s4 =	simm.s32 $0x0  }
0x386: {  	s5 =	sand.u32 $0x3F0, s4  }
0x387: {  	s11 =	simm.s32 $0x10;
	s4 =	simm.s32 $0x1B000;
	v2 =	vld [tilespmem:s5+$0x1B400]  }
.LBB2_42:
0x388: {  	p0 =	sne.s32 s11, $0x3F0;
	v3 =	vld [tilespmem:s4+$0x0];
	_ =	sdelay $0x1  }
0x389: {  	v4 =	vld [tilespmem:s5+$0x1B800];
	_ =	sdelay $0x1  }
0x38a: {  	v5 =	vld [tilespmem:s5+$0x1BC00]  }
0x38b: {  	v2 =	vadd.f32 v2, v3  }
0x38c: {  	v3 =	vld [tilespmem:s5+$0x1C000]  }
0x38d: {  	v2 =	vadd.f32 v4, v2  }
0x38e: {  	v4 =	vld [tilespmem:s5+$0x1C400]  }
0x38f: {  	v2 =	vadd.f32 v5, v2  }
0x390: {  	v5 =	vld [tilespmem:s5+$0x1C800]  }
0x391: {  	v2 =	vadd.f32 v3, v2  }
0x392: {  	v3 =	vld [tilespmem:s5+$0x1CC00]  }
0x393: {  	v2 =	vadd.f32 v4, v2  }
0x394: {  	v4 =	vld [tilespmem:s5+$0x1D000]  }
0x395: {  	v2 =	vadd.f32 v5, v2  }
0x396: {  	v5 =	vld [tilespmem:s5+$0x1D400]  }
0x397: {  	v2 =	vadd.f32 v3, v2  }
0x398: {  	v3 =	vld [tilespmem:s5+$0x1D800]  }
0x399: {  	v2 =	vadd.f32 v4, v2  }
0x39a: {  	v4 =	vld [tilespmem:s5+$0x1DC00]  }
0x39b: {  	v2 =	vadd.f32 v5, v2  }
0x39c: {  	v5 =	vld [tilespmem:s5+$0x1E000]  }
0x39d: {  	v2 =	vadd.f32 v3, v2  }
0x39e: {  	v3 =	vld [tilespmem:s5+$0x1E400]  }
0x39f: {  	v2 =	vadd.f32 v4, v2  }
0x3a0: {  	v4 =	vld [tilespmem:s5+$0x1E800]  }
0x3a1: {  	v2 =	vadd.f32 v5, v2  }
0x3a2: {  	v5 =	vld [tilespmem:s5+$0x1EC00]  }
0x3a3: {  	v2 =	vadd.f32 v3, v2;
	_ =	sdelay $0x1  }
0x3a4: {  	v2 =	vadd.f32 v4, v2  }
.Ltmp24:
0x3a5: {  	(pc) =	sbr.rel @p0 .LBB2_42-.Ltmp24, $3  }
0x3a6: {  	v2 =	vadd.f32 v5, v2;
	_ =	sdelay $0x1  }
0x3a7: {  	s5 =	sand.u32 $0x3F0, s11;
	[tilespmem:s4+$0x0] =	vst v2  }
0x3a8: {  	s11 =	sadd.s32 $0x10, s11;
	s4 =	sadd.s32 $0x10, s4;
	v2 =	vld [tilespmem:s5+$0x1B400]  }
0x3a9: {  	v3 =	vld [tilespmem:s4+$0x0];
	_ =	sdelay $0x1  }
0x3aa: {  	v4 =	vld [tilespmem:s5+$0x1B800];
	_ =	sdelay $0x1  }
0x3ab: {  	v5 =	vld [tilespmem:s5+$0x1BC00]  }
0x3ac: {  	v2 =	vadd.f32 v2, v3  }
0x3ad: {  	v3 =	vld [tilespmem:s5+$0x1C000]  }
0x3ae: {  	v2 =	vadd.f32 v4, v2  }
0x3af: {  	v56 =	vld [tilespmem:s5+$0x1C400]  }
0x3b0: {  	v2 =	vadd.f32 v5, v2  }
0x3b1: {  	v57 =	vld [tilespmem:s5+$0x1C800]  }
0x3b2: {  	v2 =	vadd.f32 v3, v2  }
0x3b3: {  	v3 =	vld [tilespmem:s5+$0x1CC00]  }
0x3b4: {  	v2 =	vadd.f32 v56, v2  }
0x3b5: {  	v58 =	vld [tilespmem:s5+$0x1D000]  }
0x3b6: {  	v2 =	vadd.f32 v57, v2  }
0x3b7: {  	v59 =	vld [tilespmem:s5+$0x1D400]  }
0x3b8: {  	v2 =	vadd.f32 v3, v2  }
0x3b9: {  	v3 =	vld [tilespmem:s5+$0x1D800]  }
0x3ba: {  	v2 =	vadd.f32 v58, v2  }
0x3bb: {  	v60 =	vld [tilespmem:s5+$0x1DC00]  }
0x3bc: {  	v2 =	vadd.f32 v59, v2  }
0x3bd: {  	v61 =	vld [tilespmem:s5+$0x1E000]  }
0x3be: {  	v2 =	vadd.f32 v3, v2  }
0x3bf: {  	v3 =	vld [tilespmem:s5+$0x1E400]  }
0x3c0: {  	v2 =	vadd.f32 v60, v2  }
0x3c1: {  	v62 =	vld [tilespmem:s5+$0x1E800]  }
0x3c2: {  	v2 =	vadd.f32 v61, v2  }
0x3c3: {  	v63 =	vld [tilespmem:s5+$0x1EC00]  }
0x3c4: {  	v2 =	vadd.f32 v3, v2;
	_ =	sdelay $0x1  }
0x3c5: {  	v2 =	vadd.f32 v62, v2;
	_ =	sdelay $0x1  }
0x3c6: {  	s10 =	sadd.s32 $0x1, s10;
	v2 =	vadd.f32 v63, v2  }
0x3c7: {  	p0 =	sne.s32 s10, s25  }
.Ltmp25:
0x3c8: {  	[tilespmem:s4+$0x0] =	vst v2;
	(pc) =	sbr.rel @p0 .LBB2_1-.Ltmp25, $4  }
0x3c9: {  	[hbm4b:s24+s9] =	stream.strided.scatter [tilespmem:s31], [sflag:$0x6], $0x400, s3, s9, $0x38;
	[tilespmem:$0x1F000] =	vst v63  }
0x3ca: {  	_ =	swait.ge [sflag:s29], $0x400  }
0x3cb: {  	[sflag:s29] =	ssyncset.done $0x0  }
0x3cc: {  	[sflag:s29] =	ssyncadd.s32 $0xFFFFFC00  }
0x3cd: {  	_ =	sfence.sel $0x180000  }
0x3ce: {  	[bflag:$0x0] =	sbarrier.arrive $0xFFFF  }
0x3cf: {  	_ =	strace $0x90000047  }
0x3d0: {  	s0 =	stileid.u32;
	[bflag:$0x2] =	sbarrier.arrive $0xFFFF  }
0x3d1: {  	p0 =	sne.s32 s0, $0x0;
	s0 =	rddreg [dreg:$0x3]  }
0x3d2: {  	s0 =	sadd.s32 @!p0 $0x100000, s0  }
0x3d3: {  	[sflag:s0] =	ssyncadd.tile.s32 @!p0 $0x1;
	_ =	shalt  }
.Lfunc_end2:
_tile_overlayer_lowered:
.L_overlay_start_2:
0x3d4: {  	(tag) =	ssettag $0x2  }
0x3d5: {  	s0 =	rddreg [dreg:$0x0];
	s2 =	stileid.u32  }
0x3d6: {  	s1 =	rddreg [dreg:$0x1];
	p0 =	sne.s32 s2, $0x0  }
0x3d7: {  	s3 =	rddreg [dreg:$0x2];
	[bflag:$0x3] =	sbarrier.arrive $0xFFFF;
	s2 =	simm.s32 @!p0 $0x1C06  }
0x3d8: {  	[timem:s3], [sflag:s2] =	dma.local @!p0 [hbm:s0], s1  }
0x3d9: {  	s0 =	simm.s32 @!p0 $0x6  }
0x3da: {  	_ =	swait.ge @!p0 [sflag:s0], s1  }
0x3db: {  	s1 =	ssub.s32 @!p0 $0x0, s1;
	[sflag:s0] =	ssyncset.done @!p0 $0x0  }
0x3dc: {  	[sflag:s0] =	ssyncadd.s32 @!p0 s1  }
0x3dd: {  	[bflag:$0x3] =	sbarrier.arrive $0xFFFF  }
0x3de: {  	_ =	shalt  }

</sc_bundles>
